<compile_context>
chip_gen: v7x
topology: tpu7x:2x2x1
jax: 0.10.2.dev20260603
libtpu: 0.0.44.dev20260713+nightly
codegen_flags: <defaults>
</compile_context>

<pallas_src>
import dataclasses

import jax
import jax.numpy as jnp
import numpy as np
from jax import lax
from jax.experimental import pallas as pl
from jax.experimental.pallas import tpu as pltpu
from jax.experimental.pallas import tpu_sc as plsc

N_LEVELS = 16
LOG2_3D = 15
LOG2_4D = 19
V3 = 1 << LOG2_3D
V4 = 1 << LOG2_4D
MASK3 = np.int32(V3 - 1)
MASK4 = np.int32(V4 - 1)
P1 = np.uint32(2654435761).astype(np.int32)
P2 = np.uint32(805459861).astype(np.int32)
P3 = np.uint32(3674653429).astype(np.int32)

_B_SP = np.exp((np.log(512.0) - np.log(16.0)) / (N_LEVELS - 1))
_B_T = np.exp((np.log(32.0) - np.log(2.0)) / (N_LEVELS - 1))
RES_S = [float(np.floor(16.0 * _B_SP ** l)) for l in range(N_LEVELS)]
RES_T = [float(np.floor(2.0 * _B_T ** l)) for l in range(N_LEVELS)]

_CONST_ROWS = []
for _l in range(N_LEVELS):
    _gs = np.float32(1.0) / np.float32(RES_S[_l])
    _gt = np.float32(1.0) / np.float32(RES_T[_l])
    _CONST_ROWS.append(np.full(16, np.float32(1.0) / _gs, np.float32))
    _CONST_ROWS.append(np.full(16, np.float32(1.0) / _gt, np.float32))
CONSTS_NP = np.concatenate(_CONST_ROWS)

NW = 32
C = 512
VPC = C // 16


def _sc_body(xT, t4, t3, cf_hbm, out_hbm, keep_hbm,
             cf, xcha, xchb, wb, i4a, i4b, i3a, i3b, r4a, r4b,
             tab3, ov, kv, s4a, s4b):
    nc = 2
    wid = lax.axis_index("s") * nc + lax.axis_index("c")
    chunks_per_w = (xT.shape[1] // NW) // C
    xchs = (xcha, xchb)
    i4s = (i4a, i4b)
    i3s = (i3a, i3b)
    r4s = (r4a, r4b)
    sems4 = (s4a, s4b)

    pltpu.sync_copy(cf_hbm, cf)

    @pl.loop(0, chunks_per_w)
    def _keep_chunk(ch):
        base = (wid * chunks_per_w + ch) * C
        pltpu.sync_copy(xT.at[:, pl.ds(base, C)], xcha)

        @pl.loop(0, VPC)
        def _keep(v):
            sl = pl.ds(v * 16, 16)
            ok = None
            for d in range(4):
                xd = xcha[d, sl]
                okd = (xd >= 0.0) & (xd <= 1.0)
                ok = okd if ok is None else (ok & okd)
            kv[sl] = jnp.where(ok, 1, 0).astype(jnp.int32)

        pltpu.sync_copy(kv, keep_hbm.at[pl.ds(base, C)])

    @pl.loop(0, N_LEVELS)
    def _level(lvl):
        pltpu.sync_copy(t3.at[pl.ds(lvl * V3, V3)], tab3)
        inv_s = cf[pl.ds(lvl * 32, 16)]
        inv_t = cf[pl.ds(lvl * 32 + 16, 16)]
        off4 = lvl << LOG2_4D

        def load_x(ch, p):
            base = (wid * chunks_per_w + ch) * C
            pltpu.sync_copy(xT.at[:, pl.ds(base, C)], xchs[p])

        def stage_a(p):
            xch = xchs[p]

            @pl.loop(0, VPC)
            def _idx(v):
                sl = pl.ds(v * 16, 16)
                x0 = xch[0, sl]
                x1 = xch[1, sl]
                x2 = xch[2, sl]
                x3 = xch[3, sl]
                bl = []
                for d, (xd, inv) in enumerate(
                        ((x0, inv_s), (x1, inv_s), (x2, inv_s), (x3, inv_t))):
                    xc = jnp.minimum(jnp.maximum(xd, 0.0), 1.0)
                    bli = (xc * inv).astype(jnp.int32)
                    wd = xd * inv - bli.astype(jnp.float32)
                    wb[p, pl.ds(d * C + v * 16, 16)] = wd
                    bl.append(bli)
                m0a = bl[0]
                m0b = m0a + 1
                m1a = bl[1] * P1
                m1b = m1a + P1
                m2a = bl[2] * P2
                m2b = m2a + P2
                m3a = bl[3] * P3
                m3b = m3a + P3
                uu = [m0a ^ m1a, m0a ^ m1b, m0b ^ m1a, m0b ^ m1b]
                vv = [m2a ^ m3a, m2a ^ m3b, m2b ^ m3a, m2b ^ m3b]
                for c in range(16):
                    h = (uu[c >> 2] ^ vv[c & 3]) & MASK4
                    i4s[p][pl.ds(c * C + v * 16, 16)] = h + off4
                for c in range(8):
                    m2 = m2a if (c & 1) == 0 else m2b
                    h = (uu[c >> 1] ^ m2) & MASK3
                    i3s[p][pl.ds(c * C + v * 16, 16)] = h

        def fire(p):
            pltpu.async_copy(t4.at[i4s[p]], r4s[p], sems4[p])

        def drain(p):
            pltpu.make_async_copy(t4.at[i4s[p]], r4s[p], sems4[p]).wait()

        def unpack(ve):
            f0 = lax.bitcast_convert_type(ve << 16, jnp.float32)
            f1 = lax.bitcast_convert_type(ve & jnp.int32(-65536), jnp.float32)
            return f0, f1

        def stage_b(ch, p):
            @pl.loop(0, VPC)
            def _interp(v):
                w = [wb[p, pl.ds(d * C + v * 16, 16)] for d in range(4)]
                omw = [1.0 - wd for wd in w]
                e0, e1 = [], []
                for c in range(16):
                    f0, f1 = unpack(r4s[p][pl.ds(c * C + v * 16, 16)])
                    e0.append(f0)
                    e1.append(f1)
                for d in range(4):
                    half = len(e0) // 2
                    e0 = [e0[c] * omw[d] + e0[c + half] * w[d]
                          for c in range(half)]
                    e1 = [e1[c] * omw[d] + e1[c + half] * w[d]
                          for c in range(half)]
                e4v0, e4v1 = e0[0], e1[0]
                e0, e1 = [], []
                for c in range(8):
                    iv = i3s[p][pl.ds(c * C + v * 16, 16)]
                    f0, f1 = unpack(plsc.load_gather(tab3, [iv]))
                    e0.append(f0)
                    e1.append(f1)
                for d in range(3):
                    half = len(e0) // 2
                    e0 = [e0[c] * omw[d] + e0[c + half] * w[d]
                          for c in range(half)]
                    e1 = [e1[c] * omw[d] + e1[c + half] * w[d]
                          for c in range(half)]
                ov[0, pl.ds(v * 16, 16)] = e4v0 + e0[0]
                ov[1, pl.ds(v * 16, 16)] = e4v1 + e1[0]

            g = wid * chunks_per_w + ch
            pltpu.sync_copy(ov, out_hbm.at[pl.ds(g * 32 + 2 * lvl, 2), :])

        load_x(0, 0)
        stage_a(0)
        fire(0)

        @pl.loop(0, chunks_per_w // 2)
        def _chunks(j):
            ch0 = 2 * j
            ch1 = ch0 + 1
            load_x(ch1, 1)
            stage_a(1)
            fire(1)
            drain(0)
            stage_b(ch0, 0)

            @pl.when(j < chunks_per_w // 2 - 1)
            def _prefetch():
                load_x(ch0 + 2, 0)
                stage_a(0)
                fire(0)

            drain(1)
            stage_b(ch1, 1)


@jax.jit
def _run(xT, t4, t3, cf):
    B = xT.shape[1]
    mesh = plsc.VectorSubcoreMesh(core_axis_name="c", subcore_axis_name="s")
    cp = pltpu.CompilerParams()
    if "needs_layout_passes" in pltpu.CompilerParams.__dataclass_fields__:
        cp = dataclasses.replace(cp, needs_layout_passes=False)
    f = pl.kernel(
        _sc_body,
        compiler_params=cp,
        out_type=(
            jax.ShapeDtypeStruct((B // C * 32, C), jnp.float32),
            jax.ShapeDtypeStruct((B,), jnp.int32),
        ),
        mesh=mesh,
        scratch_types=[
            pltpu.VMEM((512,), jnp.float32),
            pltpu.VMEM((4, C), jnp.float32),
            pltpu.VMEM((4, C), jnp.float32),
            pltpu.VMEM((2, 4 * C), jnp.float32),
            pltpu.VMEM((16 * C,), jnp.int32),
            pltpu.VMEM((16 * C,), jnp.int32),
            pltpu.VMEM((8 * C,), jnp.int32),
            pltpu.VMEM((8 * C,), jnp.int32),
            pltpu.VMEM((16 * C,), jnp.int32),
            pltpu.VMEM((16 * C,), jnp.int32),
            pltpu.VMEM((V3,), jnp.int32),
            pltpu.VMEM((2, C), jnp.float32),
            pltpu.VMEM((C,), jnp.int32),
            pltpu.SemaphoreType.DMA,
            pltpu.SemaphoreType.DMA,
        ],
    )
    return f(xT, t4, t3, cf)


def kernel(x, emb4d_tables, emb3d_tables):
    B = x.shape[0]
    xT = x.T
    eye2 = jnp.eye(2, dtype=jnp.float32)

    def _pack(tbl, vlen):
        tp = jnp.einsum("lvf,fg->lgv", tbl, eye2,
                        precision=lax.Precision.HIGHEST)
        b0 = lax.bitcast_convert_type(
            tp[:, 0, :].astype(jnp.bfloat16), jnp.uint16).astype(jnp.uint32)
        b1 = lax.bitcast_convert_type(
            tp[:, 1, :].astype(jnp.bfloat16), jnp.uint16).astype(jnp.uint32)
        packed = b0 | (b1 << 16)
        return lax.bitcast_convert_type(packed, jnp.int32).reshape(
            N_LEVELS * vlen)

    t4 = _pack(emb4d_tables, V4)
    t3 = _pack(emb3d_tables, V3)
    cf = jnp.asarray(CONSTS_NP)
    out_flat, keep_i = _run(xT, t4, t3, cf)
    out3 = out_flat.reshape(B // C, 32, C)
    eye = jnp.eye(32, dtype=jnp.float32)
    out = jnp.einsum("gwc,wv->gcv", out3, eye,
                     precision=lax.Precision.HIGHEST).reshape(B, 32)
    return out, keep_i != 0

# --- scband reference (transcript-rebuilt; emitter-appended) ---
"""Pipeline reference for scband-double-hash-embedder-40716289966787 (READ-ONLY COPY).

The authoritative reference and input builder live on the scoring server;
editing this copy changes nothing except your own understanding.
"""

import jax, jax.numpy as jnp
import numpy as np

N_LEVELS = 16
F = 2
LOG2_3D = 15
LOG2_4D = 19
BASE_RES = 16.0
FINEST_RES = 512.0
BASE_RES_T = 2.0
FINEST_RES_T = 32.0
B_SP = np.exp((np.log(FINEST_RES) - np.log(BASE_RES)) / (N_LEVELS - 1))
B_T = np.exp((np.log(FINEST_RES_T) - np.log(BASE_RES_T)) / (N_LEVELS - 1))
BOX_MIN = jnp.zeros(4, dtype=jnp.float32)
BOX_MAX = jnp.ones(4, dtype=jnp.float32)
PRIMES = [1, 2654435761, 805459861, 3674653429]
OFF3 = jnp.array([[i, j, k] for i in (0, 1) for j in (0, 1) for k in (0, 1)], dtype=jnp.int32)
OFF4 = jnp.array([[i, j, k, l] for i in (0, 1) for j in (0, 1) for k in (0, 1) for l in (0, 1)], dtype=jnp.int32)


def _hash(coords, log2_size):
    # XOR of coord*prime per dim, masked to table size (uint32 wraparound matches
    # the low bits of the torch int64 computation, and only low bits survive the mask)
    u = coords.astype(jnp.uint32)
    r = jnp.zeros(u.shape[:-1], dtype=jnp.uint32)
    for i in range(coords.shape[-1]):
        r = r ^ (u[..., i] * jnp.uint32(PRIMES[i]))
    mask = jnp.uint32((1 << log2_size) - 1)
    return (r & mask).astype(jnp.int32)


def _interp(x, vmin, vmax, emb, dims):
    # emb: [B, 2**dims, F]; fold one dim at a time (matches tri/quadrilinear_interp ordering)
    w = (x - vmin) / (vmax - vmin)
    cur = emb
    for d in range(dims):
        half = cur.shape[1] // 2
        wd = w[:, d][:, None, None]
        cur = cur[:, :half] * (1.0 - wd) + cur[:, half:] * wd
    return cur[:, 0]


def _level(x, table, grid, off, log2_size, bmin, bmax):
    xc = jnp.clip(x, bmin, bmax)
    bl = jnp.floor((xc - bmin) / grid).astype(jnp.int32)
    vmin = bl.astype(jnp.float32) * grid + bmin
    vmax = vmin + grid
    idx = bl[:, None, :] + off[None, :, :]
    h = _hash(idx, log2_size)
    emb = table[h]
    return _interp(x, vmin, vmax, emb, x.shape[-1])


def _forward(x, emb4d_tables, emb3d_tables):
    x3 = x[:, :3]
    outs4 = []
    outs3 = []
    for lvl in range(N_LEVELS):
        res_s = float(np.floor(BASE_RES * B_SP ** lvl))
        res_t = float(np.floor(BASE_RES_T * B_T ** lvl))
        grid4 = jnp.concatenate([(BOX_MAX[:3] - BOX_MIN[:3]) / res_s, (BOX_MAX[3:] - BOX_MIN[3:]) / res_t])
        grid3 = (BOX_MAX[:3] - BOX_MIN[:3]) / res_s
        outs4.append(_level(x, emb4d_tables[lvl], grid4, OFF4, LOG2_4D, BOX_MIN, BOX_MAX))
        outs3.append(_level(x3, emb3d_tables[lvl], grid3, OFF3, LOG2_3D, BOX_MIN[:3], BOX_MAX[:3]))
    e4 = jnp.concatenate(outs4, axis=-1)
    e3 = jnp.concatenate(outs3, axis=-1)
    return e4 + e3  # modus='add'


def setup_inputs(seed: int = 0) -> dict:
    key = jax.random.key(seed)
    k1, k2, k3 = jax.random.split(key, 3)
    B = 262144
    x = jax.random.uniform(k1, (B, 4), dtype=jnp.float32)
    emb4d_tables = (jax.random.uniform(k2, (N_LEVELS, 2 ** LOG2_4D, F), dtype=jnp.float32) * 2.0 - 1.0) * 1e-4
    emb3d_tables = (jax.random.uniform(k3, (N_LEVELS, 2 ** LOG2_3D, F), dtype=jnp.float32) * 2.0 - 1.0) * 1e-4
    return {"x": x, "emb4d_tables": emb4d_tables, "emb3d_tables": emb3d_tables}


def reference(x, emb4d_tables, emb3d_tables):
    out = _forward(x, emb4d_tables, emb3d_tables)
    keep4 = jnp.sum(x == jnp.clip(x, BOX_MIN, BOX_MAX), axis=-1) == 4
    keep3 = jnp.sum(x[:, :3] == jnp.clip(x[:, :3], BOX_MIN[:3], BOX_MAX[:3]), axis=-1) == 3
    keep_mask = jnp.logical_and(keep4, keep3)
    return out, keep_mask

if __name__ == "__main__":
    import jax
    _d = setup_inputs()
    print(jax.jit(kernel)(*tuple(_d.values())))

</pallas_src>

<mosaic_0001>
#map = affine_map<(d0, d1) -> (0, 0)>
#map1 = affine_map<(d0, d1) -> (0)>
module attributes {stable_mosaic.version = 14 : i64} {
  func.func @_sc_body(%arg0: i32, %arg1: i32, %arg2: memref<4x262144xf32, #tpu.memory_space<hbm>>, %arg3: memref<8388608xi32, #tpu.memory_space<hbm>>, %arg4: memref<524288xi32, #tpu.memory_space<hbm>>, %arg5: memref<512xf32, #tpu.memory_space<hbm>>, %arg6: memref<16384x512xf32, #tpu.memory_space<hbm>>, %arg7: memref<262144xi32, #tpu.memory_space<hbm>>, %arg8: memref<512xf32, #tpu.memory_space<vmem>>, %arg9: memref<4x512xf32, #tpu.memory_space<vmem>>, %arg10: memref<4x512xf32, #tpu.memory_space<vmem>>, %arg11: memref<2x2048xf32, #tpu.memory_space<vmem>>, %arg12: memref<8192xi32, #tpu.memory_space<vmem>>, %arg13: memref<8192xi32, #tpu.memory_space<vmem>>, %arg14: memref<4096xi32, #tpu.memory_space<vmem>>, %arg15: memref<4096xi32, #tpu.memory_space<vmem>>, %arg16: memref<8192xi32, #tpu.memory_space<vmem>>, %arg17: memref<8192xi32, #tpu.memory_space<vmem>>, %arg18: memref<32768xi32, #tpu.memory_space<vmem>>, %arg19: memref<2x512xf32, #tpu.memory_space<vmem>>, %arg20: memref<512xi32, #tpu.memory_space<vmem>>, %arg21: memref<!tpu.dma_semaphore, #tpu.memory_space<semaphore_mem>>, %arg22: memref<!tpu.dma_semaphore, #tpu.memory_space<semaphore_mem>>) attributes {dimension_semantics = [#tpu.dimension_semantics<core_parallel>, #tpu.dimension_semantics<subcore_parallel>], iteration_bounds = array<i64: 2, 16>, scalar_prefetch = 0 : i64, scratch_operands = 15 : i64, tpu.core_type = #tpu.core_type<sc_vector_subcore>, window_params = [{transform_indices = #map}, {transform_indices = #map1}, {transform_indices = #map1}, {transform_indices = #map1}, {transform_indices = #map}, {transform_indices = #map1}]} {
    %mul3A = arith.constant 2 : i32
    %mul3A_0 = arith.muli %arg1, %mul3A : i32
    %add3A = arith.addi %mul3A_0, %arg0 : i32
    "tpu.region"() ({
      %run_scoped3A = tpu.sem_alloc : memref<!tpu.dma_semaphore, #tpu.memory_space<semaphore_mem>>
      tpu.enqueue_dma source(%arg5 : memref<512xf32, #tpu.memory_space<hbm>>) target(%arg8 : memref<512xf32, #tpu.memory_space<vmem>>) target_semaphore(%run_scoped3A : memref<!tpu.dma_semaphore, #tpu.memory_space<semaphore_mem>>)
      tpu.wait_dma2 semaphore(%run_scoped3A : memref<!tpu.dma_semaphore, #tpu.memory_space<semaphore_mem>>) src(%arg5 : memref<512xf32, #tpu.memory_space<hbm>>) dst(%arg8 : memref<512xf32, #tpu.memory_space<vmem>>)
      tpu.yield
    }) : () -> ()
    %scan3A = arith.constant 0 : i32
    %scan3A_1 = arith.constant 16 : i32
    %scan3A_2 = arith.addi %scan3A, %scan3A_1 : i32
    %scan3A_3 = arith.constant 1 : i32
    scf.for %scan3A_10 = %scan3A to %scan3A_2 step %scan3A_3  : i32 {
      %mul3A_11 = arith.constant 1 : i32
      %mul3A_12 = arith.muli %scan3A_10, %mul3A_11 : i32
      %add3A_13 = arith.constant 0 : i32
      %add3A_14 = arith.addi %add3A_13, %mul3A_12 : i32
      %mul3A_15 = arith.constant 16 : i32
      %mul3A_16 = arith.muli %add3A, %mul3A_15 : i32
      %add3A_17 = arith.addi %mul3A_16, %add3A_14 : i32
      %mul3A_18 = arith.constant 512 : i32
      %mul3A_19 = arith.muli %add3A_17, %mul3A_18 : i32
      "tpu.region"() ({
        %run_scoped3A = tpu.sem_alloc : memref<!tpu.dma_semaphore, #tpu.memory_space<semaphore_mem>>
        %dma_start3A = arith.constant 0 : i32
        %dma_start3A_25 = tpu.memref_slice %arg2[%dma_start3A, %mul3A_19] : memref<4x262144xf32, #tpu.memory_space<hbm>> -> memref<4x512xf32, #tpu.memory_space<hbm>>
        %dma_start3A_26 = arith.constant 0 : i32
        %dma_start3A_27 = tpu.memref_slice %arg2[%dma_start3A_26, %mul3A_19] : memref<4x262144xf32, #tpu.memory_space<hbm>> -> memref<4x512xf32, #tpu.memory_space<hbm>>
        tpu.enqueue_dma source(%dma_start3A_27 : memref<4x512xf32, #tpu.memory_space<hbm>>) target(%arg9 : memref<4x512xf32, #tpu.memory_space<vmem>>) target_semaphore(%run_scoped3A : memref<!tpu.dma_semaphore, #tpu.memory_space<semaphore_mem>>)
        %dma_wait3A = arith.constant 0 : i32
        %dma_wait3A_28 = tpu.memref_slice %arg2[%dma_wait3A, %mul3A_19] : memref<4x262144xf32, #tpu.memory_space<hbm>> -> memref<4x512xf32, #tpu.memory_space<hbm>>
        %dma_wait3A_29 = arith.constant 0 : i32
        %dma_wait3A_30 = tpu.memref_slice %arg2[%dma_wait3A_29, %mul3A_19] : memref<4x262144xf32, #tpu.memory_space<hbm>> -> memref<4x512xf32, #tpu.memory_space<hbm>>
        tpu.wait_dma2 semaphore(%run_scoped3A : memref<!tpu.dma_semaphore, #tpu.memory_space<semaphore_mem>>) src(%dma_wait3A_30 : memref<4x512xf32, #tpu.memory_space<hbm>>) dst(%arg9 : memref<4x512xf32, #tpu.memory_space<vmem>>)
        tpu.yield
      }) : () -> ()
      %scan3A_20 = arith.constant 0 : i32
      %scan3A_21 = arith.constant 32 : i32
      %scan3A_22 = arith.addi %scan3A_20, %scan3A_21 : i32
      %scan3A_23 = arith.constant 1 : i32
      scf.for %scan3A_25 = %scan3A_20 to %scan3A_22 step %scan3A_23  : i32 {
        %mul3A_26 = arith.constant 1 : i32
        %mul3A_27 = arith.muli %scan3A_25, %mul3A_26 : i32
        %add3A_28 = arith.constant 0 : i32
        %add3A_29 = arith.addi %add3A_28, %mul3A_27 : i32
        %mul3A_30 = arith.constant 16 : i32
        %mul3A_31 = arith.muli %add3A_29, %mul3A_30 : i32
        %get3A = arith.constant 0 : i32
        %get3A_32 = arith.index_cast %get3A : i32 to index
        %get3A_33 = arith.index_cast %mul3A_31 : i32 to index
        %get3A_34 = tpu.vector_load %arg9[%get3A_32, %get3A_33] {strides = array<i32>} : memref<4x512xf32, #tpu.memory_space<vmem>>, vector<16xf32>,
        %ge3A = arith.constant 0.000000e+00 : f32
        %ge3A_35 = vector.broadcast %ge3A : f32 to vector<16xf32>
        %ge3A_36 = arith.cmpf oge, %get3A_34, %ge3A_35 : vector<16xf32>
        %le3A = arith.constant 1.000000e+00 : f32
        %le3A_37 = vector.broadcast %le3A : f32 to vector<16xf32>
        %le3A_38 = arith.cmpf ole, %get3A_34, %le3A_37 : vector<16xf32>
        %and3A = arith.andi %ge3A_36, %le3A_38 : vector<16xi1>
        %get3A_39 = arith.constant 1 : i32
        %get3A_40 = arith.index_cast %get3A_39 : i32 to index
        %get3A_41 = arith.index_cast %mul3A_31 : i32 to index
        %get3A_42 = tpu.vector_load %arg9[%get3A_40, %get3A_41] {strides = array<i32>} : memref<4x512xf32, #tpu.memory_space<vmem>>, vector<16xf32>,
        %ge3A_43 = arith.constant 0.000000e+00 : f32
        %ge3A_44 = vector.broadcast %ge3A_43 : f32 to vector<16xf32>
        %ge3A_45 = arith.cmpf oge, %get3A_42, %ge3A_44 : vector<16xf32>
        %le3A_46 = arith.constant 1.000000e+00 : f32
        %le3A_47 = vector.broadcast %le3A_46 : f32 to vector<16xf32>
        %le3A_48 = arith.cmpf ole, %get3A_42, %le3A_47 : vector<16xf32>
        %and3A_49 = arith.andi %ge3A_45, %le3A_48 : vector<16xi1>
        %and3A_50 = arith.andi %and3A, %and3A_49 : vector<16xi1>
        %get3A_51 = arith.constant 2 : i32
        %get3A_52 = arith.index_cast %get3A_51 : i32 to index
        %get3A_53 = arith.index_cast %mul3A_31 : i32 to index
        %get3A_54 = tpu.vector_load %arg9[%get3A_52, %get3A_53] {strides = array<i32>} : memref<4x512xf32, #tpu.memory_space<vmem>>, vector<16xf32>,
        %ge3A_55 = arith.constant 0.000000e+00 : f32
        %ge3A_56 = vector.broadcast %ge3A_55 : f32 to vector<16xf32>
        %ge3A_57 = arith.cmpf oge, %get3A_54, %ge3A_56 : vector<16xf32>
        %le3A_58 = arith.constant 1.000000e+00 : f32
        %le3A_59 = vector.broadcast %le3A_58 : f32 to vector<16xf32>
        %le3A_60 = arith.cmpf ole, %get3A_54, %le3A_59 : vector<16xf32>
        %and3A_61 = arith.andi %ge3A_57, %le3A_60 : vector<16xi1>
        %and3A_62 = arith.andi %and3A_50, %and3A_61 : vector<16xi1>
        %get3A_63 = arith.constant 3 : i32
        %get3A_64 = arith.index_cast %get3A_63 : i32 to index
        %get3A_65 = arith.index_cast %mul3A_31 : i32 to index
        %get3A_66 = tpu.vector_load %arg9[%get3A_64, %get3A_65] {strides = array<i32>} : memref<4x512xf32, #tpu.memory_space<vmem>>, vector<16xf32>,
        %ge3A_67 = arith.constant 0.000000e+00 : f32
        %ge3A_68 = vector.broadcast %ge3A_67 : f32 to vector<16xf32>
        %ge3A_69 = arith.cmpf oge, %get3A_66, %ge3A_68 : vector<16xf32>
        %le3A_70 = arith.constant 1.000000e+00 : f32
        %le3A_71 = vector.broadcast %le3A_70 : f32 to vector<16xf32>
        %le3A_72 = arith.cmpf ole, %get3A_66, %le3A_71 : vector<16xf32>
        %and3A_73 = arith.andi %ge3A_69, %le3A_72 : vector<16xi1>
        %and3A_74 = arith.andi %and3A_62, %and3A_73 : vector<16xi1>
        %jit3A = arith.constant 1 : i32
        %jit3A_75 = arith.constant 0 : i32
        %broadcast_in_dim3A = vector.broadcast %jit3A : i32 to vector<16xi32>
        %broadcast_in_dim3A_76 = vector.broadcast %jit3A_75 : i32 to vector<16xi32>
        %select_n3A = arith.select %and3A_74, %broadcast_in_dim3A, %broadcast_in_dim3A_76 : vector<16xi1>, vector<16xi32>
        %swap3A = arith.index_cast %mul3A_31 : i32 to index
        %swap3A_77 = tpu.vector_load %arg20[%swap3A] {strides = array<i32>} : memref<512xi32, #tpu.memory_space<vmem>>, vector<16xi32>,
        tpu.vector_store %arg20[%swap3A], %select_n3A {strides = array<i32>} : memref<512xi32, #tpu.memory_space<vmem>>, vector<16xi32>,
      }
      %scan3A_24 = arith.constant 32 : i32
      "tpu.region"() ({
        %run_scoped3A = tpu.sem_alloc : memref<!tpu.dma_semaphore, #tpu.memory_space<semaphore_mem>>
        %dma_start3A = tpu.memref_slice %arg7[%mul3A_19] : memref<262144xi32, #tpu.memory_space<hbm>> -> memref<512xi32, #tpu.memory_space<hbm>>
        %dma_start3A_25 = tpu.memref_slice %arg7[%mul3A_19] : memref<262144xi32, #tpu.memory_space<hbm>> -> memref<512xi32, #tpu.memory_space<hbm>>
        tpu.enqueue_dma source(%arg20 : memref<512xi32, #tpu.memory_space<vmem>>) target(%dma_start3A_25 : memref<512xi32, #tpu.memory_space<hbm>>) target_semaphore(%run_scoped3A : memref<!tpu.dma_semaphore, #tpu.memory_space<semaphore_mem>>)
        %dma_wait3A = tpu.memref_slice %arg7[%mul3A_19] : memref<262144xi32, #tpu.memory_space<hbm>> -> memref<512xi32, #tpu.memory_space<hbm>>
        %dma_wait3A_26 = tpu.memref_slice %arg7[%mul3A_19] : memref<262144xi32, #tpu.memory_space<hbm>> -> memref<512xi32, #tpu.memory_space<hbm>>
        tpu.wait_dma2 semaphore(%run_scoped3A : memref<!tpu.dma_semaphore, #tpu.memory_space<semaphore_mem>>) src(%arg20 : memref<512xi32, #tpu.memory_space<vmem>>) dst(%dma_wait3A_26 : memref<512xi32, #tpu.memory_space<hbm>>)
        tpu.yield
      }) : () -> ()
    }
    %scan3A_4 = arith.constant 16 : i32
    %scan3A_5 = arith.constant 0 : i32
    %scan3A_6 = arith.constant 16 : i32
    %scan3A_7 = arith.addi %scan3A_5, %scan3A_6 : i32
    %scan3A_8 = arith.constant 1 : i32
    scf.for %scan3A_10 = %scan3A_5 to %scan3A_7 step %scan3A_8  : i32 {
      %mul3A_11 = arith.constant 1 : i32
      %mul3A_12 = arith.muli %scan3A_10, %mul3A_11 : i32
      %add3A_13 = arith.constant 0 : i32
      %add3A_14 = arith.addi %add3A_13, %mul3A_12 : i32
      %mul3A_15 = arith.constant 32768 : i32
      %mul3A_16 = arith.muli %add3A_14, %mul3A_15 : i32
      "tpu.region"() ({
        %run_scoped3A = tpu.sem_alloc : memref<!tpu.dma_semaphore, #tpu.memory_space<semaphore_mem>>
        %dma_start3A_44 = tpu.memref_slice %arg4[%mul3A_16] : memref<524288xi32, #tpu.memory_space<hbm>> -> memref<32768xi32, #tpu.memory_space<hbm>>
        %dma_start3A_45 = tpu.memref_slice %arg4[%mul3A_16] : memref<524288xi32, #tpu.memory_space<hbm>> -> memref<32768xi32, #tpu.memory_space<hbm>>
        tpu.enqueue_dma source(%dma_start3A_45 : memref<32768xi32, #tpu.memory_space<hbm>>) target(%arg18 : memref<32768xi32, #tpu.memory_space<vmem>>) target_semaphore(%run_scoped3A : memref<!tpu.dma_semaphore, #tpu.memory_space<semaphore_mem>>)
        %dma_wait3A = tpu.memref_slice %arg4[%mul3A_16] : memref<524288xi32, #tpu.memory_space<hbm>> -> memref<32768xi32, #tpu.memory_space<hbm>>
        %dma_wait3A_46 = tpu.memref_slice %arg4[%mul3A_16] : memref<524288xi32, #tpu.memory_space<hbm>> -> memref<32768xi32, #tpu.memory_space<hbm>>
        tpu.wait_dma2 semaphore(%run_scoped3A : memref<!tpu.dma_semaphore, #tpu.memory_space<semaphore_mem>>) src(%dma_wait3A_46 : memref<32768xi32, #tpu.memory_space<hbm>>) dst(%arg18 : memref<32768xi32, #tpu.memory_space<vmem>>)
        tpu.yield
      }) : () -> ()
      %mul3A_17 = arith.constant 32 : i32
      %mul3A_18 = arith.muli %add3A_14, %mul3A_17 : i32
      %get3A = arith.index_cast %mul3A_18 : i32 to index
      %get3A_19 = tpu.vector_load %arg8[%get3A] {strides = array<i32>} : memref<512xf32, #tpu.memory_space<vmem>>, vector<16xf32>,
      %mul3A_20 = arith.constant 32 : i32
      %mul3A_21 = arith.muli %add3A_14, %mul3A_20 : i32
      %add3A_22 = arith.constant 16 : i32
      %add3A_23 = arith.addi %mul3A_21, %add3A_22 : i32
      %get3A_24 = arith.index_cast %add3A_23 : i32 to index
      %get3A_25 = tpu.vector_load %arg8[%get3A_24] {strides = array<i32>} : memref<512xf32, #tpu.memory_space<vmem>>, vector<16xf32>,
      %shift_left3A = arith.constant 19 : i32
      %shift_left3A_26 = arith.shli %add3A_14, %shift_left3A : i32
      %mul3A_27 = arith.constant 16 : i32
      %mul3A_28 = arith.muli %add3A, %mul3A_27 : i32
      %add3A_29 = arith.constant 0 : i32
      %add3A_30 = arith.addi %mul3A_28, %add3A_29 : i32
      %mul3A_31 = arith.constant 512 : i32
      %mul3A_32 = arith.muli %add3A_30, %mul3A_31 : i32
      "tpu.region"() ({
        %run_scoped3A = tpu.sem_alloc : memref<!tpu.dma_semaphore, #tpu.memory_space<semaphore_mem>>
        %dma_start3A_44 = arith.constant 0 : i32
        %dma_start3A_45 = tpu.memref_slice %arg2[%dma_start3A_44, %mul3A_32] : memref<4x262144xf32, #tpu.memory_space<hbm>> -> memref<4x512xf32, #tpu.memory_space<hbm>>
        %dma_start3A_46 = arith.constant 0 : i32
        %dma_start3A_47 = tpu.memref_slice %arg2[%dma_start3A_46, %mul3A_32] : memref<4x262144xf32, #tpu.memory_space<hbm>> -> memref<4x512xf32, #tpu.memory_space<hbm>>
        tpu.enqueue_dma source(%dma_start3A_47 : memref<4x512xf32, #tpu.memory_space<hbm>>) target(%arg9 : memref<4x512xf32, #tpu.memory_space<vmem>>) target_semaphore(%run_scoped3A : memref<!tpu.dma_semaphore, #tpu.memory_space<semaphore_mem>>)
        %dma_wait3A = arith.constant 0 : i32
        %dma_wait3A_48 = tpu.memref_slice %arg2[%dma_wait3A, %mul3A_32] : memref<4x262144xf32, #tpu.memory_space<hbm>> -> memref<4x512xf32, #tpu.memory_space<hbm>>
        %dma_wait3A_49 = arith.constant 0 : i32
        %dma_wait3A_50 = tpu.memref_slice %arg2[%dma_wait3A_49, %mul3A_32] : memref<4x262144xf32, #tpu.memory_space<hbm>> -> memref<4x512xf32, #tpu.memory_space<hbm>>
        tpu.wait_dma2 semaphore(%run_scoped3A : memref<!tpu.dma_semaphore, #tpu.memory_space<semaphore_mem>>) src(%dma_wait3A_50 : memref<4x512xf32, #tpu.memory_space<hbm>>) dst(%arg9 : memref<4x512xf32, #tpu.memory_space<vmem>>)
        tpu.yield
      }) : () -> ()
      %scan3A_33 = arith.constant 0 : i32
      %scan3A_34 = arith.constant 32 : i32
      %scan3A_35 = arith.addi %scan3A_33, %scan3A_34 : i32
      %scan3A_36 = arith.constant 1 : i32
      scf.for %scan3A_44 = %scan3A_33 to %scan3A_35 step %scan3A_36  : i32 {
        %mul3A_45 = arith.constant 1 : i32
        %mul3A_46 = arith.muli %scan3A_44, %mul3A_45 : i32
        %add3A_47 = arith.constant 0 : i32
        %add3A_48 = arith.addi %add3A_47, %mul3A_46 : i32
        %mul3A_49 = arith.constant 16 : i32
        %mul3A_50 = arith.muli %add3A_48, %mul3A_49 : i32
        %get3A_51 = arith.constant 0 : i32
        %get3A_52 = arith.index_cast %get3A_51 : i32 to index
        %get3A_53 = arith.index_cast %mul3A_50 : i32 to index
        %get3A_54 = tpu.vector_load %arg9[%get3A_52, %get3A_53] {strides = array<i32>} : memref<4x512xf32, #tpu.memory_space<vmem>>, vector<16xf32>,
        %get3A_55 = arith.constant 1 : i32
        %get3A_56 = arith.index_cast %get3A_55 : i32 to index
        %get3A_57 = arith.index_cast %mul3A_50 : i32 to index
        %get3A_58 = tpu.vector_load %arg9[%get3A_56, %get3A_57] {strides = array<i32>} : memref<4x512xf32, #tpu.memory_space<vmem>>, vector<16xf32>,
        %get3A_59 = arith.constant 2 : i32
        %get3A_60 = arith.index_cast %get3A_59 : i32 to index
        %get3A_61 = arith.index_cast %mul3A_50 : i32 to index
        %get3A_62 = tpu.vector_load %arg9[%get3A_60, %get3A_61] {strides = array<i32>} : memref<4x512xf32, #tpu.memory_space<vmem>>, vector<16xf32>,
        %get3A_63 = arith.constant 3 : i32
        %get3A_64 = arith.index_cast %get3A_63 : i32 to index
        %get3A_65 = arith.index_cast %mul3A_50 : i32 to index
        %get3A_66 = tpu.vector_load %arg9[%get3A_64, %get3A_65] {strides = array<i32>} : memref<4x512xf32, #tpu.memory_space<vmem>>, vector<16xf32>,
        %max3A = arith.constant 0.000000e+00 : f32
        %max3A_67 = vector.broadcast %max3A : f32 to vector<16xf32>
        %max3A_68 = arith.maximumf %get3A_54, %max3A_67 : vector<16xf32>
        %min3A = arith.constant 1.000000e+00 : f32
        %min3A_69 = vector.broadcast %min3A : f32 to vector<16xf32>
        %min3A_70 = arith.minimumf %max3A_68, %min3A_69 : vector<16xf32>
        %mul3A_71 = arith.mulf %min3A_70, %get3A_19 : vector<16xf32>
        %convert_element_type3A = arith.fptosi %mul3A_71 : vector<16xf32> to vector<16xi32>
        %mul3A_72 = arith.mulf %get3A_54, %get3A_19 : vector<16xf32>
        %convert_element_type3A_73 = arith.sitofp %convert_element_type3A : vector<16xi32> to vector<16xf32>
        %sub3A = arith.subf %mul3A_72, %convert_element_type3A_73 : vector<16xf32>
        %mul3A_74 = arith.constant 16 : i32
        %mul3A_75 = arith.muli %add3A_48, %mul3A_74 : i32
        %add3A_76 = arith.constant 0 : i32
        %add3A_77 = arith.addi %add3A_76, %mul3A_75 : i32
        %swap3A = arith.constant 0 : i32
        %swap3A_78 = arith.index_cast %swap3A : i32 to index
        %swap3A_79 = arith.index_cast %add3A_77 : i32 to index
        %swap3A_80 = tpu.vector_load %arg11[%swap3A_78, %swap3A_79] {strides = array<i32>} : memref<2x2048xf32, #tpu.memory_space<vmem>>, vector<16xf32>,
        tpu.vector_store %arg11[%swap3A_78, %swap3A_79], %sub3A {strides = array<i32>} : memref<2x2048xf32, #tpu.memory_space<vmem>>, vector<16xf32>,
        %max3A_81 = arith.constant 0.000000e+00 : f32
        %max3A_82 = vector.broadcast %max3A_81 : f32 to vector<16xf32>
        %max3A_83 = arith.maximumf %get3A_58, %max3A_82 : vector<16xf32>
        %min3A_84 = arith.constant 1.000000e+00 : f32
        %min3A_85 = vector.broadcast %min3A_84 : f32 to vector<16xf32>
        %min3A_86 = arith.minimumf %max3A_83, %min3A_85 : vector<16xf32>
        %mul3A_87 = arith.mulf %min3A_86, %get3A_19 : vector<16xf32>
        %convert_element_type3A_88 = arith.fptosi %mul3A_87 : vector<16xf32> to vector<16xi32>
        %mul3A_89 = arith.mulf %get3A_58, %get3A_19 : vector<16xf32>
        %convert_element_type3A_90 = arith.sitofp %convert_element_type3A_88 : vector<16xi32> to vector<16xf32>
        %sub3A_91 = arith.subf %mul3A_89, %convert_element_type3A_90 : vector<16xf32>
        %mul3A_92 = arith.constant 16 : i32
        %mul3A_93 = arith.muli %add3A_48, %mul3A_92 : i32
        %add3A_94 = arith.constant 512 : i32
        %add3A_95 = arith.addi %add3A_94, %mul3A_93 : i32
        %swap3A_96 = arith.constant 0 : i32
        %swap3A_97 = arith.index_cast %swap3A_96 : i32 to index
        %swap3A_98 = arith.index_cast %add3A_95 : i32 to index
        %swap3A_99 = tpu.vector_load %arg11[%swap3A_97, %swap3A_98] {strides = array<i32>} : memref<2x2048xf32, #tpu.memory_space<vmem>>, vector<16xf32>,
        tpu.vector_store %arg11[%swap3A_97, %swap3A_98], %sub3A_91 {strides = array<i32>} : memref<2x2048xf32, #tpu.memory_space<vmem>>, vector<16xf32>,
        %max3A_100 = arith.constant 0.000000e+00 : f32
        %max3A_101 = vector.broadcast %max3A_100 : f32 to vector<16xf32>
        %max3A_102 = arith.maximumf %get3A_62, %max3A_101 : vector<16xf32>
        %min3A_103 = arith.constant 1.000000e+00 : f32
        %min3A_104 = vector.broadcast %min3A_103 : f32 to vector<16xf32>
        %min3A_105 = arith.minimumf %max3A_102, %min3A_104 : vector<16xf32>
        %mul3A_106 = arith.mulf %min3A_105, %get3A_19 : vector<16xf32>
        %convert_element_type3A_107 = arith.fptosi %mul3A_106 : vector<16xf32> to vector<16xi32>
        %mul3A_108 = arith.mulf %get3A_62, %get3A_19 : vector<16xf32>
        %convert_element_type3A_109 = arith.sitofp %convert_element_type3A_107 : vector<16xi32> to vector<16xf32>
        %sub3A_110 = arith.subf %mul3A_108, %convert_element_type3A_109 : vector<16xf32>
        %mul3A_111 = arith.constant 16 : i32
        %mul3A_112 = arith.muli %add3A_48, %mul3A_111 : i32
        %add3A_113 = arith.constant 1024 : i32
        %add3A_114 = arith.addi %add3A_113, %mul3A_112 : i32
        %swap3A_115 = arith.constant 0 : i32
        %swap3A_116 = arith.index_cast %swap3A_115 : i32 to index
        %swap3A_117 = arith.index_cast %add3A_114 : i32 to index
        %swap3A_118 = tpu.vector_load %arg11[%swap3A_116, %swap3A_117] {strides = array<i32>} : memref<2x2048xf32, #tpu.memory_space<vmem>>, vector<16xf32>,
        tpu.vector_store %arg11[%swap3A_116, %swap3A_117], %sub3A_110 {strides = array<i32>} : memref<2x2048xf32, #tpu.memory_space<vmem>>, vector<16xf32>,
        %max3A_119 = arith.constant 0.000000e+00 : f32
        %max3A_120 = vector.broadcast %max3A_119 : f32 to vector<16xf32>
        %max3A_121 = arith.maximumf %get3A_66, %max3A_120 : vector<16xf32>
        %min3A_122 = arith.constant 1.000000e+00 : f32
        %min3A_123 = vector.broadcast %min3A_122 : f32 to vector<16xf32>
        %min3A_124 = arith.minimumf %max3A_121, %min3A_123 : vector<16xf32>
        %mul3A_125 = arith.mulf %min3A_124, %get3A_25 : vector<16xf32>
        %convert_element_type3A_126 = arith.fptosi %mul3A_125 : vector<16xf32> to vector<16xi32>
        %mul3A_127 = arith.mulf %get3A_66, %get3A_25 : vector<16xf32>
        %convert_element_type3A_128 = arith.sitofp %convert_element_type3A_126 : vector<16xi32> to vector<16xf32>
        %sub3A_129 = arith.subf %mul3A_127, %convert_element_type3A_128 : vector<16xf32>
        %mul3A_130 = arith.constant 16 : i32
        %mul3A_131 = arith.muli %add3A_48, %mul3A_130 : i32
        %add3A_132 = arith.constant 1536 : i32
        %add3A_133 = arith.addi %add3A_132, %mul3A_131 : i32
        %swap3A_134 = arith.constant 0 : i32
        %swap3A_135 = arith.index_cast %swap3A_134 : i32 to index
        %swap3A_136 = arith.index_cast %add3A_133 : i32 to index
        %swap3A_137 = tpu.vector_load %arg11[%swap3A_135, %swap3A_136] {strides = array<i32>} : memref<2x2048xf32, #tpu.memory_space<vmem>>, vector<16xf32>,
        tpu.vector_store %arg11[%swap3A_135, %swap3A_136], %sub3A_129 {strides = array<i32>} : memref<2x2048xf32, #tpu.memory_space<vmem>>, vector<16xf32>,
        %add3A_138 = arith.constant 1 : i32
        %add3A_139 = vector.broadcast %add3A_138 : i32 to vector<16xi32>
        %add3A_140 = arith.addi %convert_element_type3A, %add3A_139 : vector<16xi32>
        %mul3A_141 = arith.constant -1640531535 : i32
        %mul3A_142 = vector.broadcast %mul3A_141 : i32 to vector<16xi32>
        %mul3A_143 = arith.muli %convert_element_type3A_88, %mul3A_142 : vector<16xi32>
        %add3A_144 = arith.constant -1640531535 : i32
        %add3A_145 = vector.broadcast %add3A_144 : i32 to vector<16xi32>
        %add3A_146 = arith.addi %mul3A_143, %add3A_145 : vector<16xi32>
        %mul3A_147 = arith.constant 805459861 : i32
        %mul3A_148 = vector.broadcast %mul3A_147 : i32 to vector<16xi32>
        %mul3A_149 = arith.muli %convert_element_type3A_107, %mul3A_148 : vector<16xi32>
        %add3A_150 = arith.constant 805459861 : i32
        %add3A_151 = vector.broadcast %add3A_150 : i32 to vector<16xi32>
        %add3A_152 = arith.addi %mul3A_149, %add3A_151 : vector<16xi32>
        %mul3A_153 = arith.constant -620313867 : i32
        %mul3A_154 = vector.broadcast %mul3A_153 : i32 to vector<16xi32>
        %mul3A_155 = arith.muli %convert_element_type3A_126, %mul3A_154 : vector<16xi32>
        %add3A_156 = arith.constant -620313867 : i32
        %add3A_157 = vector.broadcast %add3A_156 : i32 to vector<16xi32>
        %add3A_158 = arith.addi %mul3A_155, %add3A_157 : vector<16xi32>
        %xor3A = arith.xori %convert_element_type3A, %mul3A_143 : vector<16xi32>
        %xor3A_159 = arith.xori %convert_element_type3A, %add3A_146 : vector<16xi32>
        %xor3A_160 = arith.xori %add3A_140, %mul3A_143 : vector<16xi32>
        %xor3A_161 = arith.xori %add3A_140, %add3A_146 : vector<16xi32>
        %xor3A_162 = arith.xori %mul3A_149, %mul3A_155 : vector<16xi32>
        %xor3A_163 = arith.xori %mul3A_149, %add3A_158 : vector<16xi32>
        %xor3A_164 = arith.xori %add3A_152, %mul3A_155 : vector<16xi32>
        %xor3A_165 = arith.xori %add3A_152, %add3A_158 : vector<16xi32>
        %xor3A_166 = arith.xori %xor3A, %xor3A_162 : vector<16xi32>
        %and3A = arith.constant 524287 : i32
        %and3A_167 = vector.broadcast %and3A : i32 to vector<16xi32>
        %and3A_168 = arith.andi %xor3A_166, %and3A_167 : vector<16xi32>
        %add3A_169 = vector.broadcast %shift_left3A_26 : i32 to vector<16xi32>
        %add3A_170 = arith.addi %and3A_168, %add3A_169 : vector<16xi32>
        %mul3A_171 = arith.constant 16 : i32
        %mul3A_172 = arith.muli %add3A_48, %mul3A_171 : i32
        %add3A_173 = arith.constant 0 : i32
        %add3A_174 = arith.addi %add3A_173, %mul3A_172 : i32
        %swap3A_175 = arith.index_cast %add3A_174 : i32 to index
        %swap3A_176 = tpu.vector_load %arg12[%swap3A_175] {strides = array<i32>} : memref<8192xi32, #tpu.memory_space<vmem>>, vector<16xi32>,
        tpu.vector_store %arg12[%swap3A_175], %add3A_170 {strides = array<i32>} : memref<8192xi32, #tpu.memory_space<vmem>>, vector<16xi32>,
        %xor3A_177 = arith.xori %xor3A, %xor3A_163 : vector<16xi32>
        %and3A_178 = arith.constant 524287 : i32
        %and3A_179 = vector.broadcast %and3A_178 : i32 to vector<16xi32>
        %and3A_180 = arith.andi %xor3A_177, %and3A_179 : vector<16xi32>
        %add3A_181 = vector.broadcast %shift_left3A_26 : i32 to vector<16xi32>
        %add3A_182 = arith.addi %and3A_180, %add3A_181 : vector<16xi32>
        %mul3A_183 = arith.constant 16 : i32
        %mul3A_184 = arith.muli %add3A_48, %mul3A_183 : i32
        %add3A_185 = arith.constant 512 : i32
        %add3A_186 = arith.addi %add3A_185, %mul3A_184 : i32
        %swap3A_187 = arith.index_cast %add3A_186 : i32 to index
        %swap3A_188 = tpu.vector_load %arg12[%swap3A_187] {strides = array<i32>} : memref<8192xi32, #tpu.memory_space<vmem>>, vector<16xi32>,
        tpu.vector_store %arg12[%swap3A_187], %add3A_182 {strides = array<i32>} : memref<8192xi32, #tpu.memory_space<vmem>>, vector<16xi32>,
        %xor3A_189 = arith.xori %xor3A, %xor3A_164 : vector<16xi32>
        %and3A_190 = arith.constant 524287 : i32
        %and3A_191 = vector.broadcast %and3A_190 : i32 to vector<16xi32>
        %and3A_192 = arith.andi %xor3A_189, %and3A_191 : vector<16xi32>
        %add3A_193 = vector.broadcast %shift_left3A_26 : i32 to vector<16xi32>
        %add3A_194 = arith.addi %and3A_192, %add3A_193 : vector<16xi32>
        %mul3A_195 = arith.constant 16 : i32
        %mul3A_196 = arith.muli %add3A_48, %mul3A_195 : i32
        %add3A_197 = arith.constant 1024 : i32
        %add3A_198 = arith.addi %add3A_197, %mul3A_196 : i32
        %swap3A_199 = arith.index_cast %add3A_198 : i32 to index
        %swap3A_200 = tpu.vector_load %arg12[%swap3A_199] {strides = array<i32>} : memref<8192xi32, #tpu.memory_space<vmem>>, vector<16xi32>,
        tpu.vector_store %arg12[%swap3A_199], %add3A_194 {strides = array<i32>} : memref<8192xi32, #tpu.memory_space<vmem>>, vector<16xi32>,
        %xor3A_201 = arith.xori %xor3A, %xor3A_165 : vector<16xi32>
        %and3A_202 = arith.constant 524287 : i32
        %and3A_203 = vector.broadcast %and3A_202 : i32 to vector<16xi32>
        %and3A_204 = arith.andi %xor3A_201, %and3A_203 : vector<16xi32>
        %add3A_205 = vector.broadcast %shift_left3A_26 : i32 to vector<16xi32>
        %add3A_206 = arith.addi %and3A_204, %add3A_205 : vector<16xi32>
        %mul3A_207 = arith.constant 16 : i32
        %mul3A_208 = arith.muli %add3A_48, %mul3A_207 : i32
        %add3A_209 = arith.constant 1536 : i32
        %add3A_210 = arith.addi %add3A_209, %mul3A_208 : i32
        %swap3A_211 = arith.index_cast %add3A_210 : i32 to index
        %swap3A_212 = tpu.vector_load %arg12[%swap3A_211] {strides = array<i32>} : memref<8192xi32, #tpu.memory_space<vmem>>, vector<16xi32>,
        tpu.vector_store %arg12[%swap3A_211], %add3A_206 {strides = array<i32>} : memref<8192xi32, #tpu.memory_space<vmem>>, vector<16xi32>,
        %xor3A_213 = arith.xori %xor3A_159, %xor3A_162 : vector<16xi32>
        %and3A_214 = arith.constant 524287 : i32
        %and3A_215 = vector.broadcast %and3A_214 : i32 to vector<16xi32>
        %and3A_216 = arith.andi %xor3A_213, %and3A_215 : vector<16xi32>
        %add3A_217 = vector.broadcast %shift_left3A_26 : i32 to vector<16xi32>
        %add3A_218 = arith.addi %and3A_216, %add3A_217 : vector<16xi32>
        %mul3A_219 = arith.constant 16 : i32
        %mul3A_220 = arith.muli %add3A_48, %mul3A_219 : i32
        %add3A_221 = arith.constant 2048 : i32
        %add3A_222 = arith.addi %add3A_221, %mul3A_220 : i32
        %swap3A_223 = arith.index_cast %add3A_222 : i32 to index
        %swap3A_224 = tpu.vector_load %arg12[%swap3A_223] {strides = array<i32>} : memref<8192xi32, #tpu.memory_space<vmem>>, vector<16xi32>,
        tpu.vector_store %arg12[%swap3A_223], %add3A_218 {strides = array<i32>} : memref<8192xi32, #tpu.memory_space<vmem>>, vector<16xi32>,
        %xor3A_225 = arith.xori %xor3A_159, %xor3A_163 : vector<16xi32>
        %and3A_226 = arith.constant 524287 : i32
        %and3A_227 = vector.broadcast %and3A_226 : i32 to vector<16xi32>
        %and3A_228 = arith.andi %xor3A_225, %and3A_227 : vector<16xi32>
        %add3A_229 = vector.broadcast %shift_left3A_26 : i32 to vector<16xi32>
        %add3A_230 = arith.addi %and3A_228, %add3A_229 : vector<16xi32>
        %mul3A_231 = arith.constant 16 : i32
        %mul3A_232 = arith.muli %add3A_48, %mul3A_231 : i32
        %add3A_233 = arith.constant 2560 : i32
        %add3A_234 = arith.addi %add3A_233, %mul3A_232 : i32
        %swap3A_235 = arith.index_cast %add3A_234 : i32 to index
        %swap3A_236 = tpu.vector_load %arg12[%swap3A_235] {strides = array<i32>} : memref<8192xi32, #tpu.memory_space<vmem>>, vector<16xi32>,
        tpu.vector_store %arg12[%swap3A_235], %add3A_230 {strides = array<i32>} : memref<8192xi32, #tpu.memory_space<vmem>>, vector<16xi32>,
        %xor3A_237 = arith.xori %xor3A_159, %xor3A_164 : vector<16xi32>
        %and3A_238 = arith.constant 524287 : i32
        %and3A_239 = vector.broadcast %and3A_238 : i32 to vector<16xi32>
        %and3A_240 = arith.andi %xor3A_237, %and3A_239 : vector<16xi32>
        %add3A_241 = vector.broadcast %shift_left3A_26 : i32 to vector<16xi32>
        %add3A_242 = arith.addi %and3A_240, %add3A_241 : vector<16xi32>
        %mul3A_243 = arith.constant 16 : i32
        %mul3A_244 = arith.muli %add3A_48, %mul3A_243 : i32
        %add3A_245 = arith.constant 3072 : i32
        %add3A_246 = arith.addi %add3A_245, %mul3A_244 : i32
        %swap3A_247 = arith.index_cast %add3A_246 : i32 to index
        %swap3A_248 = tpu.vector_load %arg12[%swap3A_247] {strides = array<i32>} : memref<8192xi32, #tpu.memory_space<vmem>>, vector<16xi32>,
        tpu.vector_store %arg12[%swap3A_247], %add3A_242 {strides = array<i32>} : memref<8192xi32, #tpu.memory_space<vmem>>, vector<16xi32>,
        %xor3A_249 = arith.xori %xor3A_159, %xor3A_165 : vector<16xi32>
        %and3A_250 = arith.constant 524287 : i32
        %and3A_251 = vector.broadcast %and3A_250 : i32 to vector<16xi32>
        %and3A_252 = arith.andi %xor3A_249, %and3A_251 : vector<16xi32>
        %add3A_253 = vector.broadcast %shift_left3A_26 : i32 to vector<16xi32>
        %add3A_254 = arith.addi %and3A_252, %add3A_253 : vector<16xi32>
        %mul3A_255 = arith.constant 16 : i32
        %mul3A_256 = arith.muli %add3A_48, %mul3A_255 : i32
        %add3A_257 = arith.constant 3584 : i32
        %add3A_258 = arith.addi %add3A_257, %mul3A_256 : i32
        %swap3A_259 = arith.index_cast %add3A_258 : i32 to index
        %swap3A_260 = tpu.vector_load %arg12[%swap3A_259] {strides = array<i32>} : memref<8192xi32, #tpu.memory_space<vmem>>, vector<16xi32>,
        tpu.vector_store %arg12[%swap3A_259], %add3A_254 {strides = array<i32>} : memref<8192xi32, #tpu.memory_space<vmem>>, vector<16xi32>,
        %xor3A_261 = arith.xori %xor3A_160, %xor3A_162 : vector<16xi32>
        %and3A_262 = arith.constant 524287 : i32
        %and3A_263 = vector.broadcast %and3A_262 : i32 to vector<16xi32>
        %and3A_264 = arith.andi %xor3A_261, %and3A_263 : vector<16xi32>
        %add3A_265 = vector.broadcast %shift_left3A_26 : i32 to vector<16xi32>
        %add3A_266 = arith.addi %and3A_264, %add3A_265 : vector<16xi32>
        %mul3A_267 = arith.constant 16 : i32
        %mul3A_268 = arith.muli %add3A_48, %mul3A_267 : i32
        %add3A_269 = arith.constant 4096 : i32
        %add3A_270 = arith.addi %add3A_269, %mul3A_268 : i32
        %swap3A_271 = arith.index_cast %add3A_270 : i32 to index
        %swap3A_272 = tpu.vector_load %arg12[%swap3A_271] {strides = array<i32>} : memref<8192xi32, #tpu.memory_space<vmem>>, vector<16xi32>,
        tpu.vector_store %arg12[%swap3A_271], %add3A_266 {strides = array<i32>} : memref<8192xi32, #tpu.memory_space<vmem>>, vector<16xi32>,
        %xor3A_273 = arith.xori %xor3A_160, %xor3A_163 : vector<16xi32>
        %and3A_274 = arith.constant 524287 : i32
        %and3A_275 = vector.broadcast %and3A_274 : i32 to vector<16xi32>
        %and3A_276 = arith.andi %xor3A_273, %and3A_275 : vector<16xi32>
        %add3A_277 = vector.broadcast %shift_left3A_26 : i32 to vector<16xi32>
        %add3A_278 = arith.addi %and3A_276, %add3A_277 : vector<16xi32>
        %mul3A_279 = arith.constant 16 : i32
        %mul3A_280 = arith.muli %add3A_48, %mul3A_279 : i32
        %add3A_281 = arith.constant 4608 : i32
        %add3A_282 = arith.addi %add3A_281, %mul3A_280 : i32
        %swap3A_283 = arith.index_cast %add3A_282 : i32 to index
        %swap3A_284 = tpu.vector_load %arg12[%swap3A_283] {strides = array<i32>} : memref<8192xi32, #tpu.memory_space<vmem>>, vector<16xi32>,
        tpu.vector_store %arg12[%swap3A_283], %add3A_278 {strides = array<i32>} : memref<8192xi32, #tpu.memory_space<vmem>>, vector<16xi32>,
        %xor3A_285 = arith.xori %xor3A_160, %xor3A_164 : vector<16xi32>
        %and3A_286 = arith.constant 524287 : i32
        %and3A_287 = vector.broadcast %and3A_286 : i32 to vector<16xi32>
        %and3A_288 = arith.andi %xor3A_285, %and3A_287 : vector<16xi32>
        %add3A_289 = vector.broadcast %shift_left3A_26 : i32 to vector<16xi32>
        %add3A_290 = arith.addi %and3A_288, %add3A_289 : vector<16xi32>
        %mul3A_291 = arith.constant 16 : i32
        %mul3A_292 = arith.muli %add3A_48, %mul3A_291 : i32
        %add3A_293 = arith.constant 5120 : i32
        %add3A_294 = arith.addi %add3A_293, %mul3A_292 : i32
        %swap3A_295 = arith.index_cast %add3A_294 : i32 to index
        %swap3A_296 = tpu.vector_load %arg12[%swap3A_295] {strides = array<i32>} : memref<8192xi32, #tpu.memory_space<vmem>>, vector<16xi32>,
        tpu.vector_store %arg12[%swap3A_295], %add3A_290 {strides = array<i32>} : memref<8192xi32, #tpu.memory_space<vmem>>, vector<16xi32>,
        %xor3A_297 = arith.xori %xor3A_160, %xor3A_165 : vector<16xi32>
        %and3A_298 = arith.constant 524287 : i32
        %and3A_299 = vector.broadcast %and3A_298 : i32 to vector<16xi32>
        %and3A_300 = arith.andi %xor3A_297, %and3A_299 : vector<16xi32>
        %add3A_301 = vector.broadcast %shift_left3A_26 : i32 to vector<16xi32>
        %add3A_302 = arith.addi %and3A_300, %add3A_301 : vector<16xi32>
        %mul3A_303 = arith.constant 16 : i32
        %mul3A_304 = arith.muli %add3A_48, %mul3A_303 : i32
        %add3A_305 = arith.constant 5632 : i32
        %add3A_306 = arith.addi %add3A_305, %mul3A_304 : i32
        %swap3A_307 = arith.index_cast %add3A_306 : i32 to index
        %swap3A_308 = tpu.vector_load %arg12[%swap3A_307] {strides = array<i32>} : memref<8192xi32, #tpu.memory_space<vmem>>, vector<16xi32>,
        tpu.vector_store %arg12[%swap3A_307], %add3A_302 {strides = array<i32>} : memref<8192xi32, #tpu.memory_space<vmem>>, vector<16xi32>,
        %xor3A_309 = arith.xori %xor3A_161, %xor3A_162 : vector<16xi32>
        %and3A_310 = arith.constant 524287 : i32
        %and3A_311 = vector.broadcast %and3A_310 : i32 to vector<16xi32>
        %and3A_312 = arith.andi %xor3A_309, %and3A_311 : vector<16xi32>
        %add3A_313 = vector.broadcast %shift_left3A_26 : i32 to vector<16xi32>
        %add3A_314 = arith.addi %and3A_312, %add3A_313 : vector<16xi32>
        %mul3A_315 = arith.constant 16 : i32
        %mul3A_316 = arith.muli %add3A_48, %mul3A_315 : i32
        %add3A_317 = arith.constant 6144 : i32
        %add3A_318 = arith.addi %add3A_317, %mul3A_316 : i32
        %swap3A_319 = arith.index_cast %add3A_318 : i32 to index
        %swap3A_320 = tpu.vector_load %arg12[%swap3A_319] {strides = array<i32>} : memref<8192xi32, #tpu.memory_space<vmem>>, vector<16xi32>,
        tpu.vector_store %arg12[%swap3A_319], %add3A_314 {strides = array<i32>} : memref<8192xi32, #tpu.memory_space<vmem>>, vector<16xi32>,
        %xor3A_321 = arith.xori %xor3A_161, %xor3A_163 : vector<16xi32>
        %and3A_322 = arith.constant 524287 : i32
        %and3A_323 = vector.broadcast %and3A_322 : i32 to vector<16xi32>
        %and3A_324 = arith.andi %xor3A_321, %and3A_323 : vector<16xi32>
        %add3A_325 = vector.broadcast %shift_left3A_26 : i32 to vector<16xi32>
        %add3A_326 = arith.addi %and3A_324, %add3A_325 : vector<16xi32>
        %mul3A_327 = arith.constant 16 : i32
        %mul3A_328 = arith.muli %add3A_48, %mul3A_327 : i32
        %add3A_329 = arith.constant 6656 : i32
        %add3A_330 = arith.addi %add3A_329, %mul3A_328 : i32
        %swap3A_331 = arith.index_cast %add3A_330 : i32 to index
        %swap3A_332 = tpu.vector_load %arg12[%swap3A_331] {strides = array<i32>} : memref<8192xi32, #tpu.memory_space<vmem>>, vector<16xi32>,
        tpu.vector_store %arg12[%swap3A_331], %add3A_326 {strides = array<i32>} : memref<8192xi32, #tpu.memory_space<vmem>>, vector<16xi32>,
        %xor3A_333 = arith.xori %xor3A_161, %xor3A_164 : vector<16xi32>
        %and3A_334 = arith.constant 524287 : i32
        %and3A_335 = vector.broadcast %and3A_334 : i32 to vector<16xi32>
        %and3A_336 = arith.andi %xor3A_333, %and3A_335 : vector<16xi32>
        %add3A_337 = vector.broadcast %shift_left3A_26 : i32 to vector<16xi32>
        %add3A_338 = arith.addi %and3A_336, %add3A_337 : vector<16xi32>
        %mul3A_339 = arith.constant 16 : i32
        %mul3A_340 = arith.muli %add3A_48, %mul3A_339 : i32
        %add3A_341 = arith.constant 7168 : i32
        %add3A_342 = arith.addi %add3A_341, %mul3A_340 : i32
        %swap3A_343 = arith.index_cast %add3A_342 : i32 to index
        %swap3A_344 = tpu.vector_load %arg12[%swap3A_343] {strides = array<i32>} : memref<8192xi32, #tpu.memory_space<vmem>>, vector<16xi32>,
        tpu.vector_store %arg12[%swap3A_343], %add3A_338 {strides = array<i32>} : memref<8192xi32, #tpu.memory_space<vmem>>, vector<16xi32>,
        %xor3A_345 = arith.xori %xor3A_161, %xor3A_165 : vector<16xi32>
        %and3A_346 = arith.constant 524287 : i32
        %and3A_347 = vector.broadcast %and3A_346 : i32 to vector<16xi32>
        %and3A_348 = arith.andi %xor3A_345, %and3A_347 : vector<16xi32>
        %add3A_349 = vector.broadcast %shift_left3A_26 : i32 to vector<16xi32>
        %add3A_350 = arith.addi %and3A_348, %add3A_349 : vector<16xi32>
        %mul3A_351 = arith.constant 16 : i32
        %mul3A_352 = arith.muli %add3A_48, %mul3A_351 : i32
        %add3A_353 = arith.constant 7680 : i32
        %add3A_354 = arith.addi %add3A_353, %mul3A_352 : i32
        %swap3A_355 = arith.index_cast %add3A_354 : i32 to index
        %swap3A_356 = tpu.vector_load %arg12[%swap3A_355] {strides = array<i32>} : memref<8192xi32, #tpu.memory_space<vmem>>, vector<16xi32>,
        tpu.vector_store %arg12[%swap3A_355], %add3A_350 {strides = array<i32>} : memref<8192xi32, #tpu.memory_space<vmem>>, vector<16xi32>,
        %xor3A_357 = arith.xori %xor3A, %mul3A_149 : vector<16xi32>
        %and3A_358 = arith.constant 32767 : i32
        %and3A_359 = vector.broadcast %and3A_358 : i32 to vector<16xi32>
        %and3A_360 = arith.andi %xor3A_357, %and3A_359 : vector<16xi32>
        %mul3A_361 = arith.constant 16 : i32
        %mul3A_362 = arith.muli %add3A_48, %mul3A_361 : i32
        %add3A_363 = arith.constant 0 : i32
        %add3A_364 = arith.addi %add3A_363, %mul3A_362 : i32
        %swap3A_365 = arith.index_cast %add3A_364 : i32 to index
        %swap3A_366 = tpu.vector_load %arg14[%swap3A_365] {strides = array<i32>} : memref<4096xi32, #tpu.memory_space<vmem>>, vector<16xi32>,
        tpu.vector_store %arg14[%swap3A_365], %and3A_360 {strides = array<i32>} : memref<4096xi32, #tpu.memory_space<vmem>>, vector<16xi32>,
        %xor3A_367 = arith.xori %xor3A, %add3A_152 : vector<16xi32>
        %and3A_368 = arith.constant 32767 : i32
        %and3A_369 = vector.broadcast %and3A_368 : i32 to vector<16xi32>
        %and3A_370 = arith.andi %xor3A_367, %and3A_369 : vector<16xi32>
        %mul3A_371 = arith.constant 16 : i32
        %mul3A_372 = arith.muli %add3A_48, %mul3A_371 : i32
        %add3A_373 = arith.constant 512 : i32
        %add3A_374 = arith.addi %add3A_373, %mul3A_372 : i32
        %swap3A_375 = arith.index_cast %add3A_374 : i32 to index
        %swap3A_376 = tpu.vector_load %arg14[%swap3A_375] {strides = array<i32>} : memref<4096xi32, #tpu.memory_space<vmem>>, vector<16xi32>,
        tpu.vector_store %arg14[%swap3A_375], %and3A_370 {strides = array<i32>} : memref<4096xi32, #tpu.memory_space<vmem>>, vector<16xi32>,
        %xor3A_377 = arith.xori %xor3A_159, %mul3A_149 : vector<16xi32>
        %and3A_378 = arith.constant 32767 : i32
        %and3A_379 = vector.broadcast %and3A_378 : i32 to vector<16xi32>
        %and3A_380 = arith.andi %xor3A_377, %and3A_379 : vector<16xi32>
        %mul3A_381 = arith.constant 16 : i32
        %mul3A_382 = arith.muli %add3A_48, %mul3A_381 : i32
        %add3A_383 = arith.constant 1024 : i32
        %add3A_384 = arith.addi %add3A_383, %mul3A_382 : i32
        %swap3A_385 = arith.index_cast %add3A_384 : i32 to index
        %swap3A_386 = tpu.vector_load %arg14[%swap3A_385] {strides = array<i32>} : memref<4096xi32, #tpu.memory_space<vmem>>, vector<16xi32>,
        tpu.vector_store %arg14[%swap3A_385], %and3A_380 {strides = array<i32>} : memref<4096xi32, #tpu.memory_space<vmem>>, vector<16xi32>,
        %xor3A_387 = arith.xori %xor3A_159, %add3A_152 : vector<16xi32>
        %and3A_388 = arith.constant 32767 : i32
        %and3A_389 = vector.broadcast %and3A_388 : i32 to vector<16xi32>
        %and3A_390 = arith.andi %xor3A_387, %and3A_389 : vector<16xi32>
        %mul3A_391 = arith.constant 16 : i32
        %mul3A_392 = arith.muli %add3A_48, %mul3A_391 : i32
        %add3A_393 = arith.constant 1536 : i32
        %add3A_394 = arith.addi %add3A_393, %mul3A_392 : i32
        %swap3A_395 = arith.index_cast %add3A_394 : i32 to index
        %swap3A_396 = tpu.vector_load %arg14[%swap3A_395] {strides = array<i32>} : memref<4096xi32, #tpu.memory_space<vmem>>, vector<16xi32>,
        tpu.vector_store %arg14[%swap3A_395], %and3A_390 {strides = array<i32>} : memref<4096xi32, #tpu.memory_space<vmem>>, vector<16xi32>,
        %xor3A_397 = arith.xori %xor3A_160, %mul3A_149 : vector<16xi32>
        %and3A_398 = arith.constant 32767 : i32
        %and3A_399 = vector.broadcast %and3A_398 : i32 to vector<16xi32>
        %and3A_400 = arith.andi %xor3A_397, %and3A_399 : vector<16xi32>
        %mul3A_401 = arith.constant 16 : i32
        %mul3A_402 = arith.muli %add3A_48, %mul3A_401 : i32
        %add3A_403 = arith.constant 2048 : i32
        %add3A_404 = arith.addi %add3A_403, %mul3A_402 : i32
        %swap3A_405 = arith.index_cast %add3A_404 : i32 to index
        %swap3A_406 = tpu.vector_load %arg14[%swap3A_405] {strides = array<i32>} : memref<4096xi32, #tpu.memory_space<vmem>>, vector<16xi32>,
        tpu.vector_store %arg14[%swap3A_405], %and3A_400 {strides = array<i32>} : memref<4096xi32, #tpu.memory_space<vmem>>, vector<16xi32>,
        %xor3A_407 = arith.xori %xor3A_160, %add3A_152 : vector<16xi32>
        %and3A_408 = arith.constant 32767 : i32
        %and3A_409 = vector.broadcast %and3A_408 : i32 to vector<16xi32>
        %and3A_410 = arith.andi %xor3A_407, %and3A_409 : vector<16xi32>
        %mul3A_411 = arith.constant 16 : i32
        %mul3A_412 = arith.muli %add3A_48, %mul3A_411 : i32
        %add3A_413 = arith.constant 2560 : i32
        %add3A_414 = arith.addi %add3A_413, %mul3A_412 : i32
        %swap3A_415 = arith.index_cast %add3A_414 : i32 to index
        %swap3A_416 = tpu.vector_load %arg14[%swap3A_415] {strides = array<i32>} : memref<4096xi32, #tpu.memory_space<vmem>>, vector<16xi32>,
        tpu.vector_store %arg14[%swap3A_415], %and3A_410 {strides = array<i32>} : memref<4096xi32, #tpu.memory_space<vmem>>, vector<16xi32>,
        %xor3A_417 = arith.xori %xor3A_161, %mul3A_149 : vector<16xi32>
        %and3A_418 = arith.constant 32767 : i32
        %and3A_419 = vector.broadcast %and3A_418 : i32 to vector<16xi32>
        %and3A_420 = arith.andi %xor3A_417, %and3A_419 : vector<16xi32>
        %mul3A_421 = arith.constant 16 : i32
        %mul3A_422 = arith.muli %add3A_48, %mul3A_421 : i32
        %add3A_423 = arith.constant 3072 : i32
        %add3A_424 = arith.addi %add3A_423, %mul3A_422 : i32
        %swap3A_425 = arith.index_cast %add3A_424 : i32 to index
        %swap3A_426 = tpu.vector_load %arg14[%swap3A_425] {strides = array<i32>} : memref<4096xi32, #tpu.memory_space<vmem>>, vector<16xi32>,
        tpu.vector_store %arg14[%swap3A_425], %and3A_420 {strides = array<i32>} : memref<4096xi32, #tpu.memory_space<vmem>>, vector<16xi32>,
        %xor3A_427 = arith.xori %xor3A_161, %add3A_152 : vector<16xi32>
        %and3A_428 = arith.constant 32767 : i32
        %and3A_429 = vector.broadcast %and3A_428 : i32 to vector<16xi32>
        %and3A_430 = arith.andi %xor3A_427, %and3A_429 : vector<16xi32>
        %mul3A_431 = arith.constant 16 : i32
        %mul3A_432 = arith.muli %add3A_48, %mul3A_431 : i32
        %add3A_433 = arith.constant 3584 : i32
        %add3A_434 = arith.addi %add3A_433, %mul3A_432 : i32
        %swap3A_435 = arith.index_cast %add3A_434 : i32 to index
        %swap3A_436 = tpu.vector_load %arg14[%swap3A_435] {strides = array<i32>} : memref<4096xi32, #tpu.memory_space<vmem>>, vector<16xi32>,
        tpu.vector_store %arg14[%swap3A_435], %and3A_430 {strides = array<i32>} : memref<4096xi32, #tpu.memory_space<vmem>>, vector<16xi32>,
      }
      %scan3A_37 = arith.constant 32 : i32
      %dma_start3A = arith.constant 0 : i32
      %dma_start3A_38 = tpu.memref_slice %arg3[%dma_start3A] : memref<8388608xi32, #tpu.memory_space<hbm>> -> memref<8388608xi32, #tpu.memory_space<hbm>>
      tpu.enqueue_indirect_dma source(%dma_start3A_38 : memref<8388608xi32, #tpu.memory_space<hbm>>) target(%arg16 : memref<8192xi32, #tpu.memory_space<vmem>>) offsets(%arg12 : memref<8192xi32, #tpu.memory_space<vmem>>) semaphore(%arg21 : memref<!tpu.dma_semaphore, #tpu.memory_space<semaphore_mem>>)
      %scan3A_39 = arith.constant 0 : i32
      %scan3A_40 = arith.constant 8 : i32
      %scan3A_41 = arith.addi %scan3A_39, %scan3A_40 : i32
      %scan3A_42 = arith.constant 1 : i32
      scf.for %scan3A_44 = %scan3A_39 to %scan3A_41 step %scan3A_42  : i32 {
        %mul3A_45 = arith.constant 1 : i32
        %mul3A_46 = arith.muli %scan3A_44, %mul3A_45 : i32
        %add3A_47 = arith.constant 0 : i32
        %add3A_48 = arith.addi %add3A_47, %mul3A_46 : i32
        %mul3A_49 = arith.constant 2 : i32
        %mul3A_50 = arith.muli %mul3A_49, %add3A_48 : i32
        %add3A_51 = arith.constant 1 : i32
        %add3A_52 = arith.addi %mul3A_50, %add3A_51 : i32
        %mul3A_53 = arith.constant 16 : i32
        %mul3A_54 = arith.muli %add3A, %mul3A_53 : i32
        %add3A_55 = arith.addi %mul3A_54, %add3A_52 : i32
        %mul3A_56 = arith.constant 512 : i32
        %mul3A_57 = arith.muli %add3A_55, %mul3A_56 : i32
        "tpu.region"() ({
          %run_scoped3A = tpu.sem_alloc : memref<!tpu.dma_semaphore, #tpu.memory_space<semaphore_mem>>
          %dma_start3A_96 = arith.constant 0 : i32
          %dma_start3A_97 = tpu.memref_slice %arg2[%dma_start3A_96, %mul3A_57] : memref<4x262144xf32, #tpu.memory_space<hbm>> -> memref<4x512xf32, #tpu.memory_space<hbm>>
          %dma_start3A_98 = arith.constant 0 : i32
          %dma_start3A_99 = tpu.memref_slice %arg2[%dma_start3A_98, %mul3A_57] : memref<4x262144xf32, #tpu.memory_space<hbm>> -> memref<4x512xf32, #tpu.memory_space<hbm>>
          tpu.enqueue_dma source(%dma_start3A_99 : memref<4x512xf32, #tpu.memory_space<hbm>>) target(%arg10 : memref<4x512xf32, #tpu.memory_space<vmem>>) target_semaphore(%run_scoped3A : memref<!tpu.dma_semaphore, #tpu.memory_space<semaphore_mem>>)
          %dma_wait3A_100 = arith.constant 0 : i32
          %dma_wait3A_101 = tpu.memref_slice %arg2[%dma_wait3A_100, %mul3A_57] : memref<4x262144xf32, #tpu.memory_space<hbm>> -> memref<4x512xf32, #tpu.memory_space<hbm>>
          %dma_wait3A_102 = arith.constant 0 : i32
          %dma_wait3A_103 = tpu.memref_slice %arg2[%dma_wait3A_102, %mul3A_57] : memref<4x262144xf32, #tpu.memory_space<hbm>> -> memref<4x512xf32, #tpu.memory_space<hbm>>
          tpu.wait_dma2 semaphore(%run_scoped3A : memref<!tpu.dma_semaphore, #tpu.memory_space<semaphore_mem>>) src(%dma_wait3A_103 : memref<4x512xf32, #tpu.memory_space<hbm>>) dst(%arg10 : memref<4x512xf32, #tpu.memory_space<vmem>>)
          tpu.yield
        }) : () -> ()
        %scan3A_58 = arith.constant 0 : i32
        %scan3A_59 = arith.constant 32 : i32
        %scan3A_60 = arith.addi %scan3A_58, %scan3A_59 : i32
        %scan3A_61 = arith.constant 1 : i32
        scf.for %scan3A_96 = %scan3A_58 to %scan3A_60 step %scan3A_61  : i32 {
          %mul3A_97 = arith.constant 1 : i32
          %mul3A_98 = arith.muli %scan3A_96, %mul3A_97 : i32
          %add3A_99 = arith.constant 0 : i32
          %add3A_100 = arith.addi %add3A_99, %mul3A_98 : i32
          %mul3A_101 = arith.constant 16 : i32
          %mul3A_102 = arith.muli %add3A_100, %mul3A_101 : i32
          %get3A_103 = arith.constant 0 : i32
          %get3A_104 = arith.index_cast %get3A_103 : i32 to index
          %get3A_105 = arith.index_cast %mul3A_102 : i32 to index
          %get3A_106 = tpu.vector_load %arg10[%get3A_104, %get3A_105] {strides = array<i32>} : memref<4x512xf32, #tpu.memory_space<vmem>>, vector<16xf32>,
          %get3A_107 = arith.constant 1 : i32
          %get3A_108 = arith.index_cast %get3A_107 : i32 to index
          %get3A_109 = arith.index_cast %mul3A_102 : i32 to index
          %get3A_110 = tpu.vector_load %arg10[%get3A_108, %get3A_109] {strides = array<i32>} : memref<4x512xf32, #tpu.memory_space<vmem>>, vector<16xf32>,
          %get3A_111 = arith.constant 2 : i32
          %get3A_112 = arith.index_cast %get3A_111 : i32 to index
          %get3A_113 = arith.index_cast %mul3A_102 : i32 to index
          %get3A_114 = tpu.vector_load %arg10[%get3A_112, %get3A_113] {strides = array<i32>} : memref<4x512xf32, #tpu.memory_space<vmem>>, vector<16xf32>,
          %get3A_115 = arith.constant 3 : i32
          %get3A_116 = arith.index_cast %get3A_115 : i32 to index
          %get3A_117 = arith.index_cast %mul3A_102 : i32 to index
          %get3A_118 = tpu.vector_load %arg10[%get3A_116, %get3A_117] {strides = array<i32>} : memref<4x512xf32, #tpu.memory_space<vmem>>, vector<16xf32>,
          %max3A = arith.constant 0.000000e+00 : f32
          %max3A_119 = vector.broadcast %max3A : f32 to vector<16xf32>
          %max3A_120 = arith.maximumf %get3A_106, %max3A_119 : vector<16xf32>
          %min3A = arith.constant 1.000000e+00 : f32
          %min3A_121 = vector.broadcast %min3A : f32 to vector<16xf32>
          %min3A_122 = arith.minimumf %max3A_120, %min3A_121 : vector<16xf32>
          %mul3A_123 = arith.mulf %min3A_122, %get3A_19 : vector<16xf32>
          %convert_element_type3A_124 = arith.fptosi %mul3A_123 : vector<16xf32> to vector<16xi32>
          %mul3A_125 = arith.mulf %get3A_106, %get3A_19 : vector<16xf32>
          %convert_element_type3A_126 = arith.sitofp %convert_element_type3A_124 : vector<16xi32> to vector<16xf32>
          %sub3A = arith.subf %mul3A_125, %convert_element_type3A_126 : vector<16xf32>
          %mul3A_127 = arith.constant 16 : i32
          %mul3A_128 = arith.muli %add3A_100, %mul3A_127 : i32
          %add3A_129 = arith.constant 0 : i32
          %add3A_130 = arith.addi %add3A_129, %mul3A_128 : i32
          %swap3A = arith.constant 1 : i32
          %swap3A_131 = arith.index_cast %swap3A : i32 to index
          %swap3A_132 = arith.index_cast %add3A_130 : i32 to index
          %swap3A_133 = tpu.vector_load %arg11[%swap3A_131, %swap3A_132] {strides = array<i32>} : memref<2x2048xf32, #tpu.memory_space<vmem>>, vector<16xf32>,
          tpu.vector_store %arg11[%swap3A_131, %swap3A_132], %sub3A {strides = array<i32>} : memref<2x2048xf32, #tpu.memory_space<vmem>>, vector<16xf32>,
          %max3A_134 = arith.constant 0.000000e+00 : f32
          %max3A_135 = vector.broadcast %max3A_134 : f32 to vector<16xf32>
          %max3A_136 = arith.maximumf %get3A_110, %max3A_135 : vector<16xf32>
          %min3A_137 = arith.constant 1.000000e+00 : f32
          %min3A_138 = vector.broadcast %min3A_137 : f32 to vector<16xf32>
          %min3A_139 = arith.minimumf %max3A_136, %min3A_138 : vector<16xf32>
          %mul3A_140 = arith.mulf %min3A_139, %get3A_19 : vector<16xf32>
          %convert_element_type3A_141 = arith.fptosi %mul3A_140 : vector<16xf32> to vector<16xi32>
          %mul3A_142 = arith.mulf %get3A_110, %get3A_19 : vector<16xf32>
          %convert_element_type3A_143 = arith.sitofp %convert_element_type3A_141 : vector<16xi32> to vector<16xf32>
          %sub3A_144 = arith.subf %mul3A_142, %convert_element_type3A_143 : vector<16xf32>
          %mul3A_145 = arith.constant 16 : i32
          %mul3A_146 = arith.muli %add3A_100, %mul3A_145 : i32
          %add3A_147 = arith.constant 512 : i32
          %add3A_148 = arith.addi %add3A_147, %mul3A_146 : i32
          %swap3A_149 = arith.constant 1 : i32
          %swap3A_150 = arith.index_cast %swap3A_149 : i32 to index
          %swap3A_151 = arith.index_cast %add3A_148 : i32 to index
          %swap3A_152 = tpu.vector_load %arg11[%swap3A_150, %swap3A_151] {strides = array<i32>} : memref<2x2048xf32, #tpu.memory_space<vmem>>, vector<16xf32>,
          tpu.vector_store %arg11[%swap3A_150, %swap3A_151], %sub3A_144 {strides = array<i32>} : memref<2x2048xf32, #tpu.memory_space<vmem>>, vector<16xf32>,
          %max3A_153 = arith.constant 0.000000e+00 : f32
          %max3A_154 = vector.broadcast %max3A_153 : f32 to vector<16xf32>
          %max3A_155 = arith.maximumf %get3A_114, %max3A_154 : vector<16xf32>
          %min3A_156 = arith.constant 1.000000e+00 : f32
          %min3A_157 = vector.broadcast %min3A_156 : f32 to vector<16xf32>
          %min3A_158 = arith.minimumf %max3A_155, %min3A_157 : vector<16xf32>
          %mul3A_159 = arith.mulf %min3A_158, %get3A_19 : vector<16xf32>
          %convert_element_type3A_160 = arith.fptosi %mul3A_159 : vector<16xf32> to vector<16xi32>
          %mul3A_161 = arith.mulf %get3A_114, %get3A_19 : vector<16xf32>
          %convert_element_type3A_162 = arith.sitofp %convert_element_type3A_160 : vector<16xi32> to vector<16xf32>
          %sub3A_163 = arith.subf %mul3A_161, %convert_element_type3A_162 : vector<16xf32>
          %mul3A_164 = arith.constant 16 : i32
          %mul3A_165 = arith.muli %add3A_100, %mul3A_164 : i32
          %add3A_166 = arith.constant 1024 : i32
          %add3A_167 = arith.addi %add3A_166, %mul3A_165 : i32
          %swap3A_168 = arith.constant 1 : i32
          %swap3A_169 = arith.index_cast %swap3A_168 : i32 to index
          %swap3A_170 = arith.index_cast %add3A_167 : i32 to index
          %swap3A_171 = tpu.vector_load %arg11[%swap3A_169, %swap3A_170] {strides = array<i32>} : memref<2x2048xf32, #tpu.memory_space<vmem>>, vector<16xf32>,
          tpu.vector_store %arg11[%swap3A_169, %swap3A_170], %sub3A_163 {strides = array<i32>} : memref<2x2048xf32, #tpu.memory_space<vmem>>, vector<16xf32>,
          %max3A_172 = arith.constant 0.000000e+00 : f32
          %max3A_173 = vector.broadcast %max3A_172 : f32 to vector<16xf32>
          %max3A_174 = arith.maximumf %get3A_118, %max3A_173 : vector<16xf32>
          %min3A_175 = arith.constant 1.000000e+00 : f32
          %min3A_176 = vector.broadcast %min3A_175 : f32 to vector<16xf32>
          %min3A_177 = arith.minimumf %max3A_174, %min3A_176 : vector<16xf32>
          %mul3A_178 = arith.mulf %min3A_177, %get3A_25 : vector<16xf32>
          %convert_element_type3A_179 = arith.fptosi %mul3A_178 : vector<16xf32> to vector<16xi32>
          %mul3A_180 = arith.mulf %get3A_118, %get3A_25 : vector<16xf32>
          %convert_element_type3A_181 = arith.sitofp %convert_element_type3A_179 : vector<16xi32> to vector<16xf32>
          %sub3A_182 = arith.subf %mul3A_180, %convert_element_type3A_181 : vector<16xf32>
          %mul3A_183 = arith.constant 16 : i32
          %mul3A_184 = arith.muli %add3A_100, %mul3A_183 : i32
          %add3A_185 = arith.constant 1536 : i32
          %add3A_186 = arith.addi %add3A_185, %mul3A_184 : i32
          %swap3A_187 = arith.constant 1 : i32
          %swap3A_188 = arith.index_cast %swap3A_187 : i32 to index
          %swap3A_189 = arith.index_cast %add3A_186 : i32 to index
          %swap3A_190 = tpu.vector_load %arg11[%swap3A_188, %swap3A_189] {strides = array<i32>} : memref<2x2048xf32, #tpu.memory_space<vmem>>, vector<16xf32>,
          tpu.vector_store %arg11[%swap3A_188, %swap3A_189], %sub3A_182 {strides = array<i32>} : memref<2x2048xf32, #tpu.memory_space<vmem>>, vector<16xf32>,
          %add3A_191 = arith.constant 1 : i32
          %add3A_192 = vector.broadcast %add3A_191 : i32 to vector<16xi32>
          %add3A_193 = arith.addi %convert_element_type3A_124, %add3A_192 : vector<16xi32>
          %mul3A_194 = arith.constant -1640531535 : i32
          %mul3A_195 = vector.broadcast %mul3A_194 : i32 to vector<16xi32>
          %mul3A_196 = arith.muli %convert_element_type3A_141, %mul3A_195 : vector<16xi32>
          %add3A_197 = arith.constant -1640531535 : i32
          %add3A_198 = vector.broadcast %add3A_197 : i32 to vector<16xi32>
          %add3A_199 = arith.addi %mul3A_196, %add3A_198 : vector<16xi32>
          %mul3A_200 = arith.constant 805459861 : i32
          %mul3A_201 = vector.broadcast %mul3A_200 : i32 to vector<16xi32>
          %mul3A_202 = arith.muli %convert_element_type3A_160, %mul3A_201 : vector<16xi32>
          %add3A_203 = arith.constant 805459861 : i32
          %add3A_204 = vector.broadcast %add3A_203 : i32 to vector<16xi32>
          %add3A_205 = arith.addi %mul3A_202, %add3A_204 : vector<16xi32>
          %mul3A_206 = arith.constant -620313867 : i32
          %mul3A_207 = vector.broadcast %mul3A_206 : i32 to vector<16xi32>
          %mul3A_208 = arith.muli %convert_element_type3A_179, %mul3A_207 : vector<16xi32>
          %add3A_209 = arith.constant -620313867 : i32
          %add3A_210 = vector.broadcast %add3A_209 : i32 to vector<16xi32>
          %add3A_211 = arith.addi %mul3A_208, %add3A_210 : vector<16xi32>
          %xor3A = arith.xori %convert_element_type3A_124, %mul3A_196 : vector<16xi32>
          %xor3A_212 = arith.xori %convert_element_type3A_124, %add3A_199 : vector<16xi32>
          %xor3A_213 = arith.xori %add3A_193, %mul3A_196 : vector<16xi32>
          %xor3A_214 = arith.xori %add3A_193, %add3A_199 : vector<16xi32>
          %xor3A_215 = arith.xori %mul3A_202, %mul3A_208 : vector<16xi32>
          %xor3A_216 = arith.xori %mul3A_202, %add3A_211 : vector<16xi32>
          %xor3A_217 = arith.xori %add3A_205, %mul3A_208 : vector<16xi32>
          %xor3A_218 = arith.xori %add3A_205, %add3A_211 : vector<16xi32>
          %xor3A_219 = arith.xori %xor3A, %xor3A_215 : vector<16xi32>
          %and3A = arith.constant 524287 : i32
          %and3A_220 = vector.broadcast %and3A : i32 to vector<16xi32>
          %and3A_221 = arith.andi %xor3A_219, %and3A_220 : vector<16xi32>
          %add3A_222 = vector.broadcast %shift_left3A_26 : i32 to vector<16xi32>
          %add3A_223 = arith.addi %and3A_221, %add3A_222 : vector<16xi32>
          %mul3A_224 = arith.constant 16 : i32
          %mul3A_225 = arith.muli %add3A_100, %mul3A_224 : i32
          %add3A_226 = arith.constant 0 : i32
          %add3A_227 = arith.addi %add3A_226, %mul3A_225 : i32
          %swap3A_228 = arith.index_cast %add3A_227 : i32 to index
          %swap3A_229 = tpu.vector_load %arg13[%swap3A_228] {strides = array<i32>} : memref<8192xi32, #tpu.memory_space<vmem>>, vector<16xi32>,
          tpu.vector_store %arg13[%swap3A_228], %add3A_223 {strides = array<i32>} : memref<8192xi32, #tpu.memory_space<vmem>>, vector<16xi32>,
          %xor3A_230 = arith.xori %xor3A, %xor3A_216 : vector<16xi32>
          %and3A_231 = arith.constant 524287 : i32
          %and3A_232 = vector.broadcast %and3A_231 : i32 to vector<16xi32>
          %and3A_233 = arith.andi %xor3A_230, %and3A_232 : vector<16xi32>
          %add3A_234 = vector.broadcast %shift_left3A_26 : i32 to vector<16xi32>
          %add3A_235 = arith.addi %and3A_233, %add3A_234 : vector<16xi32>
          %mul3A_236 = arith.constant 16 : i32
          %mul3A_237 = arith.muli %add3A_100, %mul3A_236 : i32
          %add3A_238 = arith.constant 512 : i32
          %add3A_239 = arith.addi %add3A_238, %mul3A_237 : i32
          %swap3A_240 = arith.index_cast %add3A_239 : i32 to index
          %swap3A_241 = tpu.vector_load %arg13[%swap3A_240] {strides = array<i32>} : memref<8192xi32, #tpu.memory_space<vmem>>, vector<16xi32>,
          tpu.vector_store %arg13[%swap3A_240], %add3A_235 {strides = array<i32>} : memref<8192xi32, #tpu.memory_space<vmem>>, vector<16xi32>,
          %xor3A_242 = arith.xori %xor3A, %xor3A_217 : vector<16xi32>
          %and3A_243 = arith.constant 524287 : i32
          %and3A_244 = vector.broadcast %and3A_243 : i32 to vector<16xi32>
          %and3A_245 = arith.andi %xor3A_242, %and3A_244 : vector<16xi32>
          %add3A_246 = vector.broadcast %shift_left3A_26 : i32 to vector<16xi32>
          %add3A_247 = arith.addi %and3A_245, %add3A_246 : vector<16xi32>
          %mul3A_248 = arith.constant 16 : i32
          %mul3A_249 = arith.muli %add3A_100, %mul3A_248 : i32
          %add3A_250 = arith.constant 1024 : i32
          %add3A_251 = arith.addi %add3A_250, %mul3A_249 : i32
          %swap3A_252 = arith.index_cast %add3A_251 : i32 to index
          %swap3A_253 = tpu.vector_load %arg13[%swap3A_252] {strides = array<i32>} : memref<8192xi32, #tpu.memory_space<vmem>>, vector<16xi32>,
          tpu.vector_store %arg13[%swap3A_252], %add3A_247 {strides = array<i32>} : memref<8192xi32, #tpu.memory_space<vmem>>, vector<16xi32>,
          %xor3A_254 = arith.xori %xor3A, %xor3A_218 : vector<16xi32>
          %and3A_255 = arith.constant 524287 : i32
          %and3A_256 = vector.broadcast %and3A_255 : i32 to vector<16xi32>
          %and3A_257 = arith.andi %xor3A_254, %and3A_256 : vector<16xi32>
          %add3A_258 = vector.broadcast %shift_left3A_26 : i32 to vector<16xi32>
          %add3A_259 = arith.addi %and3A_257, %add3A_258 : vector<16xi32>
          %mul3A_260 = arith.constant 16 : i32
          %mul3A_261 = arith.muli %add3A_100, %mul3A_260 : i32
          %add3A_262 = arith.constant 1536 : i32
          %add3A_263 = arith.addi %add3A_262, %mul3A_261 : i32
          %swap3A_264 = arith.index_cast %add3A_263 : i32 to index
          %swap3A_265 = tpu.vector_load %arg13[%swap3A_264] {strides = array<i32>} : memref<8192xi32, #tpu.memory_space<vmem>>, vector<16xi32>,
          tpu.vector_store %arg13[%swap3A_264], %add3A_259 {strides = array<i32>} : memref<8192xi32, #tpu.memory_space<vmem>>, vector<16xi32>,
          %xor3A_266 = arith.xori %xor3A_212, %xor3A_215 : vector<16xi32>
          %and3A_267 = arith.constant 524287 : i32
          %and3A_268 = vector.broadcast %and3A_267 : i32 to vector<16xi32>
          %and3A_269 = arith.andi %xor3A_266, %and3A_268 : vector<16xi32>
          %add3A_270 = vector.broadcast %shift_left3A_26 : i32 to vector<16xi32>
          %add3A_271 = arith.addi %and3A_269, %add3A_270 : vector<16xi32>
          %mul3A_272 = arith.constant 16 : i32
          %mul3A_273 = arith.muli %add3A_100, %mul3A_272 : i32
          %add3A_274 = arith.constant 2048 : i32
          %add3A_275 = arith.addi %add3A_274, %mul3A_273 : i32
          %swap3A_276 = arith.index_cast %add3A_275 : i32 to index
          %swap3A_277 = tpu.vector_load %arg13[%swap3A_276] {strides = array<i32>} : memref<8192xi32, #tpu.memory_space<vmem>>, vector<16xi32>,
          tpu.vector_store %arg13[%swap3A_276], %add3A_271 {strides = array<i32>} : memref<8192xi32, #tpu.memory_space<vmem>>, vector<16xi32>,
          %xor3A_278 = arith.xori %xor3A_212, %xor3A_216 : vector<16xi32>
          %and3A_279 = arith.constant 524287 : i32
          %and3A_280 = vector.broadcast %and3A_279 : i32 to vector<16xi32>
          %and3A_281 = arith.andi %xor3A_278, %and3A_280 : vector<16xi32>
          %add3A_282 = vector.broadcast %shift_left3A_26 : i32 to vector<16xi32>
          %add3A_283 = arith.addi %and3A_281, %add3A_282 : vector<16xi32>
          %mul3A_284 = arith.constant 16 : i32
          %mul3A_285 = arith.muli %add3A_100, %mul3A_284 : i32
          %add3A_286 = arith.constant 2560 : i32
          %add3A_287 = arith.addi %add3A_286, %mul3A_285 : i32
          %swap3A_288 = arith.index_cast %add3A_287 : i32 to index
          %swap3A_289 = tpu.vector_load %arg13[%swap3A_288] {strides = array<i32>} : memref<8192xi32, #tpu.memory_space<vmem>>, vector<16xi32>,
          tpu.vector_store %arg13[%swap3A_288], %add3A_283 {strides = array<i32>} : memref<8192xi32, #tpu.memory_space<vmem>>, vector<16xi32>,
          %xor3A_290 = arith.xori %xor3A_212, %xor3A_217 : vector<16xi32>
          %and3A_291 = arith.constant 524287 : i32
          %and3A_292 = vector.broadcast %and3A_291 : i32 to vector<16xi32>
          %and3A_293 = arith.andi %xor3A_290, %and3A_292 : vector<16xi32>
          %add3A_294 = vector.broadcast %shift_left3A_26 : i32 to vector<16xi32>
          %add3A_295 = arith.addi %and3A_293, %add3A_294 : vector<16xi32>
          %mul3A_296 = arith.constant 16 : i32
          %mul3A_297 = arith.muli %add3A_100, %mul3A_296 : i32
          %add3A_298 = arith.constant 3072 : i32
          %add3A_299 = arith.addi %add3A_298, %mul3A_297 : i32
          %swap3A_300 = arith.index_cast %add3A_299 : i32 to index
          %swap3A_301 = tpu.vector_load %arg13[%swap3A_300] {strides = array<i32>} : memref<8192xi32, #tpu.memory_space<vmem>>, vector<16xi32>,
          tpu.vector_store %arg13[%swap3A_300], %add3A_295 {strides = array<i32>} : memref<8192xi32, #tpu.memory_space<vmem>>, vector<16xi32>,
          %xor3A_302 = arith.xori %xor3A_212, %xor3A_218 : vector<16xi32>
          %and3A_303 = arith.constant 524287 : i32
          %and3A_304 = vector.broadcast %and3A_303 : i32 to vector<16xi32>
          %and3A_305 = arith.andi %xor3A_302, %and3A_304 : vector<16xi32>
          %add3A_306 = vector.broadcast %shift_left3A_26 : i32 to vector<16xi32>
          %add3A_307 = arith.addi %and3A_305, %add3A_306 : vector<16xi32>
          %mul3A_308 = arith.constant 16 : i32
          %mul3A_309 = arith.muli %add3A_100, %mul3A_308 : i32
          %add3A_310 = arith.constant 3584 : i32
          %add3A_311 = arith.addi %add3A_310, %mul3A_309 : i32
          %swap3A_312 = arith.index_cast %add3A_311 : i32 to index
          %swap3A_313 = tpu.vector_load %arg13[%swap3A_312] {strides = array<i32>} : memref<8192xi32, #tpu.memory_space<vmem>>, vector<16xi32>,
          tpu.vector_store %arg13[%swap3A_312], %add3A_307 {strides = array<i32>} : memref<8192xi32, #tpu.memory_space<vmem>>, vector<16xi32>,
          %xor3A_314 = arith.xori %xor3A_213, %xor3A_215 : vector<16xi32>
          %and3A_315 = arith.constant 524287 : i32
          %and3A_316 = vector.broadcast %and3A_315 : i32 to vector<16xi32>
          %and3A_317 = arith.andi %xor3A_314, %and3A_316 : vector<16xi32>
          %add3A_318 = vector.broadcast %shift_left3A_26 : i32 to vector<16xi32>
          %add3A_319 = arith.addi %and3A_317, %add3A_318 : vector<16xi32>
          %mul3A_320 = arith.constant 16 : i32
          %mul3A_321 = arith.muli %add3A_100, %mul3A_320 : i32
          %add3A_322 = arith.constant 4096 : i32
          %add3A_323 = arith.addi %add3A_322, %mul3A_321 : i32
          %swap3A_324 = arith.index_cast %add3A_323 : i32 to index
          %swap3A_325 = tpu.vector_load %arg13[%swap3A_324] {strides = array<i32>} : memref<8192xi32, #tpu.memory_space<vmem>>, vector<16xi32>,
          tpu.vector_store %arg13[%swap3A_324], %add3A_319 {strides = array<i32>} : memref<8192xi32, #tpu.memory_space<vmem>>, vector<16xi32>,
          %xor3A_326 = arith.xori %xor3A_213, %xor3A_216 : vector<16xi32>
          %and3A_327 = arith.constant 524287 : i32
          %and3A_328 = vector.broadcast %and3A_327 : i32 to vector<16xi32>
          %and3A_329 = arith.andi %xor3A_326, %and3A_328 : vector<16xi32>
          %add3A_330 = vector.broadcast %shift_left3A_26 : i32 to vector<16xi32>
          %add3A_331 = arith.addi %and3A_329, %add3A_330 : vector<16xi32>
          %mul3A_332 = arith.constant 16 : i32
          %mul3A_333 = arith.muli %add3A_100, %mul3A_332 : i32
          %add3A_334 = arith.constant 4608 : i32
          %add3A_335 = arith.addi %add3A_334, %mul3A_333 : i32
          %swap3A_336 = arith.index_cast %add3A_335 : i32 to index
          %swap3A_337 = tpu.vector_load %arg13[%swap3A_336] {strides = array<i32>} : memref<8192xi32, #tpu.memory_space<vmem>>, vector<16xi32>,
          tpu.vector_store %arg13[%swap3A_336], %add3A_331 {strides = array<i32>} : memref<8192xi32, #tpu.memory_space<vmem>>, vector<16xi32>,
          %xor3A_338 = arith.xori %xor3A_213, %xor3A_217 : vector<16xi32>
          %and3A_339 = arith.constant 524287 : i32
          %and3A_340 = vector.broadcast %and3A_339 : i32 to vector<16xi32>
          %and3A_341 = arith.andi %xor3A_338, %and3A_340 : vector<16xi32>
          %add3A_342 = vector.broadcast %shift_left3A_26 : i32 to vector<16xi32>
          %add3A_343 = arith.addi %and3A_341, %add3A_342 : vector<16xi32>
          %mul3A_344 = arith.constant 16 : i32
          %mul3A_345 = arith.muli %add3A_100, %mul3A_344 : i32
          %add3A_346 = arith.constant 5120 : i32
          %add3A_347 = arith.addi %add3A_346, %mul3A_345 : i32
          %swap3A_348 = arith.index_cast %add3A_347 : i32 to index
          %swap3A_349 = tpu.vector_load %arg13[%swap3A_348] {strides = array<i32>} : memref<8192xi32, #tpu.memory_space<vmem>>, vector<16xi32>,
          tpu.vector_store %arg13[%swap3A_348], %add3A_343 {strides = array<i32>} : memref<8192xi32, #tpu.memory_space<vmem>>, vector<16xi32>,
          %xor3A_350 = arith.xori %xor3A_213, %xor3A_218 : vector<16xi32>
          %and3A_351 = arith.constant 524287 : i32
          %and3A_352 = vector.broadcast %and3A_351 : i32 to vector<16xi32>
          %and3A_353 = arith.andi %xor3A_350, %and3A_352 : vector<16xi32>
          %add3A_354 = vector.broadcast %shift_left3A_26 : i32 to vector<16xi32>
          %add3A_355 = arith.addi %and3A_353, %add3A_354 : vector<16xi32>
          %mul3A_356 = arith.constant 16 : i32
          %mul3A_357 = arith.muli %add3A_100, %mul3A_356 : i32
          %add3A_358 = arith.constant 5632 : i32
          %add3A_359 = arith.addi %add3A_358, %mul3A_357 : i32
          %swap3A_360 = arith.index_cast %add3A_359 : i32 to index
          %swap3A_361 = tpu.vector_load %arg13[%swap3A_360] {strides = array<i32>} : memref<8192xi32, #tpu.memory_space<vmem>>, vector<16xi32>,
          tpu.vector_store %arg13[%swap3A_360], %add3A_355 {strides = array<i32>} : memref<8192xi32, #tpu.memory_space<vmem>>, vector<16xi32>,
          %xor3A_362 = arith.xori %xor3A_214, %xor3A_215 : vector<16xi32>
          %and3A_363 = arith.constant 524287 : i32
          %and3A_364 = vector.broadcast %and3A_363 : i32 to vector<16xi32>
          %and3A_365 = arith.andi %xor3A_362, %and3A_364 : vector<16xi32>
          %add3A_366 = vector.broadcast %shift_left3A_26 : i32 to vector<16xi32>
          %add3A_367 = arith.addi %and3A_365, %add3A_366 : vector<16xi32>
          %mul3A_368 = arith.constant 16 : i32
          %mul3A_369 = arith.muli %add3A_100, %mul3A_368 : i32
          %add3A_370 = arith.constant 6144 : i32
          %add3A_371 = arith.addi %add3A_370, %mul3A_369 : i32
          %swap3A_372 = arith.index_cast %add3A_371 : i32 to index
          %swap3A_373 = tpu.vector_load %arg13[%swap3A_372] {strides = array<i32>} : memref<8192xi32, #tpu.memory_space<vmem>>, vector<16xi32>,
          tpu.vector_store %arg13[%swap3A_372], %add3A_367 {strides = array<i32>} : memref<8192xi32, #tpu.memory_space<vmem>>, vector<16xi32>,
          %xor3A_374 = arith.xori %xor3A_214, %xor3A_216 : vector<16xi32>
          %and3A_375 = arith.constant 524287 : i32
          %and3A_376 = vector.broadcast %and3A_375 : i32 to vector<16xi32>
          %and3A_377 = arith.andi %xor3A_374, %and3A_376 : vector<16xi32>
          %add3A_378 = vector.broadcast %shift_left3A_26 : i32 to vector<16xi32>
          %add3A_379 = arith.addi %and3A_377, %add3A_378 : vector<16xi32>
          %mul3A_380 = arith.constant 16 : i32
          %mul3A_381 = arith.muli %add3A_100, %mul3A_380 : i32
          %add3A_382 = arith.constant 6656 : i32
          %add3A_383 = arith.addi %add3A_382, %mul3A_381 : i32
          %swap3A_384 = arith.index_cast %add3A_383 : i32 to index
          %swap3A_385 = tpu.vector_load %arg13[%swap3A_384] {strides = array<i32>} : memref<8192xi32, #tpu.memory_space<vmem>>, vector<16xi32>,
          tpu.vector_store %arg13[%swap3A_384], %add3A_379 {strides = array<i32>} : memref<8192xi32, #tpu.memory_space<vmem>>, vector<16xi32>,
          %xor3A_386 = arith.xori %xor3A_214, %xor3A_217 : vector<16xi32>
          %and3A_387 = arith.constant 524287 : i32
          %and3A_388 = vector.broadcast %and3A_387 : i32 to vector<16xi32>
          %and3A_389 = arith.andi %xor3A_386, %and3A_388 : vector<16xi32>
          %add3A_390 = vector.broadcast %shift_left3A_26 : i32 to vector<16xi32>
          %add3A_391 = arith.addi %and3A_389, %add3A_390 : vector<16xi32>
          %mul3A_392 = arith.constant 16 : i32
          %mul3A_393 = arith.muli %add3A_100, %mul3A_392 : i32
          %add3A_394 = arith.constant 7168 : i32
          %add3A_395 = arith.addi %add3A_394, %mul3A_393 : i32
          %swap3A_396 = arith.index_cast %add3A_395 : i32 to index
          %swap3A_397 = tpu.vector_load %arg13[%swap3A_396] {strides = array<i32>} : memref<8192xi32, #tpu.memory_space<vmem>>, vector<16xi32>,
          tpu.vector_store %arg13[%swap3A_396], %add3A_391 {strides = array<i32>} : memref<8192xi32, #tpu.memory_space<vmem>>, vector<16xi32>,
          %xor3A_398 = arith.xori %xor3A_214, %xor3A_218 : vector<16xi32>
          %and3A_399 = arith.constant 524287 : i32
          %and3A_400 = vector.broadcast %and3A_399 : i32 to vector<16xi32>
          %and3A_401 = arith.andi %xor3A_398, %and3A_400 : vector<16xi32>
          %add3A_402 = vector.broadcast %shift_left3A_26 : i32 to vector<16xi32>
          %add3A_403 = arith.addi %and3A_401, %add3A_402 : vector<16xi32>
          %mul3A_404 = arith.constant 16 : i32
          %mul3A_405 = arith.muli %add3A_100, %mul3A_404 : i32
          %add3A_406 = arith.constant 7680 : i32
          %add3A_407 = arith.addi %add3A_406, %mul3A_405 : i32
          %swap3A_408 = arith.index_cast %add3A_407 : i32 to index
          %swap3A_409 = tpu.vector_load %arg13[%swap3A_408] {strides = array<i32>} : memref<8192xi32, #tpu.memory_space<vmem>>, vector<16xi32>,
          tpu.vector_store %arg13[%swap3A_408], %add3A_403 {strides = array<i32>} : memref<8192xi32, #tpu.memory_space<vmem>>, vector<16xi32>,
          %xor3A_410 = arith.xori %xor3A, %mul3A_202 : vector<16xi32>
          %and3A_411 = arith.constant 32767 : i32
          %and3A_412 = vector.broadcast %and3A_411 : i32 to vector<16xi32>
          %and3A_413 = arith.andi %xor3A_410, %and3A_412 : vector<16xi32>
          %mul3A_414 = arith.constant 16 : i32
          %mul3A_415 = arith.muli %add3A_100, %mul3A_414 : i32
          %add3A_416 = arith.constant 0 : i32
          %add3A_417 = arith.addi %add3A_416, %mul3A_415 : i32
          %swap3A_418 = arith.index_cast %add3A_417 : i32 to index
          %swap3A_419 = tpu.vector_load %arg15[%swap3A_418] {strides = array<i32>} : memref<4096xi32, #tpu.memory_space<vmem>>, vector<16xi32>,
          tpu.vector_store %arg15[%swap3A_418], %and3A_413 {strides = array<i32>} : memref<4096xi32, #tpu.memory_space<vmem>>, vector<16xi32>,
          %xor3A_420 = arith.xori %xor3A, %add3A_205 : vector<16xi32>
          %and3A_421 = arith.constant 32767 : i32
          %and3A_422 = vector.broadcast %and3A_421 : i32 to vector<16xi32>
          %and3A_423 = arith.andi %xor3A_420, %and3A_422 : vector<16xi32>
          %mul3A_424 = arith.constant 16 : i32
          %mul3A_425 = arith.muli %add3A_100, %mul3A_424 : i32
          %add3A_426 = arith.constant 512 : i32
          %add3A_427 = arith.addi %add3A_426, %mul3A_425 : i32
          %swap3A_428 = arith.index_cast %add3A_427 : i32 to index
          %swap3A_429 = tpu.vector_load %arg15[%swap3A_428] {strides = array<i32>} : memref<4096xi32, #tpu.memory_space<vmem>>, vector<16xi32>,
          tpu.vector_store %arg15[%swap3A_428], %and3A_423 {strides = array<i32>} : memref<4096xi32, #tpu.memory_space<vmem>>, vector<16xi32>,
          %xor3A_430 = arith.xori %xor3A_212, %mul3A_202 : vector<16xi32>
          %and3A_431 = arith.constant 32767 : i32
          %and3A_432 = vector.broadcast %and3A_431 : i32 to vector<16xi32>
          %and3A_433 = arith.andi %xor3A_430, %and3A_432 : vector<16xi32>
          %mul3A_434 = arith.constant 16 : i32
          %mul3A_435 = arith.muli %add3A_100, %mul3A_434 : i32
          %add3A_436 = arith.constant 1024 : i32
          %add3A_437 = arith.addi %add3A_436, %mul3A_435 : i32
          %swap3A_438 = arith.index_cast %add3A_437 : i32 to index
          %swap3A_439 = tpu.vector_load %arg15[%swap3A_438] {strides = array<i32>} : memref<4096xi32, #tpu.memory_space<vmem>>, vector<16xi32>,
          tpu.vector_store %arg15[%swap3A_438], %and3A_433 {strides = array<i32>} : memref<4096xi32, #tpu.memory_space<vmem>>, vector<16xi32>,
          %xor3A_440 = arith.xori %xor3A_212, %add3A_205 : vector<16xi32>
          %and3A_441 = arith.constant 32767 : i32
          %and3A_442 = vector.broadcast %and3A_441 : i32 to vector<16xi32>
          %and3A_443 = arith.andi %xor3A_440, %and3A_442 : vector<16xi32>
          %mul3A_444 = arith.constant 16 : i32
          %mul3A_445 = arith.muli %add3A_100, %mul3A_444 : i32
          %add3A_446 = arith.constant 1536 : i32
          %add3A_447 = arith.addi %add3A_446, %mul3A_445 : i32
          %swap3A_448 = arith.index_cast %add3A_447 : i32 to index
          %swap3A_449 = tpu.vector_load %arg15[%swap3A_448] {strides = array<i32>} : memref<4096xi32, #tpu.memory_space<vmem>>, vector<16xi32>,
          tpu.vector_store %arg15[%swap3A_448], %and3A_443 {strides = array<i32>} : memref<4096xi32, #tpu.memory_space<vmem>>, vector<16xi32>,
          %xor3A_450 = arith.xori %xor3A_213, %mul3A_202 : vector<16xi32>
          %and3A_451 = arith.constant 32767 : i32
          %and3A_452 = vector.broadcast %and3A_451 : i32 to vector<16xi32>
          %and3A_453 = arith.andi %xor3A_450, %and3A_452 : vector<16xi32>
          %mul3A_454 = arith.constant 16 : i32
          %mul3A_455 = arith.muli %add3A_100, %mul3A_454 : i32
          %add3A_456 = arith.constant 2048 : i32
          %add3A_457 = arith.addi %add3A_456, %mul3A_455 : i32
          %swap3A_458 = arith.index_cast %add3A_457 : i32 to index
          %swap3A_459 = tpu.vector_load %arg15[%swap3A_458] {strides = array<i32>} : memref<4096xi32, #tpu.memory_space<vmem>>, vector<16xi32>,
          tpu.vector_store %arg15[%swap3A_458], %and3A_453 {strides = array<i32>} : memref<4096xi32, #tpu.memory_space<vmem>>, vector<16xi32>,
          %xor3A_460 = arith.xori %xor3A_213, %add3A_205 : vector<16xi32>
          %and3A_461 = arith.constant 32767 : i32
          %and3A_462 = vector.broadcast %and3A_461 : i32 to vector<16xi32>
          %and3A_463 = arith.andi %xor3A_460, %and3A_462 : vector<16xi32>
          %mul3A_464 = arith.constant 16 : i32
          %mul3A_465 = arith.muli %add3A_100, %mul3A_464 : i32
          %add3A_466 = arith.constant 2560 : i32
          %add3A_467 = arith.addi %add3A_466, %mul3A_465 : i32
          %swap3A_468 = arith.index_cast %add3A_467 : i32 to index
          %swap3A_469 = tpu.vector_load %arg15[%swap3A_468] {strides = array<i32>} : memref<4096xi32, #tpu.memory_space<vmem>>, vector<16xi32>,
          tpu.vector_store %arg15[%swap3A_468], %and3A_463 {strides = array<i32>} : memref<4096xi32, #tpu.memory_space<vmem>>, vector<16xi32>,
          %xor3A_470 = arith.xori %xor3A_214, %mul3A_202 : vector<16xi32>
          %and3A_471 = arith.constant 32767 : i32
          %and3A_472 = vector.broadcast %and3A_471 : i32 to vector<16xi32>
          %and3A_473 = arith.andi %xor3A_470, %and3A_472 : vector<16xi32>
          %mul3A_474 = arith.constant 16 : i32
          %mul3A_475 = arith.muli %add3A_100, %mul3A_474 : i32
          %add3A_476 = arith.constant 3072 : i32
          %add3A_477 = arith.addi %add3A_476, %mul3A_475 : i32
          %swap3A_478 = arith.index_cast %add3A_477 : i32 to index
          %swap3A_479 = tpu.vector_load %arg15[%swap3A_478] {strides = array<i32>} : memref<4096xi32, #tpu.memory_space<vmem>>, vector<16xi32>,
          tpu.vector_store %arg15[%swap3A_478], %and3A_473 {strides = array<i32>} : memref<4096xi32, #tpu.memory_space<vmem>>, vector<16xi32>,
          %xor3A_480 = arith.xori %xor3A_214, %add3A_205 : vector<16xi32>
          %and3A_481 = arith.constant 32767 : i32
          %and3A_482 = vector.broadcast %and3A_481 : i32 to vector<16xi32>
          %and3A_483 = arith.andi %xor3A_480, %and3A_482 : vector<16xi32>
          %mul3A_484 = arith.constant 16 : i32
          %mul3A_485 = arith.muli %add3A_100, %mul3A_484 : i32
          %add3A_486 = arith.constant 3584 : i32
          %add3A_487 = arith.addi %add3A_486, %mul3A_485 : i32
          %swap3A_488 = arith.index_cast %add3A_487 : i32 to index
          %swap3A_489 = tpu.vector_load %arg15[%swap3A_488] {strides = array<i32>} : memref<4096xi32, #tpu.memory_space<vmem>>, vector<16xi32>,
          tpu.vector_store %arg15[%swap3A_488], %and3A_483 {strides = array<i32>} : memref<4096xi32, #tpu.memory_space<vmem>>, vector<16xi32>,
        }
        %scan3A_62 = arith.constant 32 : i32
        %dma_start3A_63 = arith.constant 0 : i32
        %dma_start3A_64 = tpu.memref_slice %arg3[%dma_start3A_63] : memref<8388608xi32, #tpu.memory_space<hbm>> -> memref<8388608xi32, #tpu.memory_space<hbm>>
        tpu.enqueue_indirect_dma source(%dma_start3A_64 : memref<8388608xi32, #tpu.memory_space<hbm>>) target(%arg17 : memref<8192xi32, #tpu.memory_space<vmem>>) offsets(%arg13 : memref<8192xi32, #tpu.memory_space<vmem>>) semaphore(%arg22 : memref<!tpu.dma_semaphore, #tpu.memory_space<semaphore_mem>>)
        %dma_wait3A = arith.constant 0 : i32
        %dma_wait3A_65 = tpu.memref_slice %arg3[%dma_wait3A] : memref<8388608xi32, #tpu.memory_space<hbm>> -> memref<8388608xi32, #tpu.memory_space<hbm>>
        tpu.wait_indirect_dma semaphore(%arg21 : memref<!tpu.dma_semaphore, #tpu.memory_space<semaphore_mem>>) src(%dma_wait3A_65 : memref<8388608xi32, #tpu.memory_space<hbm>>) dst(%arg16 : memref<8192xi32, #tpu.memory_space<vmem>>)
        %scan3A_66 = arith.constant 0 : i32
        %scan3A_67 = arith.constant 32 : i32
        %scan3A_68 = arith.addi %scan3A_66, %scan3A_67 : i32
        %scan3A_69 = arith.constant 1 : i32
        scf.for %scan3A_96 = %scan3A_66 to %scan3A_68 step %scan3A_69  : i32 {
          %mul3A_97 = arith.constant 1 : i32
          %mul3A_98 = arith.muli %scan3A_96, %mul3A_97 : i32
          %add3A_99 = arith.constant 0 : i32
          %add3A_100 = arith.addi %add3A_99, %mul3A_98 : i32
          %mul3A_101 = arith.constant 16 : i32
          %mul3A_102 = arith.muli %add3A_100, %mul3A_101 : i32
          %add3A_103 = arith.constant 0 : i32
          %add3A_104 = arith.addi %add3A_103, %mul3A_102 : i32
          %get3A_105 = arith.constant 0 : i32
          %get3A_106 = arith.index_cast %get3A_105 : i32 to index
          %get3A_107 = arith.index_cast %add3A_104 : i32 to index
          %get3A_108 = tpu.vector_load %arg11[%get3A_106, %get3A_107] {strides = array<i32>} : memref<2x2048xf32, #tpu.memory_space<vmem>>, vector<16xf32>,
          %mul3A_109 = arith.constant 16 : i32
          %mul3A_110 = arith.muli %add3A_100, %mul3A_109 : i32
          %add3A_111 = arith.constant 512 : i32
          %add3A_112 = arith.addi %add3A_111, %mul3A_110 : i32
          %get3A_113 = arith.constant 0 : i32
          %get3A_114 = arith.index_cast %get3A_113 : i32 to index
          %get3A_115 = arith.index_cast %add3A_112 : i32 to index
          %get3A_116 = tpu.vector_load %arg11[%get3A_114, %get3A_115] {strides = array<i32>} : memref<2x2048xf32, #tpu.memory_space<vmem>>, vector<16xf32>,
          %mul3A_117 = arith.constant 16 : i32
          %mul3A_118 = arith.muli %add3A_100, %mul3A_117 : i32
          %add3A_119 = arith.constant 1024 : i32
          %add3A_120 = arith.addi %add3A_119, %mul3A_118 : i32
          %get3A_121 = arith.constant 0 : i32
          %get3A_122 = arith.index_cast %get3A_121 : i32 to index
          %get3A_123 = arith.index_cast %add3A_120 : i32 to index
          %get3A_124 = tpu.vector_load %arg11[%get3A_122, %get3A_123] {strides = array<i32>} : memref<2x2048xf32, #tpu.memory_space<vmem>>, vector<16xf32>,
          %mul3A_125 = arith.constant 16 : i32
          %mul3A_126 = arith.muli %add3A_100, %mul3A_125 : i32
          %add3A_127 = arith.constant 1536 : i32
          %add3A_128 = arith.addi %add3A_127, %mul3A_126 : i32
          %get3A_129 = arith.constant 0 : i32
          %get3A_130 = arith.index_cast %get3A_129 : i32 to index
          %get3A_131 = arith.index_cast %add3A_128 : i32 to index
          %get3A_132 = tpu.vector_load %arg11[%get3A_130, %get3A_131] {strides = array<i32>} : memref<2x2048xf32, #tpu.memory_space<vmem>>, vector<16xf32>,
          %sub3A = arith.constant 1.000000e+00 : f32
          %sub3A_133 = vector.broadcast %sub3A : f32 to vector<16xf32>
          %sub3A_134 = arith.subf %sub3A_133, %get3A_108 : vector<16xf32>
          %sub3A_135 = arith.constant 1.000000e+00 : f32
          %sub3A_136 = vector.broadcast %sub3A_135 : f32 to vector<16xf32>
          %sub3A_137 = arith.subf %sub3A_136, %get3A_116 : vector<16xf32>
          %sub3A_138 = arith.constant 1.000000e+00 : f32
          %sub3A_139 = vector.broadcast %sub3A_138 : f32 to vector<16xf32>
          %sub3A_140 = arith.subf %sub3A_139, %get3A_124 : vector<16xf32>
          %sub3A_141 = arith.constant 1.000000e+00 : f32
          %sub3A_142 = vector.broadcast %sub3A_141 : f32 to vector<16xf32>
          %sub3A_143 = arith.subf %sub3A_142, %get3A_132 : vector<16xf32>
          %mul3A_144 = arith.constant 16 : i32
          %mul3A_145 = arith.muli %add3A_100, %mul3A_144 : i32
          %add3A_146 = arith.constant 0 : i32
          %add3A_147 = arith.addi %add3A_146, %mul3A_145 : i32
          %get3A_148 = arith.index_cast %add3A_147 : i32 to index
          %get3A_149 = tpu.vector_load %arg16[%get3A_148] {strides = array<i32>} : memref<8192xi32, #tpu.memory_space<vmem>>, vector<16xi32>,
          %shift_left3A_150 = arith.constant 16 : i32
          %shift_left3A_151 = vector.broadcast %shift_left3A_150 : i32 to vector<16xi32>
          %shift_left3A_152 = arith.shli %get3A_149, %shift_left3A_151 : vector<16xi32>
          %bitcast_convert_type3A = tpu.bitcast %shift_left3A_152 : vector<16xi32> -> vector<16xf32>
          %and3A = arith.constant -65536 : i32
          %and3A_153 = vector.broadcast %and3A : i32 to vector<16xi32>
          %and3A_154 = arith.andi %get3A_149, %and3A_153 : vector<16xi32>
          %bitcast_convert_type3A_155 = tpu.bitcast %and3A_154 : vector<16xi32> -> vector<16xf32>
          %mul3A_156 = arith.constant 16 : i32
          %mul3A_157 = arith.muli %add3A_100, %mul3A_156 : i32
          %add3A_158 = arith.constant 512 : i32
          %add3A_159 = arith.addi %add3A_158, %mul3A_157 : i32
          %get3A_160 = arith.index_cast %add3A_159 : i32 to index
          %get3A_161 = tpu.vector_load %arg16[%get3A_160] {strides = array<i32>} : memref<8192xi32, #tpu.memory_space<vmem>>, vector<16xi32>,
          %shift_left3A_162 = arith.constant 16 : i32
          %shift_left3A_163 = vector.broadcast %shift_left3A_162 : i32 to vector<16xi32>
          %shift_left3A_164 = arith.shli %get3A_161, %shift_left3A_163 : vector<16xi32>
          %bitcast_convert_type3A_165 = tpu.bitcast %shift_left3A_164 : vector<16xi32> -> vector<16xf32>
          %and3A_166 = arith.constant -65536 : i32
          %and3A_167 = vector.broadcast %and3A_166 : i32 to vector<16xi32>
          %and3A_168 = arith.andi %get3A_161, %and3A_167 : vector<16xi32>
          %bitcast_convert_type3A_169 = tpu.bitcast %and3A_168 : vector<16xi32> -> vector<16xf32>
          %mul3A_170 = arith.constant 16 : i32
          %mul3A_171 = arith.muli %add3A_100, %mul3A_170 : i32
          %add3A_172 = arith.constant 1024 : i32
          %add3A_173 = arith.addi %add3A_172, %mul3A_171 : i32
          %get3A_174 = arith.index_cast %add3A_173 : i32 to index
          %get3A_175 = tpu.vector_load %arg16[%get3A_174] {strides = array<i32>} : memref<8192xi32, #tpu.memory_space<vmem>>, vector<16xi32>,
          %shift_left3A_176 = arith.constant 16 : i32
          %shift_left3A_177 = vector.broadcast %shift_left3A_176 : i32 to vector<16xi32>
          %shift_left3A_178 = arith.shli %get3A_175, %shift_left3A_177 : vector<16xi32>
          %bitcast_convert_type3A_179 = tpu.bitcast %shift_left3A_178 : vector<16xi32> -> vector<16xf32>
          %and3A_180 = arith.constant -65536 : i32
          %and3A_181 = vector.broadcast %and3A_180 : i32 to vector<16xi32>
          %and3A_182 = arith.andi %get3A_175, %and3A_181 : vector<16xi32>
          %bitcast_convert_type3A_183 = tpu.bitcast %and3A_182 : vector<16xi32> -> vector<16xf32>
          %mul3A_184 = arith.constant 16 : i32
          %mul3A_185 = arith.muli %add3A_100, %mul3A_184 : i32
          %add3A_186 = arith.constant 1536 : i32
          %add3A_187 = arith.addi %add3A_186, %mul3A_185 : i32
          %get3A_188 = arith.index_cast %add3A_187 : i32 to index
          %get3A_189 = tpu.vector_load %arg16[%get3A_188] {strides = array<i32>} : memref<8192xi32, #tpu.memory_space<vmem>>, vector<16xi32>,
          %shift_left3A_190 = arith.constant 16 : i32
          %shift_left3A_191 = vector.broadcast %shift_left3A_190 : i32 to vector<16xi32>
          %shift_left3A_192 = arith.shli %get3A_189, %shift_left3A_191 : vector<16xi32>
          %bitcast_convert_type3A_193 = tpu.bitcast %shift_left3A_192 : vector<16xi32> -> vector<16xf32>
          %and3A_194 = arith.constant -65536 : i32
          %and3A_195 = vector.broadcast %and3A_194 : i32 to vector<16xi32>
          %and3A_196 = arith.andi %get3A_189, %and3A_195 : vector<16xi32>
          %bitcast_convert_type3A_197 = tpu.bitcast %and3A_196 : vector<16xi32> -> vector<16xf32>
          %mul3A_198 = arith.constant 16 : i32
          %mul3A_199 = arith.muli %add3A_100, %mul3A_198 : i32
          %add3A_200 = arith.constant 2048 : i32
          %add3A_201 = arith.addi %add3A_200, %mul3A_199 : i32
          %get3A_202 = arith.index_cast %add3A_201 : i32 to index
          %get3A_203 = tpu.vector_load %arg16[%get3A_202] {strides = array<i32>} : memref<8192xi32, #tpu.memory_space<vmem>>, vector<16xi32>,
          %shift_left3A_204 = arith.constant 16 : i32
          %shift_left3A_205 = vector.broadcast %shift_left3A_204 : i32 to vector<16xi32>
          %shift_left3A_206 = arith.shli %get3A_203, %shift_left3A_205 : vector<16xi32>
          %bitcast_convert_type3A_207 = tpu.bitcast %shift_left3A_206 : vector<16xi32> -> vector<16xf32>
          %and3A_208 = arith.constant -65536 : i32
          %and3A_209 = vector.broadcast %and3A_208 : i32 to vector<16xi32>
          %and3A_210 = arith.andi %get3A_203, %and3A_209 : vector<16xi32>
          %bitcast_convert_type3A_211 = tpu.bitcast %and3A_210 : vector<16xi32> -> vector<16xf32>
          %mul3A_212 = arith.constant 16 : i32
          %mul3A_213 = arith.muli %add3A_100, %mul3A_212 : i32
          %add3A_214 = arith.constant 2560 : i32
          %add3A_215 = arith.addi %add3A_214, %mul3A_213 : i32
          %get3A_216 = arith.index_cast %add3A_215 : i32 to index
          %get3A_217 = tpu.vector_load %arg16[%get3A_216] {strides = array<i32>} : memref<8192xi32, #tpu.memory_space<vmem>>, vector<16xi32>,
          %shift_left3A_218 = arith.constant 16 : i32
          %shift_left3A_219 = vector.broadcast %shift_left3A_218 : i32 to vector<16xi32>
          %shift_left3A_220 = arith.shli %get3A_217, %shift_left3A_219 : vector<16xi32>
          %bitcast_convert_type3A_221 = tpu.bitcast %shift_left3A_220 : vector<16xi32> -> vector<16xf32>
          %and3A_222 = arith.constant -65536 : i32
          %and3A_223 = vector.broadcast %and3A_222 : i32 to vector<16xi32>
          %and3A_224 = arith.andi %get3A_217, %and3A_223 : vector<16xi32>
          %bitcast_convert_type3A_225 = tpu.bitcast %and3A_224 : vector<16xi32> -> vector<16xf32>
          %mul3A_226 = arith.constant 16 : i32
          %mul3A_227 = arith.muli %add3A_100, %mul3A_226 : i32
          %add3A_228 = arith.constant 3072 : i32
          %add3A_229 = arith.addi %add3A_228, %mul3A_227 : i32
          %get3A_230 = arith.index_cast %add3A_229 : i32 to index
          %get3A_231 = tpu.vector_load %arg16[%get3A_230] {strides = array<i32>} : memref<8192xi32, #tpu.memory_space<vmem>>, vector<16xi32>,
          %shift_left3A_232 = arith.constant 16 : i32
          %shift_left3A_233 = vector.broadcast %shift_left3A_232 : i32 to vector<16xi32>
          %shift_left3A_234 = arith.shli %get3A_231, %shift_left3A_233 : vector<16xi32>
          %bitcast_convert_type3A_235 = tpu.bitcast %shift_left3A_234 : vector<16xi32> -> vector<16xf32>
          %and3A_236 = arith.constant -65536 : i32
          %and3A_237 = vector.broadcast %and3A_236 : i32 to vector<16xi32>
          %and3A_238 = arith.andi %get3A_231, %and3A_237 : vector<16xi32>
          %bitcast_convert_type3A_239 = tpu.bitcast %and3A_238 : vector<16xi32> -> vector<16xf32>
          %mul3A_240 = arith.constant 16 : i32
          %mul3A_241 = arith.muli %add3A_100, %mul3A_240 : i32
          %add3A_242 = arith.constant 3584 : i32
          %add3A_243 = arith.addi %add3A_242, %mul3A_241 : i32
          %get3A_244 = arith.index_cast %add3A_243 : i32 to index
          %get3A_245 = tpu.vector_load %arg16[%get3A_244] {strides = array<i32>} : memref<8192xi32, #tpu.memory_space<vmem>>, vector<16xi32>,
          %shift_left3A_246 = arith.constant 16 : i32
          %shift_left3A_247 = vector.broadcast %shift_left3A_246 : i32 to vector<16xi32>
          %shift_left3A_248 = arith.shli %get3A_245, %shift_left3A_247 : vector<16xi32>
          %bitcast_convert_type3A_249 = tpu.bitcast %shift_left3A_248 : vector<16xi32> -> vector<16xf32>
          %and3A_250 = arith.constant -65536 : i32
          %and3A_251 = vector.broadcast %and3A_250 : i32 to vector<16xi32>
          %and3A_252 = arith.andi %get3A_245, %and3A_251 : vector<16xi32>
          %bitcast_convert_type3A_253 = tpu.bitcast %and3A_252 : vector<16xi32> -> vector<16xf32>
          %mul3A_254 = arith.constant 16 : i32
          %mul3A_255 = arith.muli %add3A_100, %mul3A_254 : i32
          %add3A_256 = arith.constant 4096 : i32
          %add3A_257 = arith.addi %add3A_256, %mul3A_255 : i32
          %get3A_258 = arith.index_cast %add3A_257 : i32 to index
          %get3A_259 = tpu.vector_load %arg16[%get3A_258] {strides = array<i32>} : memref<8192xi32, #tpu.memory_space<vmem>>, vector<16xi32>,
          %shift_left3A_260 = arith.constant 16 : i32
          %shift_left3A_261 = vector.broadcast %shift_left3A_260 : i32 to vector<16xi32>
          %shift_left3A_262 = arith.shli %get3A_259, %shift_left3A_261 : vector<16xi32>
          %bitcast_convert_type3A_263 = tpu.bitcast %shift_left3A_262 : vector<16xi32> -> vector<16xf32>
          %and3A_264 = arith.constant -65536 : i32
          %and3A_265 = vector.broadcast %and3A_264 : i32 to vector<16xi32>
          %and3A_266 = arith.andi %get3A_259, %and3A_265 : vector<16xi32>
          %bitcast_convert_type3A_267 = tpu.bitcast %and3A_266 : vector<16xi32> -> vector<16xf32>
          %mul3A_268 = arith.constant 16 : i32
          %mul3A_269 = arith.muli %add3A_100, %mul3A_268 : i32
          %add3A_270 = arith.constant 4608 : i32
          %add3A_271 = arith.addi %add3A_270, %mul3A_269 : i32
          %get3A_272 = arith.index_cast %add3A_271 : i32 to index
          %get3A_273 = tpu.vector_load %arg16[%get3A_272] {strides = array<i32>} : memref<8192xi32, #tpu.memory_space<vmem>>, vector<16xi32>,
          %shift_left3A_274 = arith.constant 16 : i32
          %shift_left3A_275 = vector.broadcast %shift_left3A_274 : i32 to vector<16xi32>
          %shift_left3A_276 = arith.shli %get3A_273, %shift_left3A_275 : vector<16xi32>
          %bitcast_convert_type3A_277 = tpu.bitcast %shift_left3A_276 : vector<16xi32> -> vector<16xf32>
          %and3A_278 = arith.constant -65536 : i32
          %and3A_279 = vector.broadcast %and3A_278 : i32 to vector<16xi32>
          %and3A_280 = arith.andi %get3A_273, %and3A_279 : vector<16xi32>
          %bitcast_convert_type3A_281 = tpu.bitcast %and3A_280 : vector<16xi32> -> vector<16xf32>
          %mul3A_282 = arith.constant 16 : i32
          %mul3A_283 = arith.muli %add3A_100, %mul3A_282 : i32
          %add3A_284 = arith.constant 5120 : i32
          %add3A_285 = arith.addi %add3A_284, %mul3A_283 : i32
          %get3A_286 = arith.index_cast %add3A_285 : i32 to index
          %get3A_287 = tpu.vector_load %arg16[%get3A_286] {strides = array<i32>} : memref<8192xi32, #tpu.memory_space<vmem>>, vector<16xi32>,
          %shift_left3A_288 = arith.constant 16 : i32
          %shift_left3A_289 = vector.broadcast %shift_left3A_288 : i32 to vector<16xi32>
          %shift_left3A_290 = arith.shli %get3A_287, %shift_left3A_289 : vector<16xi32>
          %bitcast_convert_type3A_291 = tpu.bitcast %shift_left3A_290 : vector<16xi32> -> vector<16xf32>
          %and3A_292 = arith.constant -65536 : i32
          %and3A_293 = vector.broadcast %and3A_292 : i32 to vector<16xi32>
          %and3A_294 = arith.andi %get3A_287, %and3A_293 : vector<16xi32>
          %bitcast_convert_type3A_295 = tpu.bitcast %and3A_294 : vector<16xi32> -> vector<16xf32>
          %mul3A_296 = arith.constant 16 : i32
          %mul3A_297 = arith.muli %add3A_100, %mul3A_296 : i32
          %add3A_298 = arith.constant 5632 : i32
          %add3A_299 = arith.addi %add3A_298, %mul3A_297 : i32
          %get3A_300 = arith.index_cast %add3A_299 : i32 to index
          %get3A_301 = tpu.vector_load %arg16[%get3A_300] {strides = array<i32>} : memref<8192xi32, #tpu.memory_space<vmem>>, vector<16xi32>,
          %shift_left3A_302 = arith.constant 16 : i32
          %shift_left3A_303 = vector.broadcast %shift_left3A_302 : i32 to vector<16xi32>
          %shift_left3A_304 = arith.shli %get3A_301, %shift_left3A_303 : vector<16xi32>
          %bitcast_convert_type3A_305 = tpu.bitcast %shift_left3A_304 : vector<16xi32> -> vector<16xf32>
          %and3A_306 = arith.constant -65536 : i32
          %and3A_307 = vector.broadcast %and3A_306 : i32 to vector<16xi32>
          %and3A_308 = arith.andi %get3A_301, %and3A_307 : vector<16xi32>
          %bitcast_convert_type3A_309 = tpu.bitcast %and3A_308 : vector<16xi32> -> vector<16xf32>
          %mul3A_310 = arith.constant 16 : i32
          %mul3A_311 = arith.muli %add3A_100, %mul3A_310 : i32
          %add3A_312 = arith.constant 6144 : i32
          %add3A_313 = arith.addi %add3A_312, %mul3A_311 : i32
          %get3A_314 = arith.index_cast %add3A_313 : i32 to index
          %get3A_315 = tpu.vector_load %arg16[%get3A_314] {strides = array<i32>} : memref<8192xi32, #tpu.memory_space<vmem>>, vector<16xi32>,
          %shift_left3A_316 = arith.constant 16 : i32
          %shift_left3A_317 = vector.broadcast %shift_left3A_316 : i32 to vector<16xi32>
          %shift_left3A_318 = arith.shli %get3A_315, %shift_left3A_317 : vector<16xi32>
          %bitcast_convert_type3A_319 = tpu.bitcast %shift_left3A_318 : vector<16xi32> -> vector<16xf32>
          %and3A_320 = arith.constant -65536 : i32
          %and3A_321 = vector.broadcast %and3A_320 : i32 to vector<16xi32>
          %and3A_322 = arith.andi %get3A_315, %and3A_321 : vector<16xi32>
          %bitcast_convert_type3A_323 = tpu.bitcast %and3A_322 : vector<16xi32> -> vector<16xf32>
          %mul3A_324 = arith.constant 16 : i32
          %mul3A_325 = arith.muli %add3A_100, %mul3A_324 : i32
          %add3A_326 = arith.constant 6656 : i32
          %add3A_327 = arith.addi %add3A_326, %mul3A_325 : i32
          %get3A_328 = arith.index_cast %add3A_327 : i32 to index
          %get3A_329 = tpu.vector_load %arg16[%get3A_328] {strides = array<i32>} : memref<8192xi32, #tpu.memory_space<vmem>>, vector<16xi32>,
          %shift_left3A_330 = arith.constant 16 : i32
          %shift_left3A_331 = vector.broadcast %shift_left3A_330 : i32 to vector<16xi32>
          %shift_left3A_332 = arith.shli %get3A_329, %shift_left3A_331 : vector<16xi32>
          %bitcast_convert_type3A_333 = tpu.bitcast %shift_left3A_332 : vector<16xi32> -> vector<16xf32>
          %and3A_334 = arith.constant -65536 : i32
          %and3A_335 = vector.broadcast %and3A_334 : i32 to vector<16xi32>
          %and3A_336 = arith.andi %get3A_329, %and3A_335 : vector<16xi32>
          %bitcast_convert_type3A_337 = tpu.bitcast %and3A_336 : vector<16xi32> -> vector<16xf32>
          %mul3A_338 = arith.constant 16 : i32
          %mul3A_339 = arith.muli %add3A_100, %mul3A_338 : i32
          %add3A_340 = arith.constant 7168 : i32
          %add3A_341 = arith.addi %add3A_340, %mul3A_339 : i32
          %get3A_342 = arith.index_cast %add3A_341 : i32 to index
          %get3A_343 = tpu.vector_load %arg16[%get3A_342] {strides = array<i32>} : memref<8192xi32, #tpu.memory_space<vmem>>, vector<16xi32>,
          %shift_left3A_344 = arith.constant 16 : i32
          %shift_left3A_345 = vector.broadcast %shift_left3A_344 : i32 to vector<16xi32>
          %shift_left3A_346 = arith.shli %get3A_343, %shift_left3A_345 : vector<16xi32>
          %bitcast_convert_type3A_347 = tpu.bitcast %shift_left3A_346 : vector<16xi32> -> vector<16xf32>
          %and3A_348 = arith.constant -65536 : i32
          %and3A_349 = vector.broadcast %and3A_348 : i32 to vector<16xi32>
          %and3A_350 = arith.andi %get3A_343, %and3A_349 : vector<16xi32>
          %bitcast_convert_type3A_351 = tpu.bitcast %and3A_350 : vector<16xi32> -> vector<16xf32>
          %mul3A_352 = arith.constant 16 : i32
          %mul3A_353 = arith.muli %add3A_100, %mul3A_352 : i32
          %add3A_354 = arith.constant 7680 : i32
          %add3A_355 = arith.addi %add3A_354, %mul3A_353 : i32
          %get3A_356 = arith.index_cast %add3A_355 : i32 to index
          %get3A_357 = tpu.vector_load %arg16[%get3A_356] {strides = array<i32>} : memref<8192xi32, #tpu.memory_space<vmem>>, vector<16xi32>,
          %shift_left3A_358 = arith.constant 16 : i32
          %shift_left3A_359 = vector.broadcast %shift_left3A_358 : i32 to vector<16xi32>
          %shift_left3A_360 = arith.shli %get3A_357, %shift_left3A_359 : vector<16xi32>
          %bitcast_convert_type3A_361 = tpu.bitcast %shift_left3A_360 : vector<16xi32> -> vector<16xf32>
          %and3A_362 = arith.constant -65536 : i32
          %and3A_363 = vector.broadcast %and3A_362 : i32 to vector<16xi32>
          %and3A_364 = arith.andi %get3A_357, %and3A_363 : vector<16xi32>
          %bitcast_convert_type3A_365 = tpu.bitcast %and3A_364 : vector<16xi32> -> vector<16xf32>
          %mul3A_366 = arith.mulf %bitcast_convert_type3A, %sub3A_134 : vector<16xf32>
          %mul3A_367 = arith.mulf %bitcast_convert_type3A_263, %get3A_108 : vector<16xf32>
          %add3A_368 = arith.addf %mul3A_366, %mul3A_367 : vector<16xf32>
          %mul3A_369 = arith.mulf %bitcast_convert_type3A_165, %sub3A_134 : vector<16xf32>
          %mul3A_370 = arith.mulf %bitcast_convert_type3A_277, %get3A_108 : vector<16xf32>
          %add3A_371 = arith.addf %mul3A_369, %mul3A_370 : vector<16xf32>
          %mul3A_372 = arith.mulf %bitcast_convert_type3A_179, %sub3A_134 : vector<16xf32>
          %mul3A_373 = arith.mulf %bitcast_convert_type3A_291, %get3A_108 : vector<16xf32>
          %add3A_374 = arith.addf %mul3A_372, %mul3A_373 : vector<16xf32>
          %mul3A_375 = arith.mulf %bitcast_convert_type3A_193, %sub3A_134 : vector<16xf32>
          %mul3A_376 = arith.mulf %bitcast_convert_type3A_305, %get3A_108 : vector<16xf32>
          %add3A_377 = arith.addf %mul3A_375, %mul3A_376 : vector<16xf32>
          %mul3A_378 = arith.mulf %bitcast_convert_type3A_207, %sub3A_134 : vector<16xf32>
          %mul3A_379 = arith.mulf %bitcast_convert_type3A_319, %get3A_108 : vector<16xf32>
          %add3A_380 = arith.addf %mul3A_378, %mul3A_379 : vector<16xf32>
          %mul3A_381 = arith.mulf %bitcast_convert_type3A_221, %sub3A_134 : vector<16xf32>
          %mul3A_382 = arith.mulf %bitcast_convert_type3A_333, %get3A_108 : vector<16xf32>
          %add3A_383 = arith.addf %mul3A_381, %mul3A_382 : vector<16xf32>
          %mul3A_384 = arith.mulf %bitcast_convert_type3A_235, %sub3A_134 : vector<16xf32>
          %mul3A_385 = arith.mulf %bitcast_convert_type3A_347, %get3A_108 : vector<16xf32>
          %add3A_386 = arith.addf %mul3A_384, %mul3A_385 : vector<16xf32>
          %mul3A_387 = arith.mulf %bitcast_convert_type3A_249, %sub3A_134 : vector<16xf32>
          %mul3A_388 = arith.mulf %bitcast_convert_type3A_361, %get3A_108 : vector<16xf32>
          %add3A_389 = arith.addf %mul3A_387, %mul3A_388 : vector<16xf32>
          %mul3A_390 = arith.mulf %bitcast_convert_type3A_155, %sub3A_134 : vector<16xf32>
          %mul3A_391 = arith.mulf %bitcast_convert_type3A_267, %get3A_108 : vector<16xf32>
          %add3A_392 = arith.addf %mul3A_390, %mul3A_391 : vector<16xf32>
          %mul3A_393 = arith.mulf %bitcast_convert_type3A_169, %sub3A_134 : vector<16xf32>
          %mul3A_394 = arith.mulf %bitcast_convert_type3A_281, %get3A_108 : vector<16xf32>
          %add3A_395 = arith.addf %mul3A_393, %mul3A_394 : vector<16xf32>
          %mul3A_396 = arith.mulf %bitcast_convert_type3A_183, %sub3A_134 : vector<16xf32>
          %mul3A_397 = arith.mulf %bitcast_convert_type3A_295, %get3A_108 : vector<16xf32>
          %add3A_398 = arith.addf %mul3A_396, %mul3A_397 : vector<16xf32>
          %mul3A_399 = arith.mulf %bitcast_convert_type3A_197, %sub3A_134 : vector<16xf32>
          %mul3A_400 = arith.mulf %bitcast_convert_type3A_309, %get3A_108 : vector<16xf32>
          %add3A_401 = arith.addf %mul3A_399, %mul3A_400 : vector<16xf32>
          %mul3A_402 = arith.mulf %bitcast_convert_type3A_211, %sub3A_134 : vector<16xf32>
          %mul3A_403 = arith.mulf %bitcast_convert_type3A_323, %get3A_108 : vector<16xf32>
          %add3A_404 = arith.addf %mul3A_402, %mul3A_403 : vector<16xf32>
          %mul3A_405 = arith.mulf %bitcast_convert_type3A_225, %sub3A_134 : vector<16xf32>
          %mul3A_406 = arith.mulf %bitcast_convert_type3A_337, %get3A_108 : vector<16xf32>
          %add3A_407 = arith.addf %mul3A_405, %mul3A_406 : vector<16xf32>
          %mul3A_408 = arith.mulf %bitcast_convert_type3A_239, %sub3A_134 : vector<16xf32>
          %mul3A_409 = arith.mulf %bitcast_convert_type3A_351, %get3A_108 : vector<16xf32>
          %add3A_410 = arith.addf %mul3A_408, %mul3A_409 : vector<16xf32>
          %mul3A_411 = arith.mulf %bitcast_convert_type3A_253, %sub3A_134 : vector<16xf32>
          %mul3A_412 = arith.mulf %bitcast_convert_type3A_365, %get3A_108 : vector<16xf32>
          %add3A_413 = arith.addf %mul3A_411, %mul3A_412 : vector<16xf32>
          %mul3A_414 = arith.mulf %add3A_368, %sub3A_137 : vector<16xf32>
          %mul3A_415 = arith.mulf %add3A_380, %get3A_116 : vector<16xf32>
          %add3A_416 = arith.addf %mul3A_414, %mul3A_415 : vector<16xf32>
          %mul3A_417 = arith.mulf %add3A_371, %sub3A_137 : vector<16xf32>
          %mul3A_418 = arith.mulf %add3A_383, %get3A_116 : vector<16xf32>
          %add3A_419 = arith.addf %mul3A_417, %mul3A_418 : vector<16xf32>
          %mul3A_420 = arith.mulf %add3A_374, %sub3A_137 : vector<16xf32>
          %mul3A_421 = arith.mulf %add3A_386, %get3A_116 : vector<16xf32>
          %add3A_422 = arith.addf %mul3A_420, %mul3A_421 : vector<16xf32>
          %mul3A_423 = arith.mulf %add3A_377, %sub3A_137 : vector<16xf32>
          %mul3A_424 = arith.mulf %add3A_389, %get3A_116 : vector<16xf32>
          %add3A_425 = arith.addf %mul3A_423, %mul3A_424 : vector<16xf32>
          %mul3A_426 = arith.mulf %add3A_392, %sub3A_137 : vector<16xf32>
          %mul3A_427 = arith.mulf %add3A_404, %get3A_116 : vector<16xf32>
          %add3A_428 = arith.addf %mul3A_426, %mul3A_427 : vector<16xf32>
          %mul3A_429 = arith.mulf %add3A_395, %sub3A_137 : vector<16xf32>
          %mul3A_430 = arith.mulf %add3A_407, %get3A_116 : vector<16xf32>
          %add3A_431 = arith.addf %mul3A_429, %mul3A_430 : vector<16xf32>
          %mul3A_432 = arith.mulf %add3A_398, %sub3A_137 : vector<16xf32>
          %mul3A_433 = arith.mulf %add3A_410, %get3A_116 : vector<16xf32>
          %add3A_434 = arith.addf %mul3A_432, %mul3A_433 : vector<16xf32>
          %mul3A_435 = arith.mulf %add3A_401, %sub3A_137 : vector<16xf32>
          %mul3A_436 = arith.mulf %add3A_413, %get3A_116 : vector<16xf32>
          %add3A_437 = arith.addf %mul3A_435, %mul3A_436 : vector<16xf32>
          %mul3A_438 = arith.mulf %add3A_416, %sub3A_140 : vector<16xf32>
          %mul3A_439 = arith.mulf %add3A_422, %get3A_124 : vector<16xf32>
          %add3A_440 = arith.addf %mul3A_438, %mul3A_439 : vector<16xf32>
          %mul3A_441 = arith.mulf %add3A_419, %sub3A_140 : vector<16xf32>
          %mul3A_442 = arith.mulf %add3A_425, %get3A_124 : vector<16xf32>
          %add3A_443 = arith.addf %mul3A_441, %mul3A_442 : vector<16xf32>
          %mul3A_444 = arith.mulf %add3A_428, %sub3A_140 : vector<16xf32>
          %mul3A_445 = arith.mulf %add3A_434, %get3A_124 : vector<16xf32>
          %add3A_446 = arith.addf %mul3A_444, %mul3A_445 : vector<16xf32>
          %mul3A_447 = arith.mulf %add3A_431, %sub3A_140 : vector<16xf32>
          %mul3A_448 = arith.mulf %add3A_437, %get3A_124 : vector<16xf32>
          %add3A_449 = arith.addf %mul3A_447, %mul3A_448 : vector<16xf32>
          %mul3A_450 = arith.mulf %add3A_440, %sub3A_143 : vector<16xf32>
          %mul3A_451 = arith.mulf %add3A_443, %get3A_132 : vector<16xf32>
          %add3A_452 = arith.addf %mul3A_450, %mul3A_451 : vector<16xf32>
          %mul3A_453 = arith.mulf %add3A_446, %sub3A_143 : vector<16xf32>
          %mul3A_454 = arith.mulf %add3A_449, %get3A_132 : vector<16xf32>
          %add3A_455 = arith.addf %mul3A_453, %mul3A_454 : vector<16xf32>
          %mul3A_456 = arith.constant 16 : i32
          %mul3A_457 = arith.muli %add3A_100, %mul3A_456 : i32
          %add3A_458 = arith.constant 0 : i32
          %add3A_459 = arith.addi %add3A_458, %mul3A_457 : i32
          %get3A_460 = arith.index_cast %add3A_459 : i32 to index
          %get3A_461 = tpu.vector_load %arg14[%get3A_460] {strides = array<i32>} : memref<4096xi32, #tpu.memory_space<vmem>>, vector<16xi32>,
          %gather3A = tpu.vector_load_idx %arg18[%get3A_461] : memref<32768xi32, #tpu.memory_space<vmem>>[vector<16xi32>], vector<16xi32>,
          %shift_left3A_462 = arith.constant 16 : i32
          %shift_left3A_463 = vector.broadcast %shift_left3A_462 : i32 to vector<16xi32>
          %shift_left3A_464 = arith.shli %gather3A, %shift_left3A_463 : vector<16xi32>
          %bitcast_convert_type3A_465 = tpu.bitcast %shift_left3A_464 : vector<16xi32> -> vector<16xf32>
          %and3A_466 = arith.constant -65536 : i32
          %and3A_467 = vector.broadcast %and3A_466 : i32 to vector<16xi32>
          %and3A_468 = arith.andi %gather3A, %and3A_467 : vector<16xi32>
          %bitcast_convert_type3A_469 = tpu.bitcast %and3A_468 : vector<16xi32> -> vector<16xf32>
          %mul3A_470 = arith.constant 16 : i32
          %mul3A_471 = arith.muli %add3A_100, %mul3A_470 : i32
          %add3A_472 = arith.constant 512 : i32
          %add3A_473 = arith.addi %add3A_472, %mul3A_471 : i32
          %get3A_474 = arith.index_cast %add3A_473 : i32 to index
          %get3A_475 = tpu.vector_load %arg14[%get3A_474] {strides = array<i32>} : memref<4096xi32, #tpu.memory_space<vmem>>, vector<16xi32>,
          %gather3A_476 = tpu.vector_load_idx %arg18[%get3A_475] : memref<32768xi32, #tpu.memory_space<vmem>>[vector<16xi32>], vector<16xi32>,
          %shift_left3A_477 = arith.constant 16 : i32
          %shift_left3A_478 = vector.broadcast %shift_left3A_477 : i32 to vector<16xi32>
          %shift_left3A_479 = arith.shli %gather3A_476, %shift_left3A_478 : vector<16xi32>
          %bitcast_convert_type3A_480 = tpu.bitcast %shift_left3A_479 : vector<16xi32> -> vector<16xf32>
          %and3A_481 = arith.constant -65536 : i32
          %and3A_482 = vector.broadcast %and3A_481 : i32 to vector<16xi32>
          %and3A_483 = arith.andi %gather3A_476, %and3A_482 : vector<16xi32>
          %bitcast_convert_type3A_484 = tpu.bitcast %and3A_483 : vector<16xi32> -> vector<16xf32>
          %mul3A_485 = arith.constant 16 : i32
          %mul3A_486 = arith.muli %add3A_100, %mul3A_485 : i32
          %add3A_487 = arith.constant 1024 : i32
          %add3A_488 = arith.addi %add3A_487, %mul3A_486 : i32
          %get3A_489 = arith.index_cast %add3A_488 : i32 to index
          %get3A_490 = tpu.vector_load %arg14[%get3A_489] {strides = array<i32>} : memref<4096xi32, #tpu.memory_space<vmem>>, vector<16xi32>,
          %gather3A_491 = tpu.vector_load_idx %arg18[%get3A_490] : memref<32768xi32, #tpu.memory_space<vmem>>[vector<16xi32>], vector<16xi32>,
          %shift_left3A_492 = arith.constant 16 : i32
          %shift_left3A_493 = vector.broadcast %shift_left3A_492 : i32 to vector<16xi32>
          %shift_left3A_494 = arith.shli %gather3A_491, %shift_left3A_493 : vector<16xi32>
          %bitcast_convert_type3A_495 = tpu.bitcast %shift_left3A_494 : vector<16xi32> -> vector<16xf32>
          %and3A_496 = arith.constant -65536 : i32
          %and3A_497 = vector.broadcast %and3A_496 : i32 to vector<16xi32>
          %and3A_498 = arith.andi %gather3A_491, %and3A_497 : vector<16xi32>
          %bitcast_convert_type3A_499 = tpu.bitcast %and3A_498 : vector<16xi32> -> vector<16xf32>
          %mul3A_500 = arith.constant 16 : i32
          %mul3A_501 = arith.muli %add3A_100, %mul3A_500 : i32
          %add3A_502 = arith.constant 1536 : i32
          %add3A_503 = arith.addi %add3A_502, %mul3A_501 : i32
          %get3A_504 = arith.index_cast %add3A_503 : i32 to index
          %get3A_505 = tpu.vector_load %arg14[%get3A_504] {strides = array<i32>} : memref<4096xi32, #tpu.memory_space<vmem>>, vector<16xi32>,
          %gather3A_506 = tpu.vector_load_idx %arg18[%get3A_505] : memref<32768xi32, #tpu.memory_space<vmem>>[vector<16xi32>], vector<16xi32>,
          %shift_left3A_507 = arith.constant 16 : i32
          %shift_left3A_508 = vector.broadcast %shift_left3A_507 : i32 to vector<16xi32>
          %shift_left3A_509 = arith.shli %gather3A_506, %shift_left3A_508 : vector<16xi32>
          %bitcast_convert_type3A_510 = tpu.bitcast %shift_left3A_509 : vector<16xi32> -> vector<16xf32>
          %and3A_511 = arith.constant -65536 : i32
          %and3A_512 = vector.broadcast %and3A_511 : i32 to vector<16xi32>
          %and3A_513 = arith.andi %gather3A_506, %and3A_512 : vector<16xi32>
          %bitcast_convert_type3A_514 = tpu.bitcast %and3A_513 : vector<16xi32> -> vector<16xf32>
          %mul3A_515 = arith.constant 16 : i32
          %mul3A_516 = arith.muli %add3A_100, %mul3A_515 : i32
          %add3A_517 = arith.constant 2048 : i32
          %add3A_518 = arith.addi %add3A_517, %mul3A_516 : i32
          %get3A_519 = arith.index_cast %add3A_518 : i32 to index
          %get3A_520 = tpu.vector_load %arg14[%get3A_519] {strides = array<i32>} : memref<4096xi32, #tpu.memory_space<vmem>>, vector<16xi32>,
          %gather3A_521 = tpu.vector_load_idx %arg18[%get3A_520] : memref<32768xi32, #tpu.memory_space<vmem>>[vector<16xi32>], vector<16xi32>,
          %shift_left3A_522 = arith.constant 16 : i32
          %shift_left3A_523 = vector.broadcast %shift_left3A_522 : i32 to vector<16xi32>
          %shift_left3A_524 = arith.shli %gather3A_521, %shift_left3A_523 : vector<16xi32>
          %bitcast_convert_type3A_525 = tpu.bitcast %shift_left3A_524 : vector<16xi32> -> vector<16xf32>
          %and3A_526 = arith.constant -65536 : i32
          %and3A_527 = vector.broadcast %and3A_526 : i32 to vector<16xi32>
          %and3A_528 = arith.andi %gather3A_521, %and3A_527 : vector<16xi32>
          %bitcast_convert_type3A_529 = tpu.bitcast %and3A_528 : vector<16xi32> -> vector<16xf32>
          %mul3A_530 = arith.constant 16 : i32
          %mul3A_531 = arith.muli %add3A_100, %mul3A_530 : i32
          %add3A_532 = arith.constant 2560 : i32
          %add3A_533 = arith.addi %add3A_532, %mul3A_531 : i32
          %get3A_534 = arith.index_cast %add3A_533 : i32 to index
          %get3A_535 = tpu.vector_load %arg14[%get3A_534] {strides = array<i32>} : memref<4096xi32, #tpu.memory_space<vmem>>, vector<16xi32>,
          %gather3A_536 = tpu.vector_load_idx %arg18[%get3A_535] : memref<32768xi32, #tpu.memory_space<vmem>>[vector<16xi32>], vector<16xi32>,
          %shift_left3A_537 = arith.constant 16 : i32
          %shift_left3A_538 = vector.broadcast %shift_left3A_537 : i32 to vector<16xi32>
          %shift_left3A_539 = arith.shli %gather3A_536, %shift_left3A_538 : vector<16xi32>
          %bitcast_convert_type3A_540 = tpu.bitcast %shift_left3A_539 : vector<16xi32> -> vector<16xf32>
          %and3A_541 = arith.constant -65536 : i32
          %and3A_542 = vector.broadcast %and3A_541 : i32 to vector<16xi32>
          %and3A_543 = arith.andi %gather3A_536, %and3A_542 : vector<16xi32>
          %bitcast_convert_type3A_544 = tpu.bitcast %and3A_543 : vector<16xi32> -> vector<16xf32>
          %mul3A_545 = arith.constant 16 : i32
          %mul3A_546 = arith.muli %add3A_100, %mul3A_545 : i32
          %add3A_547 = arith.constant 3072 : i32
          %add3A_548 = arith.addi %add3A_547, %mul3A_546 : i32
          %get3A_549 = arith.index_cast %add3A_548 : i32 to index
          %get3A_550 = tpu.vector_load %arg14[%get3A_549] {strides = array<i32>} : memref<4096xi32, #tpu.memory_space<vmem>>, vector<16xi32>,
          %gather3A_551 = tpu.vector_load_idx %arg18[%get3A_550] : memref<32768xi32, #tpu.memory_space<vmem>>[vector<16xi32>], vector<16xi32>,
          %shift_left3A_552 = arith.constant 16 : i32
          %shift_left3A_553 = vector.broadcast %shift_left3A_552 : i32 to vector<16xi32>
          %shift_left3A_554 = arith.shli %gather3A_551, %shift_left3A_553 : vector<16xi32>
          %bitcast_convert_type3A_555 = tpu.bitcast %shift_left3A_554 : vector<16xi32> -> vector<16xf32>
          %and3A_556 = arith.constant -65536 : i32
          %and3A_557 = vector.broadcast %and3A_556 : i32 to vector<16xi32>
          %and3A_558 = arith.andi %gather3A_551, %and3A_557 : vector<16xi32>
          %bitcast_convert_type3A_559 = tpu.bitcast %and3A_558 : vector<16xi32> -> vector<16xf32>
          %mul3A_560 = arith.constant 16 : i32
          %mul3A_561 = arith.muli %add3A_100, %mul3A_560 : i32
          %add3A_562 = arith.constant 3584 : i32
          %add3A_563 = arith.addi %add3A_562, %mul3A_561 : i32
          %get3A_564 = arith.index_cast %add3A_563 : i32 to index
          %get3A_565 = tpu.vector_load %arg14[%get3A_564] {strides = array<i32>} : memref<4096xi32, #tpu.memory_space<vmem>>, vector<16xi32>,
          %gather3A_566 = tpu.vector_load_idx %arg18[%get3A_565] : memref<32768xi32, #tpu.memory_space<vmem>>[vector<16xi32>], vector<16xi32>,
          %shift_left3A_567 = arith.constant 16 : i32
          %shift_left3A_568 = vector.broadcast %shift_left3A_567 : i32 to vector<16xi32>
          %shift_left3A_569 = arith.shli %gather3A_566, %shift_left3A_568 : vector<16xi32>
          %bitcast_convert_type3A_570 = tpu.bitcast %shift_left3A_569 : vector<16xi32> -> vector<16xf32>
          %and3A_571 = arith.constant -65536 : i32
          %and3A_572 = vector.broadcast %and3A_571 : i32 to vector<16xi32>
          %and3A_573 = arith.andi %gather3A_566, %and3A_572 : vector<16xi32>
          %bitcast_convert_type3A_574 = tpu.bitcast %and3A_573 : vector<16xi32> -> vector<16xf32>
          %mul3A_575 = arith.mulf %bitcast_convert_type3A_465, %sub3A_134 : vector<16xf32>
          %mul3A_576 = arith.mulf %bitcast_convert_type3A_525, %get3A_108 : vector<16xf32>
          %add3A_577 = arith.addf %mul3A_575, %mul3A_576 : vector<16xf32>
          %mul3A_578 = arith.mulf %bitcast_convert_type3A_480, %sub3A_134 : vector<16xf32>
          %mul3A_579 = arith.mulf %bitcast_convert_type3A_540, %get3A_108 : vector<16xf32>
          %add3A_580 = arith.addf %mul3A_578, %mul3A_579 : vector<16xf32>
          %mul3A_581 = arith.mulf %bitcast_convert_type3A_495, %sub3A_134 : vector<16xf32>
          %mul3A_582 = arith.mulf %bitcast_convert_type3A_555, %get3A_108 : vector<16xf32>
          %add3A_583 = arith.addf %mul3A_581, %mul3A_582 : vector<16xf32>
          %mul3A_584 = arith.mulf %bitcast_convert_type3A_510, %sub3A_134 : vector<16xf32>
          %mul3A_585 = arith.mulf %bitcast_convert_type3A_570, %get3A_108 : vector<16xf32>
          %add3A_586 = arith.addf %mul3A_584, %mul3A_585 : vector<16xf32>
          %mul3A_587 = arith.mulf %bitcast_convert_type3A_469, %sub3A_134 : vector<16xf32>
          %mul3A_588 = arith.mulf %bitcast_convert_type3A_529, %get3A_108 : vector<16xf32>
          %add3A_589 = arith.addf %mul3A_587, %mul3A_588 : vector<16xf32>
          %mul3A_590 = arith.mulf %bitcast_convert_type3A_484, %sub3A_134 : vector<16xf32>
          %mul3A_591 = arith.mulf %bitcast_convert_type3A_544, %get3A_108 : vector<16xf32>
          %add3A_592 = arith.addf %mul3A_590, %mul3A_591 : vector<16xf32>
          %mul3A_593 = arith.mulf %bitcast_convert_type3A_499, %sub3A_134 : vector<16xf32>
          %mul3A_594 = arith.mulf %bitcast_convert_type3A_559, %get3A_108 : vector<16xf32>
          %add3A_595 = arith.addf %mul3A_593, %mul3A_594 : vector<16xf32>
          %mul3A_596 = arith.mulf %bitcast_convert_type3A_514, %sub3A_134 : vector<16xf32>
          %mul3A_597 = arith.mulf %bitcast_convert_type3A_574, %get3A_108 : vector<16xf32>
          %add3A_598 = arith.addf %mul3A_596, %mul3A_597 : vector<16xf32>
          %mul3A_599 = arith.mulf %add3A_577, %sub3A_137 : vector<16xf32>
          %mul3A_600 = arith.mulf %add3A_583, %get3A_116 : vector<16xf32>
          %add3A_601 = arith.addf %mul3A_599, %mul3A_600 : vector<16xf32>
          %mul3A_602 = arith.mulf %add3A_580, %sub3A_137 : vector<16xf32>
          %mul3A_603 = arith.mulf %add3A_586, %get3A_116 : vector<16xf32>
          %add3A_604 = arith.addf %mul3A_602, %mul3A_603 : vector<16xf32>
          %mul3A_605 = arith.mulf %add3A_589, %sub3A_137 : vector<16xf32>
          %mul3A_606 = arith.mulf %add3A_595, %get3A_116 : vector<16xf32>
          %add3A_607 = arith.addf %mul3A_605, %mul3A_606 : vector<16xf32>
          %mul3A_608 = arith.mulf %add3A_592, %sub3A_137 : vector<16xf32>
          %mul3A_609 = arith.mulf %add3A_598, %get3A_116 : vector<16xf32>
          %add3A_610 = arith.addf %mul3A_608, %mul3A_609 : vector<16xf32>
          %mul3A_611 = arith.mulf %add3A_601, %sub3A_140 : vector<16xf32>
          %mul3A_612 = arith.mulf %add3A_604, %get3A_124 : vector<16xf32>
          %add3A_613 = arith.addf %mul3A_611, %mul3A_612 : vector<16xf32>
          %mul3A_614 = arith.mulf %add3A_607, %sub3A_140 : vector<16xf32>
          %mul3A_615 = arith.mulf %add3A_610, %get3A_124 : vector<16xf32>
          %add3A_616 = arith.addf %mul3A_614, %mul3A_615 : vector<16xf32>
          %add3A_617 = arith.addf %add3A_452, %add3A_613 : vector<16xf32>
          %mul3A_618 = arith.constant 16 : i32
          %mul3A_619 = arith.muli %add3A_100, %mul3A_618 : i32
          %swap3A = arith.constant 0 : i32
          %swap3A_620 = arith.index_cast %swap3A : i32 to index
          %swap3A_621 = arith.index_cast %mul3A_619 : i32 to index
          %swap3A_622 = tpu.vector_load %arg19[%swap3A_620, %swap3A_621] {strides = array<i32>} : memref<2x512xf32, #tpu.memory_space<vmem>>, vector<16xf32>,
          tpu.vector_store %arg19[%swap3A_620, %swap3A_621], %add3A_617 {strides = array<i32>} : memref<2x512xf32, #tpu.memory_space<vmem>>, vector<16xf32>,
          %add3A_623 = arith.addf %add3A_455, %add3A_616 : vector<16xf32>
          %mul3A_624 = arith.constant 16 : i32
          %mul3A_625 = arith.muli %add3A_100, %mul3A_624 : i32
          %swap3A_626 = arith.constant 1 : i32
          %swap3A_627 = arith.index_cast %swap3A_626 : i32 to index
          %swap3A_628 = arith.index_cast %mul3A_625 : i32 to index
          %swap3A_629 = tpu.vector_load %arg19[%swap3A_627, %swap3A_628] {strides = array<i32>} : memref<2x512xf32, #tpu.memory_space<vmem>>, vector<16xf32>,
          tpu.vector_store %arg19[%swap3A_627, %swap3A_628], %add3A_623 {strides = array<i32>} : memref<2x512xf32, #tpu.memory_space<vmem>>, vector<16xf32>,
        }
        %scan3A_70 = arith.constant 32 : i32
        %mul3A_71 = arith.constant 16 : i32
        %mul3A_72 = arith.muli %add3A, %mul3A_71 : i32
        %add3A_73 = arith.addi %mul3A_72, %mul3A_50 : i32
        %mul3A_74 = arith.constant 32 : i32
        %mul3A_75 = arith.muli %add3A_73, %mul3A_74 : i32
        %mul3A_76 = arith.constant 2 : i32
        %mul3A_77 = arith.muli %mul3A_76, %add3A_14 : i32
        %add3A_78 = arith.addi %mul3A_75, %mul3A_77 : i32
        "tpu.region"() ({
          %run_scoped3A = tpu.sem_alloc : memref<!tpu.dma_semaphore, #tpu.memory_space<semaphore_mem>>
          %dma_start3A_96 = arith.constant 0 : i32
          %dma_start3A_97 = tpu.memref_slice %arg6[%add3A_78, %dma_start3A_96] : memref<16384x512xf32, #tpu.memory_space<hbm>> -> memref<2x512xf32, #tpu.memory_space<hbm>>
          %dma_start3A_98 = arith.constant 0 : i32
          %dma_start3A_99 = tpu.memref_slice %arg6[%add3A_78, %dma_start3A_98] : memref<16384x512xf32, #tpu.memory_space<hbm>> -> memref<2x512xf32, #tpu.memory_space<hbm>>
          tpu.enqueue_dma source(%arg19 : memref<2x512xf32, #tpu.memory_space<vmem>>) target(%dma_start3A_99 : memref<2x512xf32, #tpu.memory_space<hbm>>) target_semaphore(%run_scoped3A : memref<!tpu.dma_semaphore, #tpu.memory_space<semaphore_mem>>)
          %dma_wait3A_100 = arith.constant 0 : i32
          %dma_wait3A_101 = tpu.memref_slice %arg6[%add3A_78, %dma_wait3A_100] : memref<16384x512xf32, #tpu.memory_space<hbm>> -> memref<2x512xf32, #tpu.memory_space<hbm>>
          %dma_wait3A_102 = arith.constant 0 : i32
          %dma_wait3A_103 = tpu.memref_slice %arg6[%add3A_78, %dma_wait3A_102] : memref<16384x512xf32, #tpu.memory_space<hbm>> -> memref<2x512xf32, #tpu.memory_space<hbm>>
          tpu.wait_dma2 semaphore(%run_scoped3A : memref<!tpu.dma_semaphore, #tpu.memory_space<semaphore_mem>>) src(%arg19 : memref<2x512xf32, #tpu.memory_space<vmem>>) dst(%dma_wait3A_103 : memref<2x512xf32, #tpu.memory_space<hbm>>)
          tpu.yield
        }) : () -> ()
        %lt3A = arith.constant 7 : i32
        %lt3A_79 = arith.cmpi slt, %add3A_48, %lt3A : i32
        %convert_element_type3A = arith.extui %lt3A_79 : i1 to i32
        %cond3A = arith.constant 0 : i32
        %cond3A_80 = arith.cmpi ne, %convert_element_type3A, %cond3A : i32
        scf.if %cond3A_80 {
          %add3A_96 = arith.constant 2 : i32
          %add3A_97 = arith.addi %mul3A_50, %add3A_96 : i32
          %mul3A_98 = arith.constant 16 : i32
          %mul3A_99 = arith.muli %add3A, %mul3A_98 : i32
          %add3A_100 = arith.addi %mul3A_99, %add3A_97 : i32
          %mul3A_101 = arith.constant 512 : i32
          %mul3A_102 = arith.muli %add3A_100, %mul3A_101 : i32
          "tpu.region"() ({
            %run_scoped3A = tpu.sem_alloc : memref<!tpu.dma_semaphore, #tpu.memory_space<semaphore_mem>>
            %dma_start3A_110 = arith.constant 0 : i32
            %dma_start3A_111 = tpu.memref_slice %arg2[%dma_start3A_110, %mul3A_102] : memref<4x262144xf32, #tpu.memory_space<hbm>> -> memref<4x512xf32, #tpu.memory_space<hbm>>
            %dma_start3A_112 = arith.constant 0 : i32
            %dma_start3A_113 = tpu.memref_slice %arg2[%dma_start3A_112, %mul3A_102] : memref<4x262144xf32, #tpu.memory_space<hbm>> -> memref<4x512xf32, #tpu.memory_space<hbm>>
            tpu.enqueue_dma source(%dma_start3A_113 : memref<4x512xf32, #tpu.memory_space<hbm>>) target(%arg9 : memref<4x512xf32, #tpu.memory_space<vmem>>) target_semaphore(%run_scoped3A : memref<!tpu.dma_semaphore, #tpu.memory_space<semaphore_mem>>)
            %dma_wait3A_114 = arith.constant 0 : i32
            %dma_wait3A_115 = tpu.memref_slice %arg2[%dma_wait3A_114, %mul3A_102] : memref<4x262144xf32, #tpu.memory_space<hbm>> -> memref<4x512xf32, #tpu.memory_space<hbm>>
            %dma_wait3A_116 = arith.constant 0 : i32
            %dma_wait3A_117 = tpu.memref_slice %arg2[%dma_wait3A_116, %mul3A_102] : memref<4x262144xf32, #tpu.memory_space<hbm>> -> memref<4x512xf32, #tpu.memory_space<hbm>>
            tpu.wait_dma2 semaphore(%run_scoped3A : memref<!tpu.dma_semaphore, #tpu.memory_space<semaphore_mem>>) src(%dma_wait3A_117 : memref<4x512xf32, #tpu.memory_space<hbm>>) dst(%arg9 : memref<4x512xf32, #tpu.memory_space<vmem>>)
            tpu.yield
          }) : () -> ()
          %scan3A_103 = arith.constant 0 : i32
          %scan3A_104 = arith.constant 32 : i32
          %scan3A_105 = arith.addi %scan3A_103, %scan3A_104 : i32
          %scan3A_106 = arith.constant 1 : i32
          scf.for %scan3A_110 = %scan3A_103 to %scan3A_105 step %scan3A_106  : i32 {
            %mul3A_111 = arith.constant 1 : i32
            %mul3A_112 = arith.muli %scan3A_110, %mul3A_111 : i32
            %add3A_113 = arith.constant 0 : i32
            %add3A_114 = arith.addi %add3A_113, %mul3A_112 : i32
            %mul3A_115 = arith.constant 16 : i32
            %mul3A_116 = arith.muli %add3A_114, %mul3A_115 : i32
            %get3A_117 = arith.constant 0 : i32
            %get3A_118 = arith.index_cast %get3A_117 : i32 to index
            %get3A_119 = arith.index_cast %mul3A_116 : i32 to index
            %get3A_120 = tpu.vector_load %arg9[%get3A_118, %get3A_119] {strides = array<i32>} : memref<4x512xf32, #tpu.memory_space<vmem>>, vector<16xf32>,
            %get3A_121 = arith.constant 1 : i32
            %get3A_122 = arith.index_cast %get3A_121 : i32 to index
            %get3A_123 = arith.index_cast %mul3A_116 : i32 to index
            %get3A_124 = tpu.vector_load %arg9[%get3A_122, %get3A_123] {strides = array<i32>} : memref<4x512xf32, #tpu.memory_space<vmem>>, vector<16xf32>,
            %get3A_125 = arith.constant 2 : i32
            %get3A_126 = arith.index_cast %get3A_125 : i32 to index
            %get3A_127 = arith.index_cast %mul3A_116 : i32 to index
            %get3A_128 = tpu.vector_load %arg9[%get3A_126, %get3A_127] {strides = array<i32>} : memref<4x512xf32, #tpu.memory_space<vmem>>, vector<16xf32>,
            %get3A_129 = arith.constant 3 : i32
            %get3A_130 = arith.index_cast %get3A_129 : i32 to index
            %get3A_131 = arith.index_cast %mul3A_116 : i32 to index
            %get3A_132 = tpu.vector_load %arg9[%get3A_130, %get3A_131] {strides = array<i32>} : memref<4x512xf32, #tpu.memory_space<vmem>>, vector<16xf32>,
            %max3A = arith.constant 0.000000e+00 : f32
            %max3A_133 = vector.broadcast %max3A : f32 to vector<16xf32>
            %max3A_134 = arith.maximumf %get3A_120, %max3A_133 : vector<16xf32>
            %min3A = arith.constant 1.000000e+00 : f32
            %min3A_135 = vector.broadcast %min3A : f32 to vector<16xf32>
            %min3A_136 = arith.minimumf %max3A_134, %min3A_135 : vector<16xf32>
            %mul3A_137 = arith.mulf %min3A_136, %get3A_19 : vector<16xf32>
            %convert_element_type3A_138 = arith.fptosi %mul3A_137 : vector<16xf32> to vector<16xi32>
            %mul3A_139 = arith.mulf %get3A_120, %get3A_19 : vector<16xf32>
            %convert_element_type3A_140 = arith.sitofp %convert_element_type3A_138 : vector<16xi32> to vector<16xf32>
            %sub3A = arith.subf %mul3A_139, %convert_element_type3A_140 : vector<16xf32>
            %mul3A_141 = arith.constant 16 : i32
            %mul3A_142 = arith.muli %add3A_114, %mul3A_141 : i32
            %add3A_143 = arith.constant 0 : i32
            %add3A_144 = arith.addi %add3A_143, %mul3A_142 : i32
            %swap3A = arith.constant 0 : i32
            %swap3A_145 = arith.index_cast %swap3A : i32 to index
            %swap3A_146 = arith.index_cast %add3A_144 : i32 to index
            %swap3A_147 = tpu.vector_load %arg11[%swap3A_145, %swap3A_146] {strides = array<i32>} : memref<2x2048xf32, #tpu.memory_space<vmem>>, vector<16xf32>,
            tpu.vector_store %arg11[%swap3A_145, %swap3A_146], %sub3A {strides = array<i32>} : memref<2x2048xf32, #tpu.memory_space<vmem>>, vector<16xf32>,
            %max3A_148 = arith.constant 0.000000e+00 : f32
            %max3A_149 = vector.broadcast %max3A_148 : f32 to vector<16xf32>
            %max3A_150 = arith.maximumf %get3A_124, %max3A_149 : vector<16xf32>
            %min3A_151 = arith.constant 1.000000e+00 : f32
            %min3A_152 = vector.broadcast %min3A_151 : f32 to vector<16xf32>
            %min3A_153 = arith.minimumf %max3A_150, %min3A_152 : vector<16xf32>
            %mul3A_154 = arith.mulf %min3A_153, %get3A_19 : vector<16xf32>
            %convert_element_type3A_155 = arith.fptosi %mul3A_154 : vector<16xf32> to vector<16xi32>
            %mul3A_156 = arith.mulf %get3A_124, %get3A_19 : vector<16xf32>
            %convert_element_type3A_157 = arith.sitofp %convert_element_type3A_155 : vector<16xi32> to vector<16xf32>
            %sub3A_158 = arith.subf %mul3A_156, %convert_element_type3A_157 : vector<16xf32>
            %mul3A_159 = arith.constant 16 : i32
            %mul3A_160 = arith.muli %add3A_114, %mul3A_159 : i32
            %add3A_161 = arith.constant 512 : i32
            %add3A_162 = arith.addi %add3A_161, %mul3A_160 : i32
            %swap3A_163 = arith.constant 0 : i32
            %swap3A_164 = arith.index_cast %swap3A_163 : i32 to index
            %swap3A_165 = arith.index_cast %add3A_162 : i32 to index
            %swap3A_166 = tpu.vector_load %arg11[%swap3A_164, %swap3A_165] {strides = array<i32>} : memref<2x2048xf32, #tpu.memory_space<vmem>>, vector<16xf32>,
            tpu.vector_store %arg11[%swap3A_164, %swap3A_165], %sub3A_158 {strides = array<i32>} : memref<2x2048xf32, #tpu.memory_space<vmem>>, vector<16xf32>,
            %max3A_167 = arith.constant 0.000000e+00 : f32
            %max3A_168 = vector.broadcast %max3A_167 : f32 to vector<16xf32>
            %max3A_169 = arith.maximumf %get3A_128, %max3A_168 : vector<16xf32>
            %min3A_170 = arith.constant 1.000000e+00 : f32
            %min3A_171 = vector.broadcast %min3A_170 : f32 to vector<16xf32>
            %min3A_172 = arith.minimumf %max3A_169, %min3A_171 : vector<16xf32>
            %mul3A_173 = arith.mulf %min3A_172, %get3A_19 : vector<16xf32>
            %convert_element_type3A_174 = arith.fptosi %mul3A_173 : vector<16xf32> to vector<16xi32>
            %mul3A_175 = arith.mulf %get3A_128, %get3A_19 : vector<16xf32>
            %convert_element_type3A_176 = arith.sitofp %convert_element_type3A_174 : vector<16xi32> to vector<16xf32>
            %sub3A_177 = arith.subf %mul3A_175, %convert_element_type3A_176 : vector<16xf32>
            %mul3A_178 = arith.constant 16 : i32
            %mul3A_179 = arith.muli %add3A_114, %mul3A_178 : i32
            %add3A_180 = arith.constant 1024 : i32
            %add3A_181 = arith.addi %add3A_180, %mul3A_179 : i32
            %swap3A_182 = arith.constant 0 : i32
            %swap3A_183 = arith.index_cast %swap3A_182 : i32 to index
            %swap3A_184 = arith.index_cast %add3A_181 : i32 to index
            %swap3A_185 = tpu.vector_load %arg11[%swap3A_183, %swap3A_184] {strides = array<i32>} : memref<2x2048xf32, #tpu.memory_space<vmem>>, vector<16xf32>,
            tpu.vector_store %arg11[%swap3A_183, %swap3A_184], %sub3A_177 {strides = array<i32>} : memref<2x2048xf32, #tpu.memory_space<vmem>>, vector<16xf32>,
            %max3A_186 = arith.constant 0.000000e+00 : f32
            %max3A_187 = vector.broadcast %max3A_186 : f32 to vector<16xf32>
            %max3A_188 = arith.maximumf %get3A_132, %max3A_187 : vector<16xf32>
            %min3A_189 = arith.constant 1.000000e+00 : f32
            %min3A_190 = vector.broadcast %min3A_189 : f32 to vector<16xf32>
            %min3A_191 = arith.minimumf %max3A_188, %min3A_190 : vector<16xf32>
            %mul3A_192 = arith.mulf %min3A_191, %get3A_25 : vector<16xf32>
            %convert_element_type3A_193 = arith.fptosi %mul3A_192 : vector<16xf32> to vector<16xi32>
            %mul3A_194 = arith.mulf %get3A_132, %get3A_25 : vector<16xf32>
            %convert_element_type3A_195 = arith.sitofp %convert_element_type3A_193 : vector<16xi32> to vector<16xf32>
            %sub3A_196 = arith.subf %mul3A_194, %convert_element_type3A_195 : vector<16xf32>
            %mul3A_197 = arith.constant 16 : i32
            %mul3A_198 = arith.muli %add3A_114, %mul3A_197 : i32
            %add3A_199 = arith.constant 1536 : i32
            %add3A_200 = arith.addi %add3A_199, %mul3A_198 : i32
            %swap3A_201 = arith.constant 0 : i32
            %swap3A_202 = arith.index_cast %swap3A_201 : i32 to index
            %swap3A_203 = arith.index_cast %add3A_200 : i32 to index
            %swap3A_204 = tpu.vector_load %arg11[%swap3A_202, %swap3A_203] {strides = array<i32>} : memref<2x2048xf32, #tpu.memory_space<vmem>>, vector<16xf32>,
            tpu.vector_store %arg11[%swap3A_202, %swap3A_203], %sub3A_196 {strides = array<i32>} : memref<2x2048xf32, #tpu.memory_space<vmem>>, vector<16xf32>,
            %add3A_205 = arith.constant 1 : i32
            %add3A_206 = vector.broadcast %add3A_205 : i32 to vector<16xi32>
            %add3A_207 = arith.addi %convert_element_type3A_138, %add3A_206 : vector<16xi32>
            %mul3A_208 = arith.constant -1640531535 : i32
            %mul3A_209 = vector.broadcast %mul3A_208 : i32 to vector<16xi32>
            %mul3A_210 = arith.muli %convert_element_type3A_155, %mul3A_209 : vector<16xi32>
            %add3A_211 = arith.constant -1640531535 : i32
            %add3A_212 = vector.broadcast %add3A_211 : i32 to vector<16xi32>
            %add3A_213 = arith.addi %mul3A_210, %add3A_212 : vector<16xi32>
            %mul3A_214 = arith.constant 805459861 : i32
            %mul3A_215 = vector.broadcast %mul3A_214 : i32 to vector<16xi32>
            %mul3A_216 = arith.muli %convert_element_type3A_174, %mul3A_215 : vector<16xi32>
            %add3A_217 = arith.constant 805459861 : i32
            %add3A_218 = vector.broadcast %add3A_217 : i32 to vector<16xi32>
            %add3A_219 = arith.addi %mul3A_216, %add3A_218 : vector<16xi32>
            %mul3A_220 = arith.constant -620313867 : i32
            %mul3A_221 = vector.broadcast %mul3A_220 : i32 to vector<16xi32>
            %mul3A_222 = arith.muli %convert_element_type3A_193, %mul3A_221 : vector<16xi32>
            %add3A_223 = arith.constant -620313867 : i32
            %add3A_224 = vector.broadcast %add3A_223 : i32 to vector<16xi32>
            %add3A_225 = arith.addi %mul3A_222, %add3A_224 : vector<16xi32>
            %xor3A = arith.xori %convert_element_type3A_138, %mul3A_210 : vector<16xi32>
            %xor3A_226 = arith.xori %convert_element_type3A_138, %add3A_213 : vector<16xi32>
            %xor3A_227 = arith.xori %add3A_207, %mul3A_210 : vector<16xi32>
            %xor3A_228 = arith.xori %add3A_207, %add3A_213 : vector<16xi32>
            %xor3A_229 = arith.xori %mul3A_216, %mul3A_222 : vector<16xi32>
            %xor3A_230 = arith.xori %mul3A_216, %add3A_225 : vector<16xi32>
            %xor3A_231 = arith.xori %add3A_219, %mul3A_222 : vector<16xi32>
            %xor3A_232 = arith.xori %add3A_219, %add3A_225 : vector<16xi32>
            %xor3A_233 = arith.xori %xor3A, %xor3A_229 : vector<16xi32>
            %and3A = arith.constant 524287 : i32
            %and3A_234 = vector.broadcast %and3A : i32 to vector<16xi32>
            %and3A_235 = arith.andi %xor3A_233, %and3A_234 : vector<16xi32>
            %add3A_236 = vector.broadcast %shift_left3A_26 : i32 to vector<16xi32>
            %add3A_237 = arith.addi %and3A_235, %add3A_236 : vector<16xi32>
            %mul3A_238 = arith.constant 16 : i32
            %mul3A_239 = arith.muli %add3A_114, %mul3A_238 : i32
            %add3A_240 = arith.constant 0 : i32
            %add3A_241 = arith.addi %add3A_240, %mul3A_239 : i32
            %swap3A_242 = arith.index_cast %add3A_241 : i32 to index
            %swap3A_243 = tpu.vector_load %arg12[%swap3A_242] {strides = array<i32>} : memref<8192xi32, #tpu.memory_space<vmem>>, vector<16xi32>,
            tpu.vector_store %arg12[%swap3A_242], %add3A_237 {strides = array<i32>} : memref<8192xi32, #tpu.memory_space<vmem>>, vector<16xi32>,
            %xor3A_244 = arith.xori %xor3A, %xor3A_230 : vector<16xi32>
            %and3A_245 = arith.constant 524287 : i32
            %and3A_246 = vector.broadcast %and3A_245 : i32 to vector<16xi32>
            %and3A_247 = arith.andi %xor3A_244, %and3A_246 : vector<16xi32>
            %add3A_248 = vector.broadcast %shift_left3A_26 : i32 to vector<16xi32>
            %add3A_249 = arith.addi %and3A_247, %add3A_248 : vector<16xi32>
            %mul3A_250 = arith.constant 16 : i32
            %mul3A_251 = arith.muli %add3A_114, %mul3A_250 : i32
            %add3A_252 = arith.constant 512 : i32
            %add3A_253 = arith.addi %add3A_252, %mul3A_251 : i32
            %swap3A_254 = arith.index_cast %add3A_253 : i32 to index
            %swap3A_255 = tpu.vector_load %arg12[%swap3A_254] {strides = array<i32>} : memref<8192xi32, #tpu.memory_space<vmem>>, vector<16xi32>,
            tpu.vector_store %arg12[%swap3A_254], %add3A_249 {strides = array<i32>} : memref<8192xi32, #tpu.memory_space<vmem>>, vector<16xi32>,
            %xor3A_256 = arith.xori %xor3A, %xor3A_231 : vector<16xi32>
            %and3A_257 = arith.constant 524287 : i32
            %and3A_258 = vector.broadcast %and3A_257 : i32 to vector<16xi32>
            %and3A_259 = arith.andi %xor3A_256, %and3A_258 : vector<16xi32>
            %add3A_260 = vector.broadcast %shift_left3A_26 : i32 to vector<16xi32>
            %add3A_261 = arith.addi %and3A_259, %add3A_260 : vector<16xi32>
            %mul3A_262 = arith.constant 16 : i32
            %mul3A_263 = arith.muli %add3A_114, %mul3A_262 : i32
            %add3A_264 = arith.constant 1024 : i32
            %add3A_265 = arith.addi %add3A_264, %mul3A_263 : i32
            %swap3A_266 = arith.index_cast %add3A_265 : i32 to index
            %swap3A_267 = tpu.vector_load %arg12[%swap3A_266] {strides = array<i32>} : memref<8192xi32, #tpu.memory_space<vmem>>, vector<16xi32>,
            tpu.vector_store %arg12[%swap3A_266], %add3A_261 {strides = array<i32>} : memref<8192xi32, #tpu.memory_space<vmem>>, vector<16xi32>,
            %xor3A_268 = arith.xori %xor3A, %xor3A_232 : vector<16xi32>
            %and3A_269 = arith.constant 524287 : i32
            %and3A_270 = vector.broadcast %and3A_269 : i32 to vector<16xi32>
            %and3A_271 = arith.andi %xor3A_268, %and3A_270 : vector<16xi32>
            %add3A_272 = vector.broadcast %shift_left3A_26 : i32 to vector<16xi32>
            %add3A_273 = arith.addi %and3A_271, %add3A_272 : vector<16xi32>
            %mul3A_274 = arith.constant 16 : i32
            %mul3A_275 = arith.muli %add3A_114, %mul3A_274 : i32
            %add3A_276 = arith.constant 1536 : i32
            %add3A_277 = arith.addi %add3A_276, %mul3A_275 : i32
            %swap3A_278 = arith.index_cast %add3A_277 : i32 to index
            %swap3A_279 = tpu.vector_load %arg12[%swap3A_278] {strides = array<i32>} : memref<8192xi32, #tpu.memory_space<vmem>>, vector<16xi32>,
            tpu.vector_store %arg12[%swap3A_278], %add3A_273 {strides = array<i32>} : memref<8192xi32, #tpu.memory_space<vmem>>, vector<16xi32>,
            %xor3A_280 = arith.xori %xor3A_226, %xor3A_229 : vector<16xi32>
            %and3A_281 = arith.constant 524287 : i32
            %and3A_282 = vector.broadcast %and3A_281 : i32 to vector<16xi32>
            %and3A_283 = arith.andi %xor3A_280, %and3A_282 : vector<16xi32>
            %add3A_284 = vector.broadcast %shift_left3A_26 : i32 to vector<16xi32>
            %add3A_285 = arith.addi %and3A_283, %add3A_284 : vector<16xi32>
            %mul3A_286 = arith.constant 16 : i32
            %mul3A_287 = arith.muli %add3A_114, %mul3A_286 : i32
            %add3A_288 = arith.constant 2048 : i32
            %add3A_289 = arith.addi %add3A_288, %mul3A_287 : i32
            %swap3A_290 = arith.index_cast %add3A_289 : i32 to index
            %swap3A_291 = tpu.vector_load %arg12[%swap3A_290] {strides = array<i32>} : memref<8192xi32, #tpu.memory_space<vmem>>, vector<16xi32>,
            tpu.vector_store %arg12[%swap3A_290], %add3A_285 {strides = array<i32>} : memref<8192xi32, #tpu.memory_space<vmem>>, vector<16xi32>,
            %xor3A_292 = arith.xori %xor3A_226, %xor3A_230 : vector<16xi32>
            %and3A_293 = arith.constant 524287 : i32
            %and3A_294 = vector.broadcast %and3A_293 : i32 to vector<16xi32>
            %and3A_295 = arith.andi %xor3A_292, %and3A_294 : vector<16xi32>
            %add3A_296 = vector.broadcast %shift_left3A_26 : i32 to vector<16xi32>
            %add3A_297 = arith.addi %and3A_295, %add3A_296 : vector<16xi32>
            %mul3A_298 = arith.constant 16 : i32
            %mul3A_299 = arith.muli %add3A_114, %mul3A_298 : i32
            %add3A_300 = arith.constant 2560 : i32
            %add3A_301 = arith.addi %add3A_300, %mul3A_299 : i32
            %swap3A_302 = arith.index_cast %add3A_301 : i32 to index
            %swap3A_303 = tpu.vector_load %arg12[%swap3A_302] {strides = array<i32>} : memref<8192xi32, #tpu.memory_space<vmem>>, vector<16xi32>,
            tpu.vector_store %arg12[%swap3A_302], %add3A_297 {strides = array<i32>} : memref<8192xi32, #tpu.memory_space<vmem>>, vector<16xi32>,
            %xor3A_304 = arith.xori %xor3A_226, %xor3A_231 : vector<16xi32>
            %and3A_305 = arith.constant 524287 : i32
            %and3A_306 = vector.broadcast %and3A_305 : i32 to vector<16xi32>
            %and3A_307 = arith.andi %xor3A_304, %and3A_306 : vector<16xi32>
            %add3A_308 = vector.broadcast %shift_left3A_26 : i32 to vector<16xi32>
            %add3A_309 = arith.addi %and3A_307, %add3A_308 : vector<16xi32>
            %mul3A_310 = arith.constant 16 : i32
            %mul3A_311 = arith.muli %add3A_114, %mul3A_310 : i32
            %add3A_312 = arith.constant 3072 : i32
            %add3A_313 = arith.addi %add3A_312, %mul3A_311 : i32
            %swap3A_314 = arith.index_cast %add3A_313 : i32 to index
            %swap3A_315 = tpu.vector_load %arg12[%swap3A_314] {strides = array<i32>} : memref<8192xi32, #tpu.memory_space<vmem>>, vector<16xi32>,
            tpu.vector_store %arg12[%swap3A_314], %add3A_309 {strides = array<i32>} : memref<8192xi32, #tpu.memory_space<vmem>>, vector<16xi32>,
            %xor3A_316 = arith.xori %xor3A_226, %xor3A_232 : vector<16xi32>
            %and3A_317 = arith.constant 524287 : i32
            %and3A_318 = vector.broadcast %and3A_317 : i32 to vector<16xi32>
            %and3A_319 = arith.andi %xor3A_316, %and3A_318 : vector<16xi32>
            %add3A_320 = vector.broadcast %shift_left3A_26 : i32 to vector<16xi32>
            %add3A_321 = arith.addi %and3A_319, %add3A_320 : vector<16xi32>
            %mul3A_322 = arith.constant 16 : i32
            %mul3A_323 = arith.muli %add3A_114, %mul3A_322 : i32
            %add3A_324 = arith.constant 3584 : i32
            %add3A_325 = arith.addi %add3A_324, %mul3A_323 : i32
            %swap3A_326 = arith.index_cast %add3A_325 : i32 to index
            %swap3A_327 = tpu.vector_load %arg12[%swap3A_326] {strides = array<i32>} : memref<8192xi32, #tpu.memory_space<vmem>>, vector<16xi32>,
            tpu.vector_store %arg12[%swap3A_326], %add3A_321 {strides = array<i32>} : memref<8192xi32, #tpu.memory_space<vmem>>, vector<16xi32>,
            %xor3A_328 = arith.xori %xor3A_227, %xor3A_229 : vector<16xi32>
            %and3A_329 = arith.constant 524287 : i32
            %and3A_330 = vector.broadcast %and3A_329 : i32 to vector<16xi32>
            %and3A_331 = arith.andi %xor3A_328, %and3A_330 : vector<16xi32>
            %add3A_332 = vector.broadcast %shift_left3A_26 : i32 to vector<16xi32>
            %add3A_333 = arith.addi %and3A_331, %add3A_332 : vector<16xi32>
            %mul3A_334 = arith.constant 16 : i32
            %mul3A_335 = arith.muli %add3A_114, %mul3A_334 : i32
            %add3A_336 = arith.constant 4096 : i32
            %add3A_337 = arith.addi %add3A_336, %mul3A_335 : i32
            %swap3A_338 = arith.index_cast %add3A_337 : i32 to index
            %swap3A_339 = tpu.vector_load %arg12[%swap3A_338] {strides = array<i32>} : memref<8192xi32, #tpu.memory_space<vmem>>, vector<16xi32>,
            tpu.vector_store %arg12[%swap3A_338], %add3A_333 {strides = array<i32>} : memref<8192xi32, #tpu.memory_space<vmem>>, vector<16xi32>,
            %xor3A_340 = arith.xori %xor3A_227, %xor3A_230 : vector<16xi32>
            %and3A_341 = arith.constant 524287 : i32
            %and3A_342 = vector.broadcast %and3A_341 : i32 to vector<16xi32>
            %and3A_343 = arith.andi %xor3A_340, %and3A_342 : vector<16xi32>
            %add3A_344 = vector.broadcast %shift_left3A_26 : i32 to vector<16xi32>
            %add3A_345 = arith.addi %and3A_343, %add3A_344 : vector<16xi32>
            %mul3A_346 = arith.constant 16 : i32
            %mul3A_347 = arith.muli %add3A_114, %mul3A_346 : i32
            %add3A_348 = arith.constant 4608 : i32
            %add3A_349 = arith.addi %add3A_348, %mul3A_347 : i32
            %swap3A_350 = arith.index_cast %add3A_349 : i32 to index
            %swap3A_351 = tpu.vector_load %arg12[%swap3A_350] {strides = array<i32>} : memref<8192xi32, #tpu.memory_space<vmem>>, vector<16xi32>,
            tpu.vector_store %arg12[%swap3A_350], %add3A_345 {strides = array<i32>} : memref<8192xi32, #tpu.memory_space<vmem>>, vector<16xi32>,
            %xor3A_352 = arith.xori %xor3A_227, %xor3A_231 : vector<16xi32>
            %and3A_353 = arith.constant 524287 : i32
            %and3A_354 = vector.broadcast %and3A_353 : i32 to vector<16xi32>
            %and3A_355 = arith.andi %xor3A_352, %and3A_354 : vector<16xi32>
            %add3A_356 = vector.broadcast %shift_left3A_26 : i32 to vector<16xi32>
            %add3A_357 = arith.addi %and3A_355, %add3A_356 : vector<16xi32>
            %mul3A_358 = arith.constant 16 : i32
            %mul3A_359 = arith.muli %add3A_114, %mul3A_358 : i32
            %add3A_360 = arith.constant 5120 : i32
            %add3A_361 = arith.addi %add3A_360, %mul3A_359 : i32
            %swap3A_362 = arith.index_cast %add3A_361 : i32 to index
            %swap3A_363 = tpu.vector_load %arg12[%swap3A_362] {strides = array<i32>} : memref<8192xi32, #tpu.memory_space<vmem>>, vector<16xi32>,
            tpu.vector_store %arg12[%swap3A_362], %add3A_357 {strides = array<i32>} : memref<8192xi32, #tpu.memory_space<vmem>>, vector<16xi32>,
            %xor3A_364 = arith.xori %xor3A_227, %xor3A_232 : vector<16xi32>
            %and3A_365 = arith.constant 524287 : i32
            %and3A_366 = vector.broadcast %and3A_365 : i32 to vector<16xi32>
            %and3A_367 = arith.andi %xor3A_364, %and3A_366 : vector<16xi32>
            %add3A_368 = vector.broadcast %shift_left3A_26 : i32 to vector<16xi32>
            %add3A_369 = arith.addi %and3A_367, %add3A_368 : vector<16xi32>
            %mul3A_370 = arith.constant 16 : i32
            %mul3A_371 = arith.muli %add3A_114, %mul3A_370 : i32
            %add3A_372 = arith.constant 5632 : i32
            %add3A_373 = arith.addi %add3A_372, %mul3A_371 : i32
            %swap3A_374 = arith.index_cast %add3A_373 : i32 to index
            %swap3A_375 = tpu.vector_load %arg12[%swap3A_374] {strides = array<i32>} : memref<8192xi32, #tpu.memory_space<vmem>>, vector<16xi32>,
            tpu.vector_store %arg12[%swap3A_374], %add3A_369 {strides = array<i32>} : memref<8192xi32, #tpu.memory_space<vmem>>, vector<16xi32>,
            %xor3A_376 = arith.xori %xor3A_228, %xor3A_229 : vector<16xi32>
            %and3A_377 = arith.constant 524287 : i32
            %and3A_378 = vector.broadcast %and3A_377 : i32 to vector<16xi32>
            %and3A_379 = arith.andi %xor3A_376, %and3A_378 : vector<16xi32>
            %add3A_380 = vector.broadcast %shift_left3A_26 : i32 to vector<16xi32>
            %add3A_381 = arith.addi %and3A_379, %add3A_380 : vector<16xi32>
            %mul3A_382 = arith.constant 16 : i32
            %mul3A_383 = arith.muli %add3A_114, %mul3A_382 : i32
            %add3A_384 = arith.constant 6144 : i32
            %add3A_385 = arith.addi %add3A_384, %mul3A_383 : i32
            %swap3A_386 = arith.index_cast %add3A_385 : i32 to index
            %swap3A_387 = tpu.vector_load %arg12[%swap3A_386] {strides = array<i32>} : memref<8192xi32, #tpu.memory_space<vmem>>, vector<16xi32>,
            tpu.vector_store %arg12[%swap3A_386], %add3A_381 {strides = array<i32>} : memref<8192xi32, #tpu.memory_space<vmem>>, vector<16xi32>,
            %xor3A_388 = arith.xori %xor3A_228, %xor3A_230 : vector<16xi32>
            %and3A_389 = arith.constant 524287 : i32
            %and3A_390 = vector.broadcast %and3A_389 : i32 to vector<16xi32>
            %and3A_391 = arith.andi %xor3A_388, %and3A_390 : vector<16xi32>
            %add3A_392 = vector.broadcast %shift_left3A_26 : i32 to vector<16xi32>
            %add3A_393 = arith.addi %and3A_391, %add3A_392 : vector<16xi32>
            %mul3A_394 = arith.constant 16 : i32
            %mul3A_395 = arith.muli %add3A_114, %mul3A_394 : i32
            %add3A_396 = arith.constant 6656 : i32
            %add3A_397 = arith.addi %add3A_396, %mul3A_395 : i32
            %swap3A_398 = arith.index_cast %add3A_397 : i32 to index
            %swap3A_399 = tpu.vector_load %arg12[%swap3A_398] {strides = array<i32>} : memref<8192xi32, #tpu.memory_space<vmem>>, vector<16xi32>,
            tpu.vector_store %arg12[%swap3A_398], %add3A_393 {strides = array<i32>} : memref<8192xi32, #tpu.memory_space<vmem>>, vector<16xi32>,
            %xor3A_400 = arith.xori %xor3A_228, %xor3A_231 : vector<16xi32>
            %and3A_401 = arith.constant 524287 : i32
            %and3A_402 = vector.broadcast %and3A_401 : i32 to vector<16xi32>
            %and3A_403 = arith.andi %xor3A_400, %and3A_402 : vector<16xi32>
            %add3A_404 = vector.broadcast %shift_left3A_26 : i32 to vector<16xi32>
            %add3A_405 = arith.addi %and3A_403, %add3A_404 : vector<16xi32>
            %mul3A_406 = arith.constant 16 : i32
            %mul3A_407 = arith.muli %add3A_114, %mul3A_406 : i32
            %add3A_408 = arith.constant 7168 : i32
            %add3A_409 = arith.addi %add3A_408, %mul3A_407 : i32
            %swap3A_410 = arith.index_cast %add3A_409 : i32 to index
            %swap3A_411 = tpu.vector_load %arg12[%swap3A_410] {strides = array<i32>} : memref<8192xi32, #tpu.memory_space<vmem>>, vector<16xi32>,
            tpu.vector_store %arg12[%swap3A_410], %add3A_405 {strides = array<i32>} : memref<8192xi32, #tpu.memory_space<vmem>>, vector<16xi32>,
            %xor3A_412 = arith.xori %xor3A_228, %xor3A_232 : vector<16xi32>
            %and3A_413 = arith.constant 524287 : i32
            %and3A_414 = vector.broadcast %and3A_413 : i32 to vector<16xi32>
            %and3A_415 = arith.andi %xor3A_412, %and3A_414 : vector<16xi32>
            %add3A_416 = vector.broadcast %shift_left3A_26 : i32 to vector<16xi32>
            %add3A_417 = arith.addi %and3A_415, %add3A_416 : vector<16xi32>
            %mul3A_418 = arith.constant 16 : i32
            %mul3A_419 = arith.muli %add3A_114, %mul3A_418 : i32
            %add3A_420 = arith.constant 7680 : i32
            %add3A_421 = arith.addi %add3A_420, %mul3A_419 : i32
            %swap3A_422 = arith.index_cast %add3A_421 : i32 to index
            %swap3A_423 = tpu.vector_load %arg12[%swap3A_422] {strides = array<i32>} : memref<8192xi32, #tpu.memory_space<vmem>>, vector<16xi32>,
            tpu.vector_store %arg12[%swap3A_422], %add3A_417 {strides = array<i32>} : memref<8192xi32, #tpu.memory_space<vmem>>, vector<16xi32>,
            %xor3A_424 = arith.xori %xor3A, %mul3A_216 : vector<16xi32>
            %and3A_425 = arith.constant 32767 : i32
            %and3A_426 = vector.broadcast %and3A_425 : i32 to vector<16xi32>
            %and3A_427 = arith.andi %xor3A_424, %and3A_426 : vector<16xi32>
            %mul3A_428 = arith.constant 16 : i32
            %mul3A_429 = arith.muli %add3A_114, %mul3A_428 : i32
            %add3A_430 = arith.constant 0 : i32
            %add3A_431 = arith.addi %add3A_430, %mul3A_429 : i32
            %swap3A_432 = arith.index_cast %add3A_431 : i32 to index
            %swap3A_433 = tpu.vector_load %arg14[%swap3A_432] {strides = array<i32>} : memref<4096xi32, #tpu.memory_space<vmem>>, vector<16xi32>,
            tpu.vector_store %arg14[%swap3A_432], %and3A_427 {strides = array<i32>} : memref<4096xi32, #tpu.memory_space<vmem>>, vector<16xi32>,
            %xor3A_434 = arith.xori %xor3A, %add3A_219 : vector<16xi32>
            %and3A_435 = arith.constant 32767 : i32
            %and3A_436 = vector.broadcast %and3A_435 : i32 to vector<16xi32>
            %and3A_437 = arith.andi %xor3A_434, %and3A_436 : vector<16xi32>
            %mul3A_438 = arith.constant 16 : i32
            %mul3A_439 = arith.muli %add3A_114, %mul3A_438 : i32
            %add3A_440 = arith.constant 512 : i32
            %add3A_441 = arith.addi %add3A_440, %mul3A_439 : i32
            %swap3A_442 = arith.index_cast %add3A_441 : i32 to index
            %swap3A_443 = tpu.vector_load %arg14[%swap3A_442] {strides = array<i32>} : memref<4096xi32, #tpu.memory_space<vmem>>, vector<16xi32>,
            tpu.vector_store %arg14[%swap3A_442], %and3A_437 {strides = array<i32>} : memref<4096xi32, #tpu.memory_space<vmem>>, vector<16xi32>,
            %xor3A_444 = arith.xori %xor3A_226, %mul3A_216 : vector<16xi32>
            %and3A_445 = arith.constant 32767 : i32
            %and3A_446 = vector.broadcast %and3A_445 : i32 to vector<16xi32>
            %and3A_447 = arith.andi %xor3A_444, %and3A_446 : vector<16xi32>
            %mul3A_448 = arith.constant 16 : i32
            %mul3A_449 = arith.muli %add3A_114, %mul3A_448 : i32
            %add3A_450 = arith.constant 1024 : i32
            %add3A_451 = arith.addi %add3A_450, %mul3A_449 : i32
            %swap3A_452 = arith.index_cast %add3A_451 : i32 to index
            %swap3A_453 = tpu.vector_load %arg14[%swap3A_452] {strides = array<i32>} : memref<4096xi32, #tpu.memory_space<vmem>>, vector<16xi32>,
            tpu.vector_store %arg14[%swap3A_452], %and3A_447 {strides = array<i32>} : memref<4096xi32, #tpu.memory_space<vmem>>, vector<16xi32>,
            %xor3A_454 = arith.xori %xor3A_226, %add3A_219 : vector<16xi32>
            %and3A_455 = arith.constant 32767 : i32
            %and3A_456 = vector.broadcast %and3A_455 : i32 to vector<16xi32>
            %and3A_457 = arith.andi %xor3A_454, %and3A_456 : vector<16xi32>
            %mul3A_458 = arith.constant 16 : i32
            %mul3A_459 = arith.muli %add3A_114, %mul3A_458 : i32
            %add3A_460 = arith.constant 1536 : i32
            %add3A_461 = arith.addi %add3A_460, %mul3A_459 : i32
            %swap3A_462 = arith.index_cast %add3A_461 : i32 to index
            %swap3A_463 = tpu.vector_load %arg14[%swap3A_462] {strides = array<i32>} : memref<4096xi32, #tpu.memory_space<vmem>>, vector<16xi32>,
            tpu.vector_store %arg14[%swap3A_462], %and3A_457 {strides = array<i32>} : memref<4096xi32, #tpu.memory_space<vmem>>, vector<16xi32>,
            %xor3A_464 = arith.xori %xor3A_227, %mul3A_216 : vector<16xi32>
            %and3A_465 = arith.constant 32767 : i32
            %and3A_466 = vector.broadcast %and3A_465 : i32 to vector<16xi32>
            %and3A_467 = arith.andi %xor3A_464, %and3A_466 : vector<16xi32>
            %mul3A_468 = arith.constant 16 : i32
            %mul3A_469 = arith.muli %add3A_114, %mul3A_468 : i32
            %add3A_470 = arith.constant 2048 : i32
            %add3A_471 = arith.addi %add3A_470, %mul3A_469 : i32
            %swap3A_472 = arith.index_cast %add3A_471 : i32 to index
            %swap3A_473 = tpu.vector_load %arg14[%swap3A_472] {strides = array<i32>} : memref<4096xi32, #tpu.memory_space<vmem>>, vector<16xi32>,
            tpu.vector_store %arg14[%swap3A_472], %and3A_467 {strides = array<i32>} : memref<4096xi32, #tpu.memory_space<vmem>>, vector<16xi32>,
            %xor3A_474 = arith.xori %xor3A_227, %add3A_219 : vector<16xi32>
            %and3A_475 = arith.constant 32767 : i32
            %and3A_476 = vector.broadcast %and3A_475 : i32 to vector<16xi32>
            %and3A_477 = arith.andi %xor3A_474, %and3A_476 : vector<16xi32>
            %mul3A_478 = arith.constant 16 : i32
            %mul3A_479 = arith.muli %add3A_114, %mul3A_478 : i32
            %add3A_480 = arith.constant 2560 : i32
            %add3A_481 = arith.addi %add3A_480, %mul3A_479 : i32
            %swap3A_482 = arith.index_cast %add3A_481 : i32 to index
            %swap3A_483 = tpu.vector_load %arg14[%swap3A_482] {strides = array<i32>} : memref<4096xi32, #tpu.memory_space<vmem>>, vector<16xi32>,
            tpu.vector_store %arg14[%swap3A_482], %and3A_477 {strides = array<i32>} : memref<4096xi32, #tpu.memory_space<vmem>>, vector<16xi32>,
            %xor3A_484 = arith.xori %xor3A_228, %mul3A_216 : vector<16xi32>
            %and3A_485 = arith.constant 32767 : i32
            %and3A_486 = vector.broadcast %and3A_485 : i32 to vector<16xi32>
            %and3A_487 = arith.andi %xor3A_484, %and3A_486 : vector<16xi32>
            %mul3A_488 = arith.constant 16 : i32
            %mul3A_489 = arith.muli %add3A_114, %mul3A_488 : i32
            %add3A_490 = arith.constant 3072 : i32
            %add3A_491 = arith.addi %add3A_490, %mul3A_489 : i32
            %swap3A_492 = arith.index_cast %add3A_491 : i32 to index
            %swap3A_493 = tpu.vector_load %arg14[%swap3A_492] {strides = array<i32>} : memref<4096xi32, #tpu.memory_space<vmem>>, vector<16xi32>,
            tpu.vector_store %arg14[%swap3A_492], %and3A_487 {strides = array<i32>} : memref<4096xi32, #tpu.memory_space<vmem>>, vector<16xi32>,
            %xor3A_494 = arith.xori %xor3A_228, %add3A_219 : vector<16xi32>
            %and3A_495 = arith.constant 32767 : i32
            %and3A_496 = vector.broadcast %and3A_495 : i32 to vector<16xi32>
            %and3A_497 = arith.andi %xor3A_494, %and3A_496 : vector<16xi32>
            %mul3A_498 = arith.constant 16 : i32
            %mul3A_499 = arith.muli %add3A_114, %mul3A_498 : i32
            %add3A_500 = arith.constant 3584 : i32
            %add3A_501 = arith.addi %add3A_500, %mul3A_499 : i32
            %swap3A_502 = arith.index_cast %add3A_501 : i32 to index
            %swap3A_503 = tpu.vector_load %arg14[%swap3A_502] {strides = array<i32>} : memref<4096xi32, #tpu.memory_space<vmem>>, vector<16xi32>,
            tpu.vector_store %arg14[%swap3A_502], %and3A_497 {strides = array<i32>} : memref<4096xi32, #tpu.memory_space<vmem>>, vector<16xi32>,
          }
          %scan3A_107 = arith.constant 32 : i32
          %dma_start3A_108 = arith.constant 0 : i32
          %dma_start3A_109 = tpu.memref_slice %arg3[%dma_start3A_108] : memref<8388608xi32, #tpu.memory_space<hbm>> -> memref<8388608xi32, #tpu.memory_space<hbm>>
          tpu.enqueue_indirect_dma source(%dma_start3A_109 : memref<8388608xi32, #tpu.memory_space<hbm>>) target(%arg16 : memref<8192xi32, #tpu.memory_space<vmem>>) offsets(%arg12 : memref<8192xi32, #tpu.memory_space<vmem>>) semaphore(%arg21 : memref<!tpu.dma_semaphore, #tpu.memory_space<semaphore_mem>>)
        } else {
        }
        %dma_wait3A_81 = arith.constant 0 : i32
        %dma_wait3A_82 = tpu.memref_slice %arg3[%dma_wait3A_81] : memref<8388608xi32, #tpu.memory_space<hbm>> -> memref<8388608xi32, #tpu.memory_space<hbm>>
        tpu.wait_indirect_dma semaphore(%arg22 : memref<!tpu.dma_semaphore, #tpu.memory_space<semaphore_mem>>) src(%dma_wait3A_82 : memref<8388608xi32, #tpu.memory_space<hbm>>) dst(%arg17 : memref<8192xi32, #tpu.memory_space<vmem>>)
        %scan3A_83 = arith.constant 0 : i32
        %scan3A_84 = arith.constant 32 : i32
        %scan3A_85 = arith.addi %scan3A_83, %scan3A_84 : i32
        %scan3A_86 = arith.constant 1 : i32
        scf.for %scan3A_96 = %scan3A_83 to %scan3A_85 step %scan3A_86  : i32 {
          %mul3A_97 = arith.constant 1 : i32
          %mul3A_98 = arith.muli %scan3A_96, %mul3A_97 : i32
          %add3A_99 = arith.constant 0 : i32
          %add3A_100 = arith.addi %add3A_99, %mul3A_98 : i32
          %mul3A_101 = arith.constant 16 : i32
          %mul3A_102 = arith.muli %add3A_100, %mul3A_101 : i32
          %add3A_103 = arith.constant 0 : i32
          %add3A_104 = arith.addi %add3A_103, %mul3A_102 : i32
          %get3A_105 = arith.constant 1 : i32
          %get3A_106 = arith.index_cast %get3A_105 : i32 to index
          %get3A_107 = arith.index_cast %add3A_104 : i32 to index
          %get3A_108 = tpu.vector_load %arg11[%get3A_106, %get3A_107] {strides = array<i32>} : memref<2x2048xf32, #tpu.memory_space<vmem>>, vector<16xf32>,
          %mul3A_109 = arith.constant 16 : i32
          %mul3A_110 = arith.muli %add3A_100, %mul3A_109 : i32
          %add3A_111 = arith.constant 512 : i32
          %add3A_112 = arith.addi %add3A_111, %mul3A_110 : i32
          %get3A_113 = arith.constant 1 : i32
          %get3A_114 = arith.index_cast %get3A_113 : i32 to index
          %get3A_115 = arith.index_cast %add3A_112 : i32 to index
          %get3A_116 = tpu.vector_load %arg11[%get3A_114, %get3A_115] {strides = array<i32>} : memref<2x2048xf32, #tpu.memory_space<vmem>>, vector<16xf32>,
          %mul3A_117 = arith.constant 16 : i32
          %mul3A_118 = arith.muli %add3A_100, %mul3A_117 : i32
          %add3A_119 = arith.constant 1024 : i32
          %add3A_120 = arith.addi %add3A_119, %mul3A_118 : i32
          %get3A_121 = arith.constant 1 : i32
          %get3A_122 = arith.index_cast %get3A_121 : i32 to index
          %get3A_123 = arith.index_cast %add3A_120 : i32 to index
          %get3A_124 = tpu.vector_load %arg11[%get3A_122, %get3A_123] {strides = array<i32>} : memref<2x2048xf32, #tpu.memory_space<vmem>>, vector<16xf32>,
          %mul3A_125 = arith.constant 16 : i32
          %mul3A_126 = arith.muli %add3A_100, %mul3A_125 : i32
          %add3A_127 = arith.constant 1536 : i32
          %add3A_128 = arith.addi %add3A_127, %mul3A_126 : i32
          %get3A_129 = arith.constant 1 : i32
          %get3A_130 = arith.index_cast %get3A_129 : i32 to index
          %get3A_131 = arith.index_cast %add3A_128 : i32 to index
          %get3A_132 = tpu.vector_load %arg11[%get3A_130, %get3A_131] {strides = array<i32>} : memref<2x2048xf32, #tpu.memory_space<vmem>>, vector<16xf32>,
          %sub3A = arith.constant 1.000000e+00 : f32
          %sub3A_133 = vector.broadcast %sub3A : f32 to vector<16xf32>
          %sub3A_134 = arith.subf %sub3A_133, %get3A_108 : vector<16xf32>
          %sub3A_135 = arith.constant 1.000000e+00 : f32
          %sub3A_136 = vector.broadcast %sub3A_135 : f32 to vector<16xf32>
          %sub3A_137 = arith.subf %sub3A_136, %get3A_116 : vector<16xf32>
          %sub3A_138 = arith.constant 1.000000e+00 : f32
          %sub3A_139 = vector.broadcast %sub3A_138 : f32 to vector<16xf32>
          %sub3A_140 = arith.subf %sub3A_139, %get3A_124 : vector<16xf32>
          %sub3A_141 = arith.constant 1.000000e+00 : f32
          %sub3A_142 = vector.broadcast %sub3A_141 : f32 to vector<16xf32>
          %sub3A_143 = arith.subf %sub3A_142, %get3A_132 : vector<16xf32>
          %mul3A_144 = arith.constant 16 : i32
          %mul3A_145 = arith.muli %add3A_100, %mul3A_144 : i32
          %add3A_146 = arith.constant 0 : i32
          %add3A_147 = arith.addi %add3A_146, %mul3A_145 : i32
          %get3A_148 = arith.index_cast %add3A_147 : i32 to index
          %get3A_149 = tpu.vector_load %arg17[%get3A_148] {strides = array<i32>} : memref<8192xi32, #tpu.memory_space<vmem>>, vector<16xi32>,
          %shift_left3A_150 = arith.constant 16 : i32
          %shift_left3A_151 = vector.broadcast %shift_left3A_150 : i32 to vector<16xi32>
          %shift_left3A_152 = arith.shli %get3A_149, %shift_left3A_151 : vector<16xi32>
          %bitcast_convert_type3A = tpu.bitcast %shift_left3A_152 : vector<16xi32> -> vector<16xf32>
          %and3A = arith.constant -65536 : i32
          %and3A_153 = vector.broadcast %and3A : i32 to vector<16xi32>
          %and3A_154 = arith.andi %get3A_149, %and3A_153 : vector<16xi32>
          %bitcast_convert_type3A_155 = tpu.bitcast %and3A_154 : vector<16xi32> -> vector<16xf32>
          %mul3A_156 = arith.constant 16 : i32
          %mul3A_157 = arith.muli %add3A_100, %mul3A_156 : i32
          %add3A_158 = arith.constant 512 : i32
          %add3A_159 = arith.addi %add3A_158, %mul3A_157 : i32
          %get3A_160 = arith.index_cast %add3A_159 : i32 to index
          %get3A_161 = tpu.vector_load %arg17[%get3A_160] {strides = array<i32>} : memref<8192xi32, #tpu.memory_space<vmem>>, vector<16xi32>,
          %shift_left3A_162 = arith.constant 16 : i32
          %shift_left3A_163 = vector.broadcast %shift_left3A_162 : i32 to vector<16xi32>
          %shift_left3A_164 = arith.shli %get3A_161, %shift_left3A_163 : vector<16xi32>
          %bitcast_convert_type3A_165 = tpu.bitcast %shift_left3A_164 : vector<16xi32> -> vector<16xf32>
          %and3A_166 = arith.constant -65536 : i32
          %and3A_167 = vector.broadcast %and3A_166 : i32 to vector<16xi32>
          %and3A_168 = arith.andi %get3A_161, %and3A_167 : vector<16xi32>
          %bitcast_convert_type3A_169 = tpu.bitcast %and3A_168 : vector<16xi32> -> vector<16xf32>
          %mul3A_170 = arith.constant 16 : i32
          %mul3A_171 = arith.muli %add3A_100, %mul3A_170 : i32
          %add3A_172 = arith.constant 1024 : i32
          %add3A_173 = arith.addi %add3A_172, %mul3A_171 : i32
          %get3A_174 = arith.index_cast %add3A_173 : i32 to index
          %get3A_175 = tpu.vector_load %arg17[%get3A_174] {strides = array<i32>} : memref<8192xi32, #tpu.memory_space<vmem>>, vector<16xi32>,
          %shift_left3A_176 = arith.constant 16 : i32
          %shift_left3A_177 = vector.broadcast %shift_left3A_176 : i32 to vector<16xi32>
          %shift_left3A_178 = arith.shli %get3A_175, %shift_left3A_177 : vector<16xi32>
          %bitcast_convert_type3A_179 = tpu.bitcast %shift_left3A_178 : vector<16xi32> -> vector<16xf32>
          %and3A_180 = arith.constant -65536 : i32
          %and3A_181 = vector.broadcast %and3A_180 : i32 to vector<16xi32>
          %and3A_182 = arith.andi %get3A_175, %and3A_181 : vector<16xi32>
          %bitcast_convert_type3A_183 = tpu.bitcast %and3A_182 : vector<16xi32> -> vector<16xf32>
          %mul3A_184 = arith.constant 16 : i32
          %mul3A_185 = arith.muli %add3A_100, %mul3A_184 : i32
          %add3A_186 = arith.constant 1536 : i32
          %add3A_187 = arith.addi %add3A_186, %mul3A_185 : i32
          %get3A_188 = arith.index_cast %add3A_187 : i32 to index
          %get3A_189 = tpu.vector_load %arg17[%get3A_188] {strides = array<i32>} : memref<8192xi32, #tpu.memory_space<vmem>>, vector<16xi32>,
          %shift_left3A_190 = arith.constant 16 : i32
          %shift_left3A_191 = vector.broadcast %shift_left3A_190 : i32 to vector<16xi32>
          %shift_left3A_192 = arith.shli %get3A_189, %shift_left3A_191 : vector<16xi32>
          %bitcast_convert_type3A_193 = tpu.bitcast %shift_left3A_192 : vector<16xi32> -> vector<16xf32>
          %and3A_194 = arith.constant -65536 : i32
          %and3A_195 = vector.broadcast %and3A_194 : i32 to vector<16xi32>
          %and3A_196 = arith.andi %get3A_189, %and3A_195 : vector<16xi32>
          %bitcast_convert_type3A_197 = tpu.bitcast %and3A_196 : vector<16xi32> -> vector<16xf32>
          %mul3A_198 = arith.constant 16 : i32
          %mul3A_199 = arith.muli %add3A_100, %mul3A_198 : i32
          %add3A_200 = arith.constant 2048 : i32
          %add3A_201 = arith.addi %add3A_200, %mul3A_199 : i32
          %get3A_202 = arith.index_cast %add3A_201 : i32 to index
          %get3A_203 = tpu.vector_load %arg17[%get3A_202] {strides = array<i32>} : memref<8192xi32, #tpu.memory_space<vmem>>, vector<16xi32>,
          %shift_left3A_204 = arith.constant 16 : i32
          %shift_left3A_205 = vector.broadcast %shift_left3A_204 : i32 to vector<16xi32>
          %shift_left3A_206 = arith.shli %get3A_203, %shift_left3A_205 : vector<16xi32>
          %bitcast_convert_type3A_207 = tpu.bitcast %shift_left3A_206 : vector<16xi32> -> vector<16xf32>
          %and3A_208 = arith.constant -65536 : i32
          %and3A_209 = vector.broadcast %and3A_208 : i32 to vector<16xi32>
          %and3A_210 = arith.andi %get3A_203, %and3A_209 : vector<16xi32>
          %bitcast_convert_type3A_211 = tpu.bitcast %and3A_210 : vector<16xi32> -> vector<16xf32>
          %mul3A_212 = arith.constant 16 : i32
          %mul3A_213 = arith.muli %add3A_100, %mul3A_212 : i32
          %add3A_214 = arith.constant 2560 : i32
          %add3A_215 = arith.addi %add3A_214, %mul3A_213 : i32
          %get3A_216 = arith.index_cast %add3A_215 : i32 to index
          %get3A_217 = tpu.vector_load %arg17[%get3A_216] {strides = array<i32>} : memref<8192xi32, #tpu.memory_space<vmem>>, vector<16xi32>,
          %shift_left3A_218 = arith.constant 16 : i32
          %shift_left3A_219 = vector.broadcast %shift_left3A_218 : i32 to vector<16xi32>
          %shift_left3A_220 = arith.shli %get3A_217, %shift_left3A_219 : vector<16xi32>
          %bitcast_convert_type3A_221 = tpu.bitcast %shift_left3A_220 : vector<16xi32> -> vector<16xf32>
          %and3A_222 = arith.constant -65536 : i32
          %and3A_223 = vector.broadcast %and3A_222 : i32 to vector<16xi32>
          %and3A_224 = arith.andi %get3A_217, %and3A_223 : vector<16xi32>
          %bitcast_convert_type3A_225 = tpu.bitcast %and3A_224 : vector<16xi32> -> vector<16xf32>
          %mul3A_226 = arith.constant 16 : i32
          %mul3A_227 = arith.muli %add3A_100, %mul3A_226 : i32
          %add3A_228 = arith.constant 3072 : i32
          %add3A_229 = arith.addi %add3A_228, %mul3A_227 : i32
          %get3A_230 = arith.index_cast %add3A_229 : i32 to index
          %get3A_231 = tpu.vector_load %arg17[%get3A_230] {strides = array<i32>} : memref<8192xi32, #tpu.memory_space<vmem>>, vector<16xi32>,
          %shift_left3A_232 = arith.constant 16 : i32
          %shift_left3A_233 = vector.broadcast %shift_left3A_232 : i32 to vector<16xi32>
          %shift_left3A_234 = arith.shli %get3A_231, %shift_left3A_233 : vector<16xi32>
          %bitcast_convert_type3A_235 = tpu.bitcast %shift_left3A_234 : vector<16xi32> -> vector<16xf32>
          %and3A_236 = arith.constant -65536 : i32
          %and3A_237 = vector.broadcast %and3A_236 : i32 to vector<16xi32>
          %and3A_238 = arith.andi %get3A_231, %and3A_237 : vector<16xi32>
          %bitcast_convert_type3A_239 = tpu.bitcast %and3A_238 : vector<16xi32> -> vector<16xf32>
          %mul3A_240 = arith.constant 16 : i32
          %mul3A_241 = arith.muli %add3A_100, %mul3A_240 : i32
          %add3A_242 = arith.constant 3584 : i32
          %add3A_243 = arith.addi %add3A_242, %mul3A_241 : i32
          %get3A_244 = arith.index_cast %add3A_243 : i32 to index
          %get3A_245 = tpu.vector_load %arg17[%get3A_244] {strides = array<i32>} : memref<8192xi32, #tpu.memory_space<vmem>>, vector<16xi32>,
          %shift_left3A_246 = arith.constant 16 : i32
          %shift_left3A_247 = vector.broadcast %shift_left3A_246 : i32 to vector<16xi32>
          %shift_left3A_248 = arith.shli %get3A_245, %shift_left3A_247 : vector<16xi32>
          %bitcast_convert_type3A_249 = tpu.bitcast %shift_left3A_248 : vector<16xi32> -> vector<16xf32>
          %and3A_250 = arith.constant -65536 : i32
          %and3A_251 = vector.broadcast %and3A_250 : i32 to vector<16xi32>
          %and3A_252 = arith.andi %get3A_245, %and3A_251 : vector<16xi32>
          %bitcast_convert_type3A_253 = tpu.bitcast %and3A_252 : vector<16xi32> -> vector<16xf32>
          %mul3A_254 = arith.constant 16 : i32
          %mul3A_255 = arith.muli %add3A_100, %mul3A_254 : i32
          %add3A_256 = arith.constant 4096 : i32
          %add3A_257 = arith.addi %add3A_256, %mul3A_255 : i32
          %get3A_258 = arith.index_cast %add3A_257 : i32 to index
          %get3A_259 = tpu.vector_load %arg17[%get3A_258] {strides = array<i32>} : memref<8192xi32, #tpu.memory_space<vmem>>, vector<16xi32>,
          %shift_left3A_260 = arith.constant 16 : i32
          %shift_left3A_261 = vector.broadcast %shift_left3A_260 : i32 to vector<16xi32>
          %shift_left3A_262 = arith.shli %get3A_259, %shift_left3A_261 : vector<16xi32>
          %bitcast_convert_type3A_263 = tpu.bitcast %shift_left3A_262 : vector<16xi32> -> vector<16xf32>
          %and3A_264 = arith.constant -65536 : i32
          %and3A_265 = vector.broadcast %and3A_264 : i32 to vector<16xi32>
          %and3A_266 = arith.andi %get3A_259, %and3A_265 : vector<16xi32>
          %bitcast_convert_type3A_267 = tpu.bitcast %and3A_266 : vector<16xi32> -> vector<16xf32>
          %mul3A_268 = arith.constant 16 : i32
          %mul3A_269 = arith.muli %add3A_100, %mul3A_268 : i32
          %add3A_270 = arith.constant 4608 : i32
          %add3A_271 = arith.addi %add3A_270, %mul3A_269 : i32
          %get3A_272 = arith.index_cast %add3A_271 : i32 to index
          %get3A_273 = tpu.vector_load %arg17[%get3A_272] {strides = array<i32>} : memref<8192xi32, #tpu.memory_space<vmem>>, vector<16xi32>,
          %shift_left3A_274 = arith.constant 16 : i32
          %shift_left3A_275 = vector.broadcast %shift_left3A_274 : i32 to vector<16xi32>
          %shift_left3A_276 = arith.shli %get3A_273, %shift_left3A_275 : vector<16xi32>
          %bitcast_convert_type3A_277 = tpu.bitcast %shift_left3A_276 : vector<16xi32> -> vector<16xf32>
          %and3A_278 = arith.constant -65536 : i32
          %and3A_279 = vector.broadcast %and3A_278 : i32 to vector<16xi32>
          %and3A_280 = arith.andi %get3A_273, %and3A_279 : vector<16xi32>
          %bitcast_convert_type3A_281 = tpu.bitcast %and3A_280 : vector<16xi32> -> vector<16xf32>
          %mul3A_282 = arith.constant 16 : i32
          %mul3A_283 = arith.muli %add3A_100, %mul3A_282 : i32
          %add3A_284 = arith.constant 5120 : i32
          %add3A_285 = arith.addi %add3A_284, %mul3A_283 : i32
          %get3A_286 = arith.index_cast %add3A_285 : i32 to index
          %get3A_287 = tpu.vector_load %arg17[%get3A_286] {strides = array<i32>} : memref<8192xi32, #tpu.memory_space<vmem>>, vector<16xi32>,
          %shift_left3A_288 = arith.constant 16 : i32
          %shift_left3A_289 = vector.broadcast %shift_left3A_288 : i32 to vector<16xi32>
          %shift_left3A_290 = arith.shli %get3A_287, %shift_left3A_289 : vector<16xi32>
          %bitcast_convert_type3A_291 = tpu.bitcast %shift_left3A_290 : vector<16xi32> -> vector<16xf32>
          %and3A_292 = arith.constant -65536 : i32
          %and3A_293 = vector.broadcast %and3A_292 : i32 to vector<16xi32>
          %and3A_294 = arith.andi %get3A_287, %and3A_293 : vector<16xi32>
          %bitcast_convert_type3A_295 = tpu.bitcast %and3A_294 : vector<16xi32> -> vector<16xf32>
          %mul3A_296 = arith.constant 16 : i32
          %mul3A_297 = arith.muli %add3A_100, %mul3A_296 : i32
          %add3A_298 = arith.constant 5632 : i32
          %add3A_299 = arith.addi %add3A_298, %mul3A_297 : i32
          %get3A_300 = arith.index_cast %add3A_299 : i32 to index
          %get3A_301 = tpu.vector_load %arg17[%get3A_300] {strides = array<i32>} : memref<8192xi32, #tpu.memory_space<vmem>>, vector<16xi32>,
          %shift_left3A_302 = arith.constant 16 : i32
          %shift_left3A_303 = vector.broadcast %shift_left3A_302 : i32 to vector<16xi32>
          %shift_left3A_304 = arith.shli %get3A_301, %shift_left3A_303 : vector<16xi32>
          %bitcast_convert_type3A_305 = tpu.bitcast %shift_left3A_304 : vector<16xi32> -> vector<16xf32>
          %and3A_306 = arith.constant -65536 : i32
          %and3A_307 = vector.broadcast %and3A_306 : i32 to vector<16xi32>
          %and3A_308 = arith.andi %get3A_301, %and3A_307 : vector<16xi32>
          %bitcast_convert_type3A_309 = tpu.bitcast %and3A_308 : vector<16xi32> -> vector<16xf32>
          %mul3A_310 = arith.constant 16 : i32
          %mul3A_311 = arith.muli %add3A_100, %mul3A_310 : i32
          %add3A_312 = arith.constant 6144 : i32
          %add3A_313 = arith.addi %add3A_312, %mul3A_311 : i32
          %get3A_314 = arith.index_cast %add3A_313 : i32 to index
          %get3A_315 = tpu.vector_load %arg17[%get3A_314] {strides = array<i32>} : memref<8192xi32, #tpu.memory_space<vmem>>, vector<16xi32>,
          %shift_left3A_316 = arith.constant 16 : i32
          %shift_left3A_317 = vector.broadcast %shift_left3A_316 : i32 to vector<16xi32>
          %shift_left3A_318 = arith.shli %get3A_315, %shift_left3A_317 : vector<16xi32>
          %bitcast_convert_type3A_319 = tpu.bitcast %shift_left3A_318 : vector<16xi32> -> vector<16xf32>
          %and3A_320 = arith.constant -65536 : i32
          %and3A_321 = vector.broadcast %and3A_320 : i32 to vector<16xi32>
          %and3A_322 = arith.andi %get3A_315, %and3A_321 : vector<16xi32>
          %bitcast_convert_type3A_323 = tpu.bitcast %and3A_322 : vector<16xi32> -> vector<16xf32>
          %mul3A_324 = arith.constant 16 : i32
          %mul3A_325 = arith.muli %add3A_100, %mul3A_324 : i32
          %add3A_326 = arith.constant 6656 : i32
          %add3A_327 = arith.addi %add3A_326, %mul3A_325 : i32
          %get3A_328 = arith.index_cast %add3A_327 : i32 to index
          %get3A_329 = tpu.vector_load %arg17[%get3A_328] {strides = array<i32>} : memref<8192xi32, #tpu.memory_space<vmem>>, vector<16xi32>,
          %shift_left3A_330 = arith.constant 16 : i32
          %shift_left3A_331 = vector.broadcast %shift_left3A_330 : i32 to vector<16xi32>
          %shift_left3A_332 = arith.shli %get3A_329, %shift_left3A_331 : vector<16xi32>
          %bitcast_convert_type3A_333 = tpu.bitcast %shift_left3A_332 : vector<16xi32> -> vector<16xf32>
          %and3A_334 = arith.constant -65536 : i32
          %and3A_335 = vector.broadcast %and3A_334 : i32 to vector<16xi32>
          %and3A_336 = arith.andi %get3A_329, %and3A_335 : vector<16xi32>
          %bitcast_convert_type3A_337 = tpu.bitcast %and3A_336 : vector<16xi32> -> vector<16xf32>
          %mul3A_338 = arith.constant 16 : i32
          %mul3A_339 = arith.muli %add3A_100, %mul3A_338 : i32
          %add3A_340 = arith.constant 7168 : i32
          %add3A_341 = arith.addi %add3A_340, %mul3A_339 : i32
          %get3A_342 = arith.index_cast %add3A_341 : i32 to index
          %get3A_343 = tpu.vector_load %arg17[%get3A_342] {strides = array<i32>} : memref<8192xi32, #tpu.memory_space<vmem>>, vector<16xi32>,
          %shift_left3A_344 = arith.constant 16 : i32
          %shift_left3A_345 = vector.broadcast %shift_left3A_344 : i32 to vector<16xi32>
          %shift_left3A_346 = arith.shli %get3A_343, %shift_left3A_345 : vector<16xi32>
          %bitcast_convert_type3A_347 = tpu.bitcast %shift_left3A_346 : vector<16xi32> -> vector<16xf32>
          %and3A_348 = arith.constant -65536 : i32
          %and3A_349 = vector.broadcast %and3A_348 : i32 to vector<16xi32>
          %and3A_350 = arith.andi %get3A_343, %and3A_349 : vector<16xi32>
          %bitcast_convert_type3A_351 = tpu.bitcast %and3A_350 : vector<16xi32> -> vector<16xf32>
          %mul3A_352 = arith.constant 16 : i32
          %mul3A_353 = arith.muli %add3A_100, %mul3A_352 : i32
          %add3A_354 = arith.constant 7680 : i32
          %add3A_355 = arith.addi %add3A_354, %mul3A_353 : i32
          %get3A_356 = arith.index_cast %add3A_355 : i32 to index
          %get3A_357 = tpu.vector_load %arg17[%get3A_356] {strides = array<i32>} : memref<8192xi32, #tpu.memory_space<vmem>>, vector<16xi32>,
          %shift_left3A_358 = arith.constant 16 : i32
          %shift_left3A_359 = vector.broadcast %shift_left3A_358 : i32 to vector<16xi32>
          %shift_left3A_360 = arith.shli %get3A_357, %shift_left3A_359 : vector<16xi32>
          %bitcast_convert_type3A_361 = tpu.bitcast %shift_left3A_360 : vector<16xi32> -> vector<16xf32>
          %and3A_362 = arith.constant -65536 : i32
          %and3A_363 = vector.broadcast %and3A_362 : i32 to vector<16xi32>
          %and3A_364 = arith.andi %get3A_357, %and3A_363 : vector<16xi32>
          %bitcast_convert_type3A_365 = tpu.bitcast %and3A_364 : vector<16xi32> -> vector<16xf32>
          %mul3A_366 = arith.mulf %bitcast_convert_type3A, %sub3A_134 : vector<16xf32>
          %mul3A_367 = arith.mulf %bitcast_convert_type3A_263, %get3A_108 : vector<16xf32>
          %add3A_368 = arith.addf %mul3A_366, %mul3A_367 : vector<16xf32>
          %mul3A_369 = arith.mulf %bitcast_convert_type3A_165, %sub3A_134 : vector<16xf32>
          %mul3A_370 = arith.mulf %bitcast_convert_type3A_277, %get3A_108 : vector<16xf32>
          %add3A_371 = arith.addf %mul3A_369, %mul3A_370 : vector<16xf32>
          %mul3A_372 = arith.mulf %bitcast_convert_type3A_179, %sub3A_134 : vector<16xf32>
          %mul3A_373 = arith.mulf %bitcast_convert_type3A_291, %get3A_108 : vector<16xf32>
          %add3A_374 = arith.addf %mul3A_372, %mul3A_373 : vector<16xf32>
          %mul3A_375 = arith.mulf %bitcast_convert_type3A_193, %sub3A_134 : vector<16xf32>
          %mul3A_376 = arith.mulf %bitcast_convert_type3A_305, %get3A_108 : vector<16xf32>
          %add3A_377 = arith.addf %mul3A_375, %mul3A_376 : vector<16xf32>
          %mul3A_378 = arith.mulf %bitcast_convert_type3A_207, %sub3A_134 : vector<16xf32>
          %mul3A_379 = arith.mulf %bitcast_convert_type3A_319, %get3A_108 : vector<16xf32>
          %add3A_380 = arith.addf %mul3A_378, %mul3A_379 : vector<16xf32>
          %mul3A_381 = arith.mulf %bitcast_convert_type3A_221, %sub3A_134 : vector<16xf32>
          %mul3A_382 = arith.mulf %bitcast_convert_type3A_333, %get3A_108 : vector<16xf32>
          %add3A_383 = arith.addf %mul3A_381, %mul3A_382 : vector<16xf32>
          %mul3A_384 = arith.mulf %bitcast_convert_type3A_235, %sub3A_134 : vector<16xf32>
          %mul3A_385 = arith.mulf %bitcast_convert_type3A_347, %get3A_108 : vector<16xf32>
          %add3A_386 = arith.addf %mul3A_384, %mul3A_385 : vector<16xf32>
          %mul3A_387 = arith.mulf %bitcast_convert_type3A_249, %sub3A_134 : vector<16xf32>
          %mul3A_388 = arith.mulf %bitcast_convert_type3A_361, %get3A_108 : vector<16xf32>
          %add3A_389 = arith.addf %mul3A_387, %mul3A_388 : vector<16xf32>
          %mul3A_390 = arith.mulf %bitcast_convert_type3A_155, %sub3A_134 : vector<16xf32>
          %mul3A_391 = arith.mulf %bitcast_convert_type3A_267, %get3A_108 : vector<16xf32>
          %add3A_392 = arith.addf %mul3A_390, %mul3A_391 : vector<16xf32>
          %mul3A_393 = arith.mulf %bitcast_convert_type3A_169, %sub3A_134 : vector<16xf32>
          %mul3A_394 = arith.mulf %bitcast_convert_type3A_281, %get3A_108 : vector<16xf32>
          %add3A_395 = arith.addf %mul3A_393, %mul3A_394 : vector<16xf32>
          %mul3A_396 = arith.mulf %bitcast_convert_type3A_183, %sub3A_134 : vector<16xf32>
          %mul3A_397 = arith.mulf %bitcast_convert_type3A_295, %get3A_108 : vector<16xf32>
          %add3A_398 = arith.addf %mul3A_396, %mul3A_397 : vector<16xf32>
          %mul3A_399 = arith.mulf %bitcast_convert_type3A_197, %sub3A_134 : vector<16xf32>
          %mul3A_400 = arith.mulf %bitcast_convert_type3A_309, %get3A_108 : vector<16xf32>
          %add3A_401 = arith.addf %mul3A_399, %mul3A_400 : vector<16xf32>
          %mul3A_402 = arith.mulf %bitcast_convert_type3A_211, %sub3A_134 : vector<16xf32>
          %mul3A_403 = arith.mulf %bitcast_convert_type3A_323, %get3A_108 : vector<16xf32>
          %add3A_404 = arith.addf %mul3A_402, %mul3A_403 : vector<16xf32>
          %mul3A_405 = arith.mulf %bitcast_convert_type3A_225, %sub3A_134 : vector<16xf32>
          %mul3A_406 = arith.mulf %bitcast_convert_type3A_337, %get3A_108 : vector<16xf32>
          %add3A_407 = arith.addf %mul3A_405, %mul3A_406 : vector<16xf32>
          %mul3A_408 = arith.mulf %bitcast_convert_type3A_239, %sub3A_134 : vector<16xf32>
          %mul3A_409 = arith.mulf %bitcast_convert_type3A_351, %get3A_108 : vector<16xf32>
          %add3A_410 = arith.addf %mul3A_408, %mul3A_409 : vector<16xf32>
          %mul3A_411 = arith.mulf %bitcast_convert_type3A_253, %sub3A_134 : vector<16xf32>
          %mul3A_412 = arith.mulf %bitcast_convert_type3A_365, %get3A_108 : vector<16xf32>
          %add3A_413 = arith.addf %mul3A_411, %mul3A_412 : vector<16xf32>
          %mul3A_414 = arith.mulf %add3A_368, %sub3A_137 : vector<16xf32>
          %mul3A_415 = arith.mulf %add3A_380, %get3A_116 : vector<16xf32>
          %add3A_416 = arith.addf %mul3A_414, %mul3A_415 : vector<16xf32>
          %mul3A_417 = arith.mulf %add3A_371, %sub3A_137 : vector<16xf32>
          %mul3A_418 = arith.mulf %add3A_383, %get3A_116 : vector<16xf32>
          %add3A_419 = arith.addf %mul3A_417, %mul3A_418 : vector<16xf32>
          %mul3A_420 = arith.mulf %add3A_374, %sub3A_137 : vector<16xf32>
          %mul3A_421 = arith.mulf %add3A_386, %get3A_116 : vector<16xf32>
          %add3A_422 = arith.addf %mul3A_420, %mul3A_421 : vector<16xf32>
          %mul3A_423 = arith.mulf %add3A_377, %sub3A_137 : vector<16xf32>
          %mul3A_424 = arith.mulf %add3A_389, %get3A_116 : vector<16xf32>
          %add3A_425 = arith.addf %mul3A_423, %mul3A_424 : vector<16xf32>
          %mul3A_426 = arith.mulf %add3A_392, %sub3A_137 : vector<16xf32>
          %mul3A_427 = arith.mulf %add3A_404, %get3A_116 : vector<16xf32>
          %add3A_428 = arith.addf %mul3A_426, %mul3A_427 : vector<16xf32>
          %mul3A_429 = arith.mulf %add3A_395, %sub3A_137 : vector<16xf32>
          %mul3A_430 = arith.mulf %add3A_407, %get3A_116 : vector<16xf32>
          %add3A_431 = arith.addf %mul3A_429, %mul3A_430 : vector<16xf32>
          %mul3A_432 = arith.mulf %add3A_398, %sub3A_137 : vector<16xf32>
          %mul3A_433 = arith.mulf %add3A_410, %get3A_116 : vector<16xf32>
          %add3A_434 = arith.addf %mul3A_432, %mul3A_433 : vector<16xf32>
          %mul3A_435 = arith.mulf %add3A_401, %sub3A_137 : vector<16xf32>
          %mul3A_436 = arith.mulf %add3A_413, %get3A_116 : vector<16xf32>
          %add3A_437 = arith.addf %mul3A_435, %mul3A_436 : vector<16xf32>
          %mul3A_438 = arith.mulf %add3A_416, %sub3A_140 : vector<16xf32>
          %mul3A_439 = arith.mulf %add3A_422, %get3A_124 : vector<16xf32>
          %add3A_440 = arith.addf %mul3A_438, %mul3A_439 : vector<16xf32>
          %mul3A_441 = arith.mulf %add3A_419, %sub3A_140 : vector<16xf32>
          %mul3A_442 = arith.mulf %add3A_425, %get3A_124 : vector<16xf32>
          %add3A_443 = arith.addf %mul3A_441, %mul3A_442 : vector<16xf32>
          %mul3A_444 = arith.mulf %add3A_428, %sub3A_140 : vector<16xf32>
          %mul3A_445 = arith.mulf %add3A_434, %get3A_124 : vector<16xf32>
          %add3A_446 = arith.addf %mul3A_444, %mul3A_445 : vector<16xf32>
          %mul3A_447 = arith.mulf %add3A_431, %sub3A_140 : vector<16xf32>
          %mul3A_448 = arith.mulf %add3A_437, %get3A_124 : vector<16xf32>
          %add3A_449 = arith.addf %mul3A_447, %mul3A_448 : vector<16xf32>
          %mul3A_450 = arith.mulf %add3A_440, %sub3A_143 : vector<16xf32>
          %mul3A_451 = arith.mulf %add3A_443, %get3A_132 : vector<16xf32>
          %add3A_452 = arith.addf %mul3A_450, %mul3A_451 : vector<16xf32>
          %mul3A_453 = arith.mulf %add3A_446, %sub3A_143 : vector<16xf32>
          %mul3A_454 = arith.mulf %add3A_449, %get3A_132 : vector<16xf32>
          %add3A_455 = arith.addf %mul3A_453, %mul3A_454 : vector<16xf32>
          %mul3A_456 = arith.constant 16 : i32
          %mul3A_457 = arith.muli %add3A_100, %mul3A_456 : i32
          %add3A_458 = arith.constant 0 : i32
          %add3A_459 = arith.addi %add3A_458, %mul3A_457 : i32
          %get3A_460 = arith.index_cast %add3A_459 : i32 to index
          %get3A_461 = tpu.vector_load %arg15[%get3A_460] {strides = array<i32>} : memref<4096xi32, #tpu.memory_space<vmem>>, vector<16xi32>,
          %gather3A = tpu.vector_load_idx %arg18[%get3A_461] : memref<32768xi32, #tpu.memory_space<vmem>>[vector<16xi32>], vector<16xi32>,
          %shift_left3A_462 = arith.constant 16 : i32
          %shift_left3A_463 = vector.broadcast %shift_left3A_462 : i32 to vector<16xi32>
          %shift_left3A_464 = arith.shli %gather3A, %shift_left3A_463 : vector<16xi32>
          %bitcast_convert_type3A_465 = tpu.bitcast %shift_left3A_464 : vector<16xi32> -> vector<16xf32>
          %and3A_466 = arith.constant -65536 : i32
          %and3A_467 = vector.broadcast %and3A_466 : i32 to vector<16xi32>
          %and3A_468 = arith.andi %gather3A, %and3A_467 : vector<16xi32>
          %bitcast_convert_type3A_469 = tpu.bitcast %and3A_468 : vector<16xi32> -> vector<16xf32>
          %mul3A_470 = arith.constant 16 : i32
          %mul3A_471 = arith.muli %add3A_100, %mul3A_470 : i32
          %add3A_472 = arith.constant 512 : i32
          %add3A_473 = arith.addi %add3A_472, %mul3A_471 : i32
          %get3A_474 = arith.index_cast %add3A_473 : i32 to index
          %get3A_475 = tpu.vector_load %arg15[%get3A_474] {strides = array<i32>} : memref<4096xi32, #tpu.memory_space<vmem>>, vector<16xi32>,
          %gather3A_476 = tpu.vector_load_idx %arg18[%get3A_475] : memref<32768xi32, #tpu.memory_space<vmem>>[vector<16xi32>], vector<16xi32>,
          %shift_left3A_477 = arith.constant 16 : i32
          %shift_left3A_478 = vector.broadcast %shift_left3A_477 : i32 to vector<16xi32>
          %shift_left3A_479 = arith.shli %gather3A_476, %shift_left3A_478 : vector<16xi32>
          %bitcast_convert_type3A_480 = tpu.bitcast %shift_left3A_479 : vector<16xi32> -> vector<16xf32>
          %and3A_481 = arith.constant -65536 : i32
          %and3A_482 = vector.broadcast %and3A_481 : i32 to vector<16xi32>
          %and3A_483 = arith.andi %gather3A_476, %and3A_482 : vector<16xi32>
          %bitcast_convert_type3A_484 = tpu.bitcast %and3A_483 : vector<16xi32> -> vector<16xf32>
          %mul3A_485 = arith.constant 16 : i32
          %mul3A_486 = arith.muli %add3A_100, %mul3A_485 : i32
          %add3A_487 = arith.constant 1024 : i32
          %add3A_488 = arith.addi %add3A_487, %mul3A_486 : i32
          %get3A_489 = arith.index_cast %add3A_488 : i32 to index
          %get3A_490 = tpu.vector_load %arg15[%get3A_489] {strides = array<i32>} : memref<4096xi32, #tpu.memory_space<vmem>>, vector<16xi32>,
          %gather3A_491 = tpu.vector_load_idx %arg18[%get3A_490] : memref<32768xi32, #tpu.memory_space<vmem>>[vector<16xi32>], vector<16xi32>,
          %shift_left3A_492 = arith.constant 16 : i32
          %shift_left3A_493 = vector.broadcast %shift_left3A_492 : i32 to vector<16xi32>
          %shift_left3A_494 = arith.shli %gather3A_491, %shift_left3A_493 : vector<16xi32>
          %bitcast_convert_type3A_495 = tpu.bitcast %shift_left3A_494 : vector<16xi32> -> vector<16xf32>
          %and3A_496 = arith.constant -65536 : i32
          %and3A_497 = vector.broadcast %and3A_496 : i32 to vector<16xi32>
          %and3A_498 = arith.andi %gather3A_491, %and3A_497 : vector<16xi32>
          %bitcast_convert_type3A_499 = tpu.bitcast %and3A_498 : vector<16xi32> -> vector<16xf32>
          %mul3A_500 = arith.constant 16 : i32
          %mul3A_501 = arith.muli %add3A_100, %mul3A_500 : i32
          %add3A_502 = arith.constant 1536 : i32
          %add3A_503 = arith.addi %add3A_502, %mul3A_501 : i32
          %get3A_504 = arith.index_cast %add3A_503 : i32 to index
          %get3A_505 = tpu.vector_load %arg15[%get3A_504] {strides = array<i32>} : memref<4096xi32, #tpu.memory_space<vmem>>, vector<16xi32>,
          %gather3A_506 = tpu.vector_load_idx %arg18[%get3A_505] : memref<32768xi32, #tpu.memory_space<vmem>>[vector<16xi32>], vector<16xi32>,
          %shift_left3A_507 = arith.constant 16 : i32
          %shift_left3A_508 = vector.broadcast %shift_left3A_507 : i32 to vector<16xi32>
          %shift_left3A_509 = arith.shli %gather3A_506, %shift_left3A_508 : vector<16xi32>
          %bitcast_convert_type3A_510 = tpu.bitcast %shift_left3A_509 : vector<16xi32> -> vector<16xf32>
          %and3A_511 = arith.constant -65536 : i32
          %and3A_512 = vector.broadcast %and3A_511 : i32 to vector<16xi32>
          %and3A_513 = arith.andi %gather3A_506, %and3A_512 : vector<16xi32>
          %bitcast_convert_type3A_514 = tpu.bitcast %and3A_513 : vector<16xi32> -> vector<16xf32>
          %mul3A_515 = arith.constant 16 : i32
          %mul3A_516 = arith.muli %add3A_100, %mul3A_515 : i32
          %add3A_517 = arith.constant 2048 : i32
          %add3A_518 = arith.addi %add3A_517, %mul3A_516 : i32
          %get3A_519 = arith.index_cast %add3A_518 : i32 to index
          %get3A_520 = tpu.vector_load %arg15[%get3A_519] {strides = array<i32>} : memref<4096xi32, #tpu.memory_space<vmem>>, vector<16xi32>,
          %gather3A_521 = tpu.vector_load_idx %arg18[%get3A_520] : memref<32768xi32, #tpu.memory_space<vmem>>[vector<16xi32>], vector<16xi32>,
          %shift_left3A_522 = arith.constant 16 : i32
          %shift_left3A_523 = vector.broadcast %shift_left3A_522 : i32 to vector<16xi32>
          %shift_left3A_524 = arith.shli %gather3A_521, %shift_left3A_523 : vector<16xi32>
          %bitcast_convert_type3A_525 = tpu.bitcast %shift_left3A_524 : vector<16xi32> -> vector<16xf32>
          %and3A_526 = arith.constant -65536 : i32
          %and3A_527 = vector.broadcast %and3A_526 : i32 to vector<16xi32>
          %and3A_528 = arith.andi %gather3A_521, %and3A_527 : vector<16xi32>
          %bitcast_convert_type3A_529 = tpu.bitcast %and3A_528 : vector<16xi32> -> vector<16xf32>
          %mul3A_530 = arith.constant 16 : i32
          %mul3A_531 = arith.muli %add3A_100, %mul3A_530 : i32
          %add3A_532 = arith.constant 2560 : i32
          %add3A_533 = arith.addi %add3A_532, %mul3A_531 : i32
          %get3A_534 = arith.index_cast %add3A_533 : i32 to index
          %get3A_535 = tpu.vector_load %arg15[%get3A_534] {strides = array<i32>} : memref<4096xi32, #tpu.memory_space<vmem>>, vector<16xi32>,
          %gather3A_536 = tpu.vector_load_idx %arg18[%get3A_535] : memref<32768xi32, #tpu.memory_space<vmem>>[vector<16xi32>], vector<16xi32>,
          %shift_left3A_537 = arith.constant 16 : i32
          %shift_left3A_538 = vector.broadcast %shift_left3A_537 : i32 to vector<16xi32>
          %shift_left3A_539 = arith.shli %gather3A_536, %shift_left3A_538 : vector<16xi32>
          %bitcast_convert_type3A_540 = tpu.bitcast %shift_left3A_539 : vector<16xi32> -> vector<16xf32>
          %and3A_541 = arith.constant -65536 : i32
          %and3A_542 = vector.broadcast %and3A_541 : i32 to vector<16xi32>
          %and3A_543 = arith.andi %gather3A_536, %and3A_542 : vector<16xi32>
          %bitcast_convert_type3A_544 = tpu.bitcast %and3A_543 : vector<16xi32> -> vector<16xf32>
          %mul3A_545 = arith.constant 16 : i32
          %mul3A_546 = arith.muli %add3A_100, %mul3A_545 : i32
          %add3A_547 = arith.constant 3072 : i32
          %add3A_548 = arith.addi %add3A_547, %mul3A_546 : i32
          %get3A_549 = arith.index_cast %add3A_548 : i32 to index
          %get3A_550 = tpu.vector_load %arg15[%get3A_549] {strides = array<i32>} : memref<4096xi32, #tpu.memory_space<vmem>>, vector<16xi32>,
          %gather3A_551 = tpu.vector_load_idx %arg18[%get3A_550] : memref<32768xi32, #tpu.memory_space<vmem>>[vector<16xi32>], vector<16xi32>,
          %shift_left3A_552 = arith.constant 16 : i32
          %shift_left3A_553 = vector.broadcast %shift_left3A_552 : i32 to vector<16xi32>
          %shift_left3A_554 = arith.shli %gather3A_551, %shift_left3A_553 : vector<16xi32>
          %bitcast_convert_type3A_555 = tpu.bitcast %shift_left3A_554 : vector<16xi32> -> vector<16xf32>
          %and3A_556 = arith.constant -65536 : i32
          %and3A_557 = vector.broadcast %and3A_556 : i32 to vector<16xi32>
          %and3A_558 = arith.andi %gather3A_551, %and3A_557 : vector<16xi32>
          %bitcast_convert_type3A_559 = tpu.bitcast %and3A_558 : vector<16xi32> -> vector<16xf32>
          %mul3A_560 = arith.constant 16 : i32
          %mul3A_561 = arith.muli %add3A_100, %mul3A_560 : i32
          %add3A_562 = arith.constant 3584 : i32
          %add3A_563 = arith.addi %add3A_562, %mul3A_561 : i32
          %get3A_564 = arith.index_cast %add3A_563 : i32 to index
          %get3A_565 = tpu.vector_load %arg15[%get3A_564] {strides = array<i32>} : memref<4096xi32, #tpu.memory_space<vmem>>, vector<16xi32>,
          %gather3A_566 = tpu.vector_load_idx %arg18[%get3A_565] : memref<32768xi32, #tpu.memory_space<vmem>>[vector<16xi32>], vector<16xi32>,
          %shift_left3A_567 = arith.constant 16 : i32
          %shift_left3A_568 = vector.broadcast %shift_left3A_567 : i32 to vector<16xi32>
          %shift_left3A_569 = arith.shli %gather3A_566, %shift_left3A_568 : vector<16xi32>
          %bitcast_convert_type3A_570 = tpu.bitcast %shift_left3A_569 : vector<16xi32> -> vector<16xf32>
          %and3A_571 = arith.constant -65536 : i32
          %and3A_572 = vector.broadcast %and3A_571 : i32 to vector<16xi32>
          %and3A_573 = arith.andi %gather3A_566, %and3A_572 : vector<16xi32>
          %bitcast_convert_type3A_574 = tpu.bitcast %and3A_573 : vector<16xi32> -> vector<16xf32>
          %mul3A_575 = arith.mulf %bitcast_convert_type3A_465, %sub3A_134 : vector<16xf32>
          %mul3A_576 = arith.mulf %bitcast_convert_type3A_525, %get3A_108 : vector<16xf32>
          %add3A_577 = arith.addf %mul3A_575, %mul3A_576 : vector<16xf32>
          %mul3A_578 = arith.mulf %bitcast_convert_type3A_480, %sub3A_134 : vector<16xf32>
          %mul3A_579 = arith.mulf %bitcast_convert_type3A_540, %get3A_108 : vector<16xf32>
          %add3A_580 = arith.addf %mul3A_578, %mul3A_579 : vector<16xf32>
          %mul3A_581 = arith.mulf %bitcast_convert_type3A_495, %sub3A_134 : vector<16xf32>
          %mul3A_582 = arith.mulf %bitcast_convert_type3A_555, %get3A_108 : vector<16xf32>
          %add3A_583 = arith.addf %mul3A_581, %mul3A_582 : vector<16xf32>
          %mul3A_584 = arith.mulf %bitcast_convert_type3A_510, %sub3A_134 : vector<16xf32>
          %mul3A_585 = arith.mulf %bitcast_convert_type3A_570, %get3A_108 : vector<16xf32>
          %add3A_586 = arith.addf %mul3A_584, %mul3A_585 : vector<16xf32>
          %mul3A_587 = arith.mulf %bitcast_convert_type3A_469, %sub3A_134 : vector<16xf32>
          %mul3A_588 = arith.mulf %bitcast_convert_type3A_529, %get3A_108 : vector<16xf32>
          %add3A_589 = arith.addf %mul3A_587, %mul3A_588 : vector<16xf32>
          %mul3A_590 = arith.mulf %bitcast_convert_type3A_484, %sub3A_134 : vector<16xf32>
          %mul3A_591 = arith.mulf %bitcast_convert_type3A_544, %get3A_108 : vector<16xf32>
          %add3A_592 = arith.addf %mul3A_590, %mul3A_591 : vector<16xf32>
          %mul3A_593 = arith.mulf %bitcast_convert_type3A_499, %sub3A_134 : vector<16xf32>
          %mul3A_594 = arith.mulf %bitcast_convert_type3A_559, %get3A_108 : vector<16xf32>
          %add3A_595 = arith.addf %mul3A_593, %mul3A_594 : vector<16xf32>
          %mul3A_596 = arith.mulf %bitcast_convert_type3A_514, %sub3A_134 : vector<16xf32>
          %mul3A_597 = arith.mulf %bitcast_convert_type3A_574, %get3A_108 : vector<16xf32>
          %add3A_598 = arith.addf %mul3A_596, %mul3A_597 : vector<16xf32>
          %mul3A_599 = arith.mulf %add3A_577, %sub3A_137 : vector<16xf32>
          %mul3A_600 = arith.mulf %add3A_583, %get3A_116 : vector<16xf32>
          %add3A_601 = arith.addf %mul3A_599, %mul3A_600 : vector<16xf32>
          %mul3A_602 = arith.mulf %add3A_580, %sub3A_137 : vector<16xf32>
          %mul3A_603 = arith.mulf %add3A_586, %get3A_116 : vector<16xf32>
          %add3A_604 = arith.addf %mul3A_602, %mul3A_603 : vector<16xf32>
          %mul3A_605 = arith.mulf %add3A_589, %sub3A_137 : vector<16xf32>
          %mul3A_606 = arith.mulf %add3A_595, %get3A_116 : vector<16xf32>
          %add3A_607 = arith.addf %mul3A_605, %mul3A_606 : vector<16xf32>
          %mul3A_608 = arith.mulf %add3A_592, %sub3A_137 : vector<16xf32>
          %mul3A_609 = arith.mulf %add3A_598, %get3A_116 : vector<16xf32>
          %add3A_610 = arith.addf %mul3A_608, %mul3A_609 : vector<16xf32>
          %mul3A_611 = arith.mulf %add3A_601, %sub3A_140 : vector<16xf32>
          %mul3A_612 = arith.mulf %add3A_604, %get3A_124 : vector<16xf32>
          %add3A_613 = arith.addf %mul3A_611, %mul3A_612 : vector<16xf32>
          %mul3A_614 = arith.mulf %add3A_607, %sub3A_140 : vector<16xf32>
          %mul3A_615 = arith.mulf %add3A_610, %get3A_124 : vector<16xf32>
          %add3A_616 = arith.addf %mul3A_614, %mul3A_615 : vector<16xf32>
          %add3A_617 = arith.addf %add3A_452, %add3A_613 : vector<16xf32>
          %mul3A_618 = arith.constant 16 : i32
          %mul3A_619 = arith.muli %add3A_100, %mul3A_618 : i32
          %swap3A = arith.constant 0 : i32
          %swap3A_620 = arith.index_cast %swap3A : i32 to index
          %swap3A_621 = arith.index_cast %mul3A_619 : i32 to index
          %swap3A_622 = tpu.vector_load %arg19[%swap3A_620, %swap3A_621] {strides = array<i32>} : memref<2x512xf32, #tpu.memory_space<vmem>>, vector<16xf32>,
          tpu.vector_store %arg19[%swap3A_620, %swap3A_621], %add3A_617 {strides = array<i32>} : memref<2x512xf32, #tpu.memory_space<vmem>>, vector<16xf32>,
          %add3A_623 = arith.addf %add3A_455, %add3A_616 : vector<16xf32>
          %mul3A_624 = arith.constant 16 : i32
          %mul3A_625 = arith.muli %add3A_100, %mul3A_624 : i32
          %swap3A_626 = arith.constant 1 : i32
          %swap3A_627 = arith.index_cast %swap3A_626 : i32 to index
          %swap3A_628 = arith.index_cast %mul3A_625 : i32 to index
          %swap3A_629 = tpu.vector_load %arg19[%swap3A_627, %swap3A_628] {strides = array<i32>} : memref<2x512xf32, #tpu.memory_space<vmem>>, vector<16xf32>,
          tpu.vector_store %arg19[%swap3A_627, %swap3A_628], %add3A_623 {strides = array<i32>} : memref<2x512xf32, #tpu.memory_space<vmem>>, vector<16xf32>,
        }
        %scan3A_87 = arith.constant 32 : i32
        %mul3A_88 = arith.constant 16 : i32
        %mul3A_89 = arith.muli %add3A, %mul3A_88 : i32
        %add3A_90 = arith.addi %mul3A_89, %add3A_52 : i32
        %mul3A_91 = arith.constant 32 : i32
        %mul3A_92 = arith.muli %add3A_90, %mul3A_91 : i32
        %mul3A_93 = arith.constant 2 : i32
        %mul3A_94 = arith.muli %mul3A_93, %add3A_14 : i32
        %add3A_95 = arith.addi %mul3A_92, %mul3A_94 : i32
        "tpu.region"() ({
          %run_scoped3A = tpu.sem_alloc : memref<!tpu.dma_semaphore, #tpu.memory_space<semaphore_mem>>
          %dma_start3A_96 = arith.constant 0 : i32
          %dma_start3A_97 = tpu.memref_slice %arg6[%add3A_95, %dma_start3A_96] : memref<16384x512xf32, #tpu.memory_space<hbm>> -> memref<2x512xf32, #tpu.memory_space<hbm>>
          %dma_start3A_98 = arith.constant 0 : i32
          %dma_start3A_99 = tpu.memref_slice %arg6[%add3A_95, %dma_start3A_98] : memref<16384x512xf32, #tpu.memory_space<hbm>> -> memref<2x512xf32, #tpu.memory_space<hbm>>
          tpu.enqueue_dma source(%arg19 : memref<2x512xf32, #tpu.memory_space<vmem>>) target(%dma_start3A_99 : memref<2x512xf32, #tpu.memory_space<hbm>>) target_semaphore(%run_scoped3A : memref<!tpu.dma_semaphore, #tpu.memory_space<semaphore_mem>>)
          %dma_wait3A_100 = arith.constant 0 : i32
          %dma_wait3A_101 = tpu.memref_slice %arg6[%add3A_95, %dma_wait3A_100] : memref<16384x512xf32, #tpu.memory_space<hbm>> -> memref<2x512xf32, #tpu.memory_space<hbm>>
          %dma_wait3A_102 = arith.constant 0 : i32
          %dma_wait3A_103 = tpu.memref_slice %arg6[%add3A_95, %dma_wait3A_102] : memref<16384x512xf32, #tpu.memory_space<hbm>> -> memref<2x512xf32, #tpu.memory_space<hbm>>
          tpu.wait_dma2 semaphore(%run_scoped3A : memref<!tpu.dma_semaphore, #tpu.memory_space<semaphore_mem>>) src(%arg19 : memref<2x512xf32, #tpu.memory_space<vmem>>) dst(%dma_wait3A_103 : memref<2x512xf32, #tpu.memory_space<hbm>>)
          tpu.yield
        }) : () -> ()
      }
      %scan3A_43 = arith.constant 8 : i32
    }
    %scan3A_9 = arith.constant 16 : i32
    return
  }
}

</mosaic_0001>

<sc_bundles>
// kernel: _run.3.cloned.1.call-start
scs
__scs_entry_jumppad:
0x0: {  	(pc) =	sbr.rel $0x88, $3  }
0x1: {  	(tag) =	ssettag $0x0;
	lr =	simm.s32 $0x1  }
0x2: {  	[smem:$0x3F9D] =	sst lr;
	_ =	strace $0xD0000000  }
0x3: {  	_ = 	snop  }
0x4: {  	_ = 	snop  }
0x5: {  	_ = 	snop  }
0x6: {  	_ = 	snop  }
0x7: {  	_ = 	snop  }
__scs_overlays_trampoline_lowered:
0x8: {  	[smem:$0x3FAC] =	sst s0  }
0x9: {  	[smem:$0x3FAD] =	sst s1  }
0xa: {  	[smem:$0x3FAE] =	sst s2  }
0xb: {  	[smem:$0x3FAF] =	sst s3  }
0xc: {  	[smem:$0x3FB0] =	sst s4  }
0xd: {  	[smem:$0x3FB1] =	sst s5  }
0xe: {  	[smem:$0x3FB2] =	sst s6  }
0xf: {  	[smem:$0x3FB3] =	sst s7  }
0x10: {  	[smem:$0x3FB4] =	sst s8  }
0x11: {  	[smem:$0x3FB5] =	sst s9;
	s0 =	simm.s32 @!p0 $0x0  }
0x12: {  	s1 =	sld [smem:$0x3F9B];
	s0 =	simm.s32 @p0 $0x1  }
0x13: {  	[smem:$0x3FB6] =	sst s0;
	s0 =	simm.s32 @!p1 $0x0  }
0x14: {  	s2 =	sld [smem:$0x3F9A];
	s0 =	simm.s32 @p1 $0x1  }
0x15: {  	[smem:$0x3FB7] =	sst s0;
	s0 =	simm.s32 @!p2 $0x0  }
0x16: {  	s3 =	sld [smem:$0x3FDB];
	s0 =	simm.s32 @p2 $0x1  }
0x17: {  	s4 =	simm.s32 $0x1BF5;
	[smem:$0x3FB9] =	sst s0  }
0x18: {  	s0 =	sld [smem:$0x3F9C];
	_ =	swait.ge [sflag:s4], $0x0  }
0x19: {  	s7 =	sld [smem:$0x3F9D]  }
0x1a: {  	s8 =	sadd.s32 $0xFFFFE003, lr  }
0x1b: {  	s9 =	sadd.s32 $0xFFFFFEF7, lr;
	s5 =	simm.s32 $0xFFFFFFFF;
	p2 =	slt.u32 s8, $0xFFFFF086  }
0x1c: {  	p1 =	slt.u32 s9, $0xF7A;
	s5 =	simm.s32 @!p2 $0x0  }
0x1d: {  	s5 =	simm.s32 @p1 $0x1;
	p0 =	seq.s32 s7, s2  }
0x1e: {  	s7 =	smul.u32 @!p0 $0xF7A, s2;
	p2 =	seq.s32 @!p0 s5, $0x0  }
0x1f: {  	s9 =	smul.u32 $0xF7A, s1;
	s8 =	simm.s32 @!p0 $0x1BF5;
	p2 =	por !p2, p0  }
0x20: {  	[sflag:s8] =	ssyncset.s32 @!p0 $0xFFFFF086;
	s6 =	sadd.s32 @!p0 s3, s7;
	s7 =	simm.s32 @!p0 $0x108  }
0x21: {  	s3 =	sadd.s32 s3, s9;
	s6 =	sadd.s32 @!p0 $0x88, s6;
	s7 =	simm.s32 @p2 $0x1082  }
0x22: {  	[simem:s7], [sflag:s8] =	dma.local @!p0 [hbm:s6], $0xF7A  }
0x23: {  	s9 =	sor.u32 $0xD0000000, s2;
	s6 =	simm.s32 $0x108;
	_ =	swait.ge @!p0 [sflag:s8], $0x0  }
0x24: {  	s3 =	sadd.s32 $0x88, s3;
	s6 =	simm.s32 @!p1 $0x1082;
	[sflag:s4] =	ssyncset.s32 $0xFFFFF086  }
0x25: {  	[simem:s6], [sflag:s4] =	dma.local [hbm:s3], $0xF7A  }
0x26: {  	[smem:$0x3F9D] =	sst s1;
	(tag) =	ssettag s2;
	_ =	strace s9  }
0x27: {  	s1 =	sld [smem:$0x3FAD]  }
0x28: {  	s2 =	sld [smem:$0x3FAE]  }
0x29: {  	s4 =	sld [smem:$0x3FB0]  }
0x2a: {  	p0 =	seq.s32 s5, $0x0;
	s5 =	sld [smem:$0x3FB1]  }
0x2b: {  	s6 =	sld [smem:$0x3FB2]  }
0x2c: {  	s7 =	sld [smem:$0x3FB3]  }
0x2d: {  	s3 =	simm.s32 $0x108;
	s8 =	sld [smem:$0x3FB4]  }
0x2e: {  	s3 =	simm.s32 @!p0 $0x1082;
	s9 =	sld [smem:$0x3FB5]  }
0x2f: {  	lr =	sadd.s32 s0, s3;
	s0 =	sld [smem:$0x3FAC]  }
0x30: {  	s3 =	sld [smem:$0x3FAF]  }
0x31: {  	[smem:$0x3FB8] =	sst s10  }
0x32: {  	s10 =	sld [smem:$0x3FB6];
	_ =	sdelay $0x3  }
0x33: {  	p0 =	seq.s32 s10, $0x1;
	s10 =	sld [smem:$0x3FB8];
	_ =	sdelay $0x3  }
0x34: {  	[smem:$0x3FB8] =	sst s10  }
0x35: {  	s10 =	sld [smem:$0x3FB7];
	_ =	sdelay $0x3  }
0x36: {  	p1 =	seq.s32 s10, $0x1;
	s10 =	sld [smem:$0x3FB8];
	_ =	sdelay $0x3  }
0x37: {  	[smem:$0x3FB8] =	sst s10  }
0x38: {  	s10 =	sld [smem:$0x3FB9]  }
0x39: {  	_ = 	snop;
	(pc) =	sbr.ind lr, $3  }
0x3a: {  	_ = 	snop  }
0x3b: {  	_ = 	snop  }
0x3c: {  	p2 =	seq.s32 s10, $0x1;
	s10 =	sld [smem:$0x3FB8]  }
0x3d: {  	_ =	shalt  }
0x3e: {  	_ =	shalt  }
0x3f: {  	_ =	shalt  }
0x40: {  	_ =	shalt  }
0x41: {  	_ =	shalt  }
0x42: {  	_ =	shalt  }
0x43: {  	_ =	shalt  }
0x44: {  	_ =	shalt  }
0x45: {  	_ =	shalt  }
0x46: {  	_ =	shalt  }
0x47: {  	_ =	shalt  }
0x48: {  	_ =	shalt  }
0x49: {  	_ =	shalt  }
0x4a: {  	_ =	shalt  }
0x4b: {  	_ =	shalt  }
0x4c: {  	_ =	shalt  }
0x4d: {  	_ =	shalt  }
0x4e: {  	_ =	shalt  }
0x4f: {  	_ =	shalt  }
0x50: {  	_ =	shalt  }
0x51: {  	_ =	shalt  }
0x52: {  	_ =	shalt  }
0x53: {  	_ =	shalt  }
0x54: {  	_ =	shalt  }
0x55: {  	_ =	shalt  }
0x56: {  	_ =	shalt  }
0x57: {  	_ =	shalt  }
0x58: {  	_ =	shalt  }
0x59: {  	_ =	shalt  }
0x5a: {  	_ =	shalt  }
0x5b: {  	_ =	shalt  }
0x5c: {  	_ =	shalt  }
0x5d: {  	_ =	shalt  }
0x5e: {  	_ =	shalt  }
0x5f: {  	_ =	shalt  }
0x60: {  	_ =	shalt  }
0x61: {  	_ =	shalt  }
0x62: {  	_ =	shalt  }
0x63: {  	_ =	shalt  }
0x64: {  	_ =	shalt  }
0x65: {  	_ =	shalt  }
0x66: {  	_ =	shalt  }
0x67: {  	_ =	shalt  }
0x68: {  	_ =	shalt  }
0x69: {  	_ =	shalt  }
0x6a: {  	_ =	shalt  }
0x6b: {  	_ =	shalt  }
0x6c: {  	_ =	shalt  }
0x6d: {  	_ =	shalt  }
0x6e: {  	_ =	shalt  }
0x6f: {  	_ =	shalt  }
0x70: {  	_ =	shalt  }
0x71: {  	_ =	shalt  }
0x72: {  	_ =	shalt  }
0x73: {  	_ =	shalt  }
0x74: {  	_ =	shalt  }
0x75: {  	_ =	shalt  }
0x76: {  	_ =	shalt  }
0x77: {  	_ =	shalt  }
0x78: {  	_ =	shalt  }
0x79: {  	_ =	shalt  }
0x7a: {  	_ =	shalt  }
0x7b: {  	_ =	shalt  }
0x7c: {  	_ =	shalt  }
0x7d: {  	_ =	shalt  }
0x7e: {  	_ =	shalt  }
0x7f: {  	_ =	shalt  }
0x80: {  	_ =	shalt  }
0x81: {  	_ =	shalt  }
0x82: {  	_ =	shalt  }
0x83: {  	_ =	shalt  }
0x84: {  	_ =	shalt  }
0x85: {  	_ =	shalt  }
0x86: {  	_ =	shalt  }
0x87: {  	_ =	shalt  }
.Lfunc_end0:
.L_simem_size_0:
called_computation_lowered:
.L_overlay_start_0:
0x88: {  	s2 =	sld [smem:$0x3FD9]  }
0x89: {  	s3 =	sld [smem:$0x3FFE];
	_ =	sdelay $0x1  }
0x8a: {  	s1 =	srdreg.scid  }
0x8b: {  	s0 =	sand.u32 $0x1, s1  }
0x8c: {  	s15 =	sshll.u32 s0, $0xA;
	s2 =	sadd.s32 s3, s2  }
0x8d: {  	s2 =	sadd.s32 s2, s15  }
0x8e: {  	[smem:$0x3FC4] =	sst s2  }
0x8f: {  	_ = 	snop  }
0x90: {  	s2 =	sld [smem:$0x3FC9]  }
0x91: {  	s16 =	sld [smem:$0x3FD0]  }
0x92: {  	s4 =	sld [smem:$0x3FC8]  }
0x93: {  	s5 =	sld [smem:$0x3FC7]  }
0x94: {  	s7 =	simm.s32 $0xA;
	s8 =	simm.s32 $0x10;
	s6 =	sld [smem:$0x3FC6]  }
0x95: {  	[smem:s8], [sflag:s7] =	dma.local [hbm:s16], $0x1  }
0x96: {  	_ =	swait.eq [sflag:s7], $0x1  }
0x97: {  	[sflag:s7] =	ssyncset.done $0x0  }
0x98: {  	s17 =	sld [smem:$0x10];
	[sflag:s7] =	ssyncadd.s32 $0xFFFFFFFF  }
0x99: {  	s18 =	sld [smem:$0x11];
	(tm) =	ssettm $0x1  }
0x9a: {  	s19 =	sld [smem:$0x3FFB];
	_ =	sdelay $0x3  }
0x9b: {  	_ =	strace s19  }
0x9c: {  	s8 =	sld [smem:$0x3FFC];
	_ =	sdelay $0x3  }
0x9d: {  	_ =	strace s8  }
0x9e: {  	s8 =	sld [smem:$0x3FFD];
	_ =	sdelay $0x3  }
0x9f: {  	_ =	strace s8  }
0xa0: {  	_ =	strace $0x8FFFFFFF  }
0xa1: {  	s20 =	sld [smem:$0x3FDB];
	_ =	sdelay $0x1  }
0xa2: {  	s9 =	simm.s32 $_scs_section_size  }
0xa3: {  	s10 =	simm.s32 $_size__tile_overlayer_lowered;
	s11 =	simm.s32 $_tile_overlayer_lowered  }
0xa4: {  	s23 =	simm.s32 $0x1BFF;
	s22 =	sshll.u32 s11, $0x1;
	s8 =	sadd.s32 s9, s20  }
0xa5: {  	s12 =	simm.s32 $0x0;
	s21 =	sshll.u32 s10, $0x1;
	s10 =	sadd.s32 s22, s8  }
0xa6: {  	[timem:s12], [sflag:s23] =	dma.local [hbm:s10], s21  }
0xa7: {  	_ =	swait.ge [sflag:s23], s21  }
0xa8: {  	s9 =	ssub.s32 $0x0, s21;
	[sflag:s23] =	ssyncset.done $0x0  }
0xa9: {  	[sflag:s23] =	ssyncadd.s32 s9;
	_ =	sdelay $0x1  }
0xaa: {  	s24 =	simm.s32 $0x1B8B  }
0xab: {  	_ =	swait.ge [sflag:s24], $0x1  }
0xac: {  	[sflag:s24] =	ssyncset.done $0x0  }
0xad: {  	s25 =	simm.s32 $0x1B8E;
	[sflag:s24] =	ssyncadd.s32 $0xFFFFFFFF  }
0xae: {  	s26 =	simm.s32 $execute0_lowered;
	[smem:$0x3FD2] =	sst s25  }
0xaf: {  	s9 =	sshll.u32 s26, $0x1;
	_ =	strace $0x80000046;
	[dreg:$0x1] =	wrdreg $0xFFFFFFFF  }
0xb0: {  	s28 =	simm.s32 $_size_execute0_lowered;
	s8 =	sadd.s32 s8, s9;
	[dreg:$0x0] =	wrdreg $0x0  }
0xb1: {  	s9 =	sshll.u32 s28, $0x1;
	[dreg:$0x2] =	wrdreg s8  }
0xb2: {  	[dreg:$0x3] =	wrdreg s9  }
0xb3: {  	[dreg:$0x4] =	wrdreg $0xC0  }
0xb4: {  	_ =	task [dreg:s12], $0x5FFFF  }
0xb5: {  	[dreg:$0x1] =	wrdreg $0xFFFFFFFF  }
0xb6: {  	[dreg:$0x0] =	wrdreg $0x60  }
0xb7: {  	[dreg:$0x2] =	wrdreg s2  }
0xb8: {  	[dreg:$0x3] =	wrdreg s4  }
0xb9: {  	[dreg:$0x4] =	wrdreg s5  }
0xba: {  	[dreg:$0x5] =	wrdreg s6  }
0xbb: {  	[dreg:$0x6] =	wrdreg s17  }
0xbc: {  	[dreg:$0x7] =	wrdreg s18  }
0xbd: {  	[dreg:$0x8] =	wrdreg $0x9  }
0xbe: {  	_ =	task.clear_ibuf [dreg:s12], $0x9FFFF;
	_ =	strace $0x90000046  }
0xbf: {  	s29 =	simm.s32 $0x9;
	_ =	strace $0x80000048  }
0xc0: {  	_ =	swait.ge [sflag:s29], $0x1  }
0xc1: {  	[sflag:s29] =	ssyncadd.s32 $0xFFFFFFFF  }
0xc2: {  	_ =	strace $0x90000048  }
0xc3: {  	_ =	sfence  }
0xc4: {  	s30 =	sld [smem:$0x0];
	_ =	sdelay $0x2  }
0xc5: {  	s31 =	sshll.u32 s1, $0xD;
	s1 =	sshrl.u32 s1, $0x2  }
0xc6: {  	s3 =	sand.u32 $0x4000, s31;
	s1 =	sadd.s32 s1, s30  }
0xc7: {  	s0 =	sor.u32 s3, s0;
	s1 =	sshll.u32 s1, $0x11  }
0xc8: {  	s0 =	sor.u32 s1, s0  }
0xc9: {  	s0 =	sadd.s32 $0x8F2B, s0  }
0xca: {  	[sflag:s0] =	ssyncadd.remote.s32 $0x1  }
0xcb: {  	_ =	sfence.sel $0xFFFF  }
0xcc: {  	[dreg:$0x0] =	wrdreg $0xFFFFFFFF;
	(pc) =	sbr.abs _section_cstart, $3  }
0xcd: {  	[dreg:$0x1] =	wrdreg $0xFFFFFFFF  }
0xce: {  	_ =	task.clear_ibuf [dreg:s12], $0x2FFFF;
	_ =	strace $0x9FFFFFFF  }
0xcf: {  	(tm) =	ssettm $0x7FFFFFFF  }
tec
execute0_lowered:
.L_overlay_start_1:
0x0: {  	(tag) =	ssettag $0x1  }
0x1: {  	s2 =	rddreg [dreg:$0x0]  }
0x2: {  	s10 =	rddreg [dreg:$0x5];
	s0 =	srdreg.scid;
	s1 =	simm.s32 $0x0  }
0x3: {  	s3 =	stileid.u32;
	s15 =	simm.s32 $0x3;
	s13 =	simm.s32 $0x14600  }
0x4: {  	s18 =	simm.s32 $0xC200;
	s28 =	simm.s32 $0x400;
	s29 =	simm.s32 $0x14200  }
0x5: {  	s30 =	simm.s32 $0x2;
	s0 =	sand.u32 $0x1, s0;
	[smem:$0x7FF] =	sst s1  }
0x6: {  	s3 =	sshll.u32 s3, $0x1;
	s19 =	smov.u32 s2;
	s24 =	ssub.s32 $0x2, s0  }
0x7: {  	_ =	strace $0x80000047;
	s0 =	sor.u32 s0, s3;
	s4 =	sshrl.u32 s24, $0x1  }
0x8: {  	s3 =	sshll.u32 s0, $0xC;
	s9 =	sshll.u32 s0, $0x4;
	s11 =	sshll.u32 s0, $0xD  }
0x9: {  	s1 =	ssub.s32 s24, s4;
	s25 =	sadd.s32 s2, s3;
	[dreg:$0x7] =	wrdreg s11  }
0xa: {  	s12 =	sor.u32 $0x1, s9;
	s26 =	sor.u32 $0x2, s9;
	[dreg:$0x8] =	wrdreg s25  }
0xb: {  	[dreg:$0x9] =	wrdreg s26;
	s31 =	smax.u32 s1, $0x1;
	s25 =	simm.s32 $0x1  }
0xc: {  	v0 =	vimm.s32 $0x0;
	s26 =	simm.s32 $0x100;
	s1 =	simm.s32 $0x0;
	[dreg:$0xa] =	wrdreg s31  }
.LBB2_1:
0xd: {  	[dreg:$0xb] =	wrdreg s1  }
0xe: {  	s0 =	rddreg [dreg:$0x3];
	s31 =	simm.s32 $0x0  }
0xf: {  	[tilespmem:s31], [sflag:$0x3] =	stream.linear.gather [hbm4b:s0+s31], $0x200, $0x38;
	[tilespmem:$0x14800] =	vst v63  }
0x10: {  	_ =	swait.ge [sflag:s15], $0x200  }
0x11: {  	[sflag:s15] =	ssyncset.done $0x0  }
0x12: {  	s0 =	simm.s32 $0x0;
	[sflag:s15] =	ssyncadd.s32 $0xFFFFFE00  }
.LBB2_2:
0x13: {  	s1 =	sshll.u32 s0, $0x9  }
0x14: {  	s1 =	sadd.s32 s11, s1  }
0x15: {  	s3 =	sshrl.u32 s1, $0x1  }
0x16: {  	s4 =	simm.s32 $0x0;
	s2 =	simm.s32 $0x200;
	s3 =	sadd.s32 s19, s3  }
0x17: {  	[tilespmem:s2], [sflag:$0x3] =	stream.linear.gather [hbm4b:s3+s4], $0x800, $0x38;
	[tilespmem:$0x14800] =	vst v63  }
0x18: {  	_ =	swait.ge [sflag:s15], $0x800  }
0x19: {  	s31 =	sand.u32 $0x70, s4;
	s4 =	sand.u32 $0x600, s4;
	[sflag:s15] =	ssyncset.done $0x0  }
0x1a: {  	s3 =	sor.u32 s31, s4;
	[sflag:s15] =	ssyncadd.s32 $0xFFFFF800  }
0x1b: {  	v1 =	vld [tilespmem:s3+$0x300]  }
0x1c: {  	v2 =	vld [tilespmem:s3+$0x200]  }
0x1d: {  	v3 =	vld [tilespmem:s3+$0x280];
	_ =	sdelay $0x1  }
0x1e: {  	v4 =	vld [tilespmem:s3+$0x380];
	_ =	sdelay $0x1  }
0x1f: {  	vm0 =	vge.f32 v1, $0.0e+00;
	vm1 =	vle.f32 v1, $1.000000000e+00;
	vm2 =	vge.f32 v2, $0.0e+00  }
0x20: {  	vm3 =	vle.f32 v2, $1.000000000e+00;
	vm4 =	vge.f32 v3, $0.0e+00;
	vm5 =	vle.f32 v3, $1.000000000e+00  }
0x21: {  	vm1 =	vmand vm0, vm1;
	vm0 =	vmand vm2, vm3;
	vm2 =	vmand vm4, vm5  }
0x22: {  	vm15 =	vle.f32 v4, $1.000000000e+00;
	vm3 =	vge.f32 v4, $0.0e+00;
	vm2 =	vmand vm0, vm2  }
0x23: {  	s5 =	simm.s32 $0x40;
	s4 =	simm.s32 $0x10;
	s3 =	simm.s32 $0x0;
	vm0 =	vmand vm3, vm15;
	vm1 =	vmand vm2, vm1  }
.LBB2_3:
0x24: {  	s6 =	sshra.s32 s5, $0x2  }
0x25: {  	p0 =	sne.s32 s4, $0x1F0;
	vm0 =	vmand vm1, vm0;
	s7 =	smov.u32 s4;
	s4 =	sadd.s32 $0x10, s4  }
0x26: {  	s8 =	sand.u32 $0x600, s5;
	s7 =	sand.u32 $0x70, s7;
	v1 =	vsel vm0, $0x1, v0  }
0x27: {  	s7 =	sor.u32 s7, s8;
	[tilespmem:s3+$0x14600] =	vst v1;
	s3 =	smov.u32 s6  }
0x28: {  	v1 =	vld [tilespmem:s7+$0x300]  }
0x29: {  	v2 =	vld [tilespmem:s7+$0x200]  }
0x2a: {  	v3 =	vld [tilespmem:s7+$0x280]  }
0x2b: {  	v4 =	vld [tilespmem:s7+$0x380];
	_ =	sdelay $0x1  }
0x2c: {  	vm0 =	vge.f32 v1, $0.0e+00;
	vm1 =	vle.f32 v1, $1.000000000e+00  }
.Ltmp0:
0x2d: {  	vm2 =	vge.f32 v2, $0.0e+00;
	vm3 =	vle.f32 v2, $1.000000000e+00;
	vm1 =	vmand vm0, vm1;
	(pc) =	sbr.rel @p0 .LBB2_3-.Ltmp0, $4  }
0x2e: {  	vm0 =	vmand vm2, vm3;
	vm2 =	vge.f32 v3, $0.0e+00;
	vm3 =	vle.f32 v3, $1.000000000e+00  }
0x2f: {  	vm2 =	vmand vm2, vm3;
	vm3 =	vge.f32 v4, $0.0e+00;
	vm4 =	vle.f32 v4, $1.000000000e+00  }
0x30: {  	vm2 =	vmand vm0, vm2;
	vm0 =	vmand vm3, vm4  }
0x31: {  	s5 =	sadd.s32 $0x40, s5;
	vm1 =	vmand vm2, vm1  }
0x32: {  	vm0 =	vmand vm1, vm0;
	s0 =	sadd.s32 $0x1, s0  }
0x33: {  	s1 =	sshrl.u32 s1, $0x3;
	v1 =	vsel vm0, $0x1, v0;
	p0 =	sne.s32 s0, $0x10  }
.Ltmp1:
0x34: {  	s2 =	simm.s32 $0x0;
	s1 =	sadd.s32 s10, s1;
	[tilespmem:s3+$0x14600] =	vst v1;
	(pc) =	sbr.rel @p0 .LBB2_2-.Ltmp1, $4  }
0x35: {  	[hbm4b:s1+s2] =	stream.linear.scatter [tilespmem:s13], [sflag:$0x3], $0x200, $0x38;
	[tilespmem:$0x14800] =	vst v63  }
0x36: {  	_ =	swait.ge [sflag:s15], $0x200  }
0x37: {  	[sflag:s15] =	ssyncset.done $0x0  }
0x38: {  	[sflag:s15] =	ssyncadd.s32 $0xFFFFFE00  }
0x39: {  	s23 =	simm.s32 $0x0  }
.LBB2_6:
0x3a: {  	s0 =	sshll.u32 s23, $0xC;
	s1 =	rddreg [dreg:$0x2]  }
0x3b: {  	s0 =	sadd.s32 s1, s0  }
0x3c: {  	[tilespmem:s18], [sflag:$0x3] =	stream.linear.gather [hbm4b:s0+s2], $0x8000, $0x38;
	[tilespmem:$0x14800] =	vst v63  }
0x3d: {  	_ =	swait.ge [sflag:s15], $0x8000  }
0x3e: {  	[sflag:s15] =	ssyncset.done $0x0  }
0x3f: {  	s3 =	sshll.u32 s23, $0x5;
	[sflag:s15] =	ssyncadd.s32 $0xFFFF8000  }
0x40: {  	s8 =	simm.s32 $0x200;
	s7 =	rddreg [dreg:$0x8];
	v1 =	vld [tilespmem:s3+$0x0]  }
0x41: {  	v2 =	vld [tilespmem:s3+$0x10];
	[tilespmem:s8], [sflag:$0x3] =	stream.linear.gather [hbm4b:s7+s2], $0x800, $0x38  }
0x42: {  	s10 =	simm.s32 $0x0;
	_ =	swait.ge [sflag:s15], $0x800  }
0x43: {  	s11 =	sand.u32 $0x70, s2;
	s1 =	sand.u32 $0x3FFFFE00, s10;
	[sflag:s15] =	ssyncset.done $0x0  }
0x44: {  	s1 =	sor.u32 s11, s1;
	[sflag:s15] =	ssyncadd.s32 $0xFFFFF800  }
0x45: {  	v5 =	vld [tilespmem:s1+$0x280]  }
0x46: {  	v3 =	vld [tilespmem:s1+$0x380]  }
0x47: {  	v4 =	vld [tilespmem:s1+$0x300];
	_ =	sdelay $0x2  }
0x48: {  	v6 =	vld [tilespmem:s1+$0x200]  }
0x49: {  	v7 =	vmax.f32 v5, $0.0e+00;
	v8 =	vmax.f32 v3, $0.0e+00  }
0x4a: {  	v9 =	vmax.f32 v4, $0.0e+00;
	v10 =	vmul.f32 v4, v1;
	v11 =	vmul.f32 v3, v2  }
0x4b: {  	v5 =	vmul.f32 v5, v1;
	v7 =	vmin.f32 v7, $1.000000000e+00;
	v8 =	vmin.f32 v8, $1.000000000e+00  }
0x4c: {  	v9 =	vmin.f32 v9, $1.000000000e+00;
	v7 =	vmul.f32 v7, v1;
	v4 =	vmul.f32 v8, v2  }
0x4d: {  	v8 =	vmax.f32 v6, $0.0e+00;
	v9 =	vmul.f32 v9, v1;
	v6 =	vmul.f32 v6, v1  }
0x4e: {  	v8 =	vmin.f32 v8, $1.000000000e+00;
	v7 =	vtrunc.f32 v7;
	v4 =	vtrunc.f32 v4  }
0x4f: {  	v8 =	vmul.f32 v8, v1;
	v9 =	vtrunc.f32 v9  }
0x50: {  	s13 =	sshll.u32 s23, $0x13;
	v7 =	vcvt.f32.s32 v7;
	v4 =	vcvt.f32.s32 v4  }
0x51: {  	v3 =	vmov s13;
	v9 =	vcvt.f32.s32 v9;
	v8 =	vtrunc.f32 v8  }
0x52: {  	v12 =	vcvt.s32.f32 v4;
	v8 =	vcvt.f32.s32 v8;
	v32 =	vmul.u32 $0x9E3779B1, v7  }
0x53: {  	v13 =	vmul.u32 $0xDB06C2F5, v4;
	v4 =	vmul.u32 $0x30025795, v9;
	v7 =	vcvt.s32.f32 v7  }
0x54: {  	v9 =	vcvt.s32.f32 v9;
	v11 =	vsub.f32 v11, v12;
	v14 =	vcvt.s32.f32 v8  }
0x55: {  	s14 =	simm.s32 $0x1000;
	s4 =	simm.s32 $0x0;
	s5 =	simm.s32 $0x3000;
	v15 =	vadd.s32 $0x1, v8;
	v33 =	vadd.s32 $0x9E3779B1, v32;
	v5 =	vsub.f32 v5, v7  }
0x56: {  	s6 =	simm.s32 $0x2000;
	s4 =	sand.u32 $0x3FFFFF00, s4;
	s1 =	sand.u32 $0x1C00, s14;
	v16 =	vxor.u32 v4, v13;
	v9 =	vsub.f32 v10, v9;
	v6 =	vsub.f32 v6, v14  }
0x57: {  	s6 =	sand.u32 $0x2C00, s6;
	s4 =	sor.u32 s11, s4;
	s1 =	sshrl.u32 s1, $0x2;
	v34 =	vadd.s32 $0xDB06C2F5, v13;
	v17 =	vadd.s32 $0x30025795, v4;
	v7 =	vxor.u32 v15, v33  }
0x58: {  	s5 =	sand.u32 $0x3C00, s5;
	s16 =	sshrl.u32 s6, $0x2;
	s1 =	sor.u32 s11, s1;
	v35 =	vxor.u32 v17, v34;
	v10 =	vxor.u32 v4, v34;
	[tilespmem:s4+$0x1200] =	vst v6;
	v6 =	vxor.u32 v8, v32  }
0x59: {  	s20 =	sshrl.u32 s5, $0x2;
	s17 =	sor.u32 s11, s16;
	v36 =	vxor.u32 v13, v17;
	v8 =	vxor.u32 v8, v33;
	[tilespmem:s1+$0x1200] =	vst v5;
	v18 =	vxor.u32 v6, v35  }
0x5a: {  	s0 =	sor.u32 s11, s20;
	v47 =	vxor.u32 v15, v32;
	v38 =	vxor.u32 v8, v10;
	[tilespmem:s17+$0x1200] =	vst v9;
	v37 =	vand.u32 $0x7FFFF, v18  }
0x5b: {  	s21 =	simm.s32 $0x2A00;
	v19 =	vxor.u32 v8, v36;
	v18 =	vand.u32 $0x7FFFF, v38;
	[tilespmem:s0+$0x1200] =	vst v11;
	v13 =	vor.u32 v3, v37  }
0x5c: {  	v43 =	vxor.u32 v8, v35;
	v42 =	vand.u32 $0x7FFFF, v19;
	v40 =	vor.u32 v3, v18;
	[tilespmem:s21+$0xFFFFFE00] =	vst v13  }
0x5d: {  	v5 =	vxor.u32 v6, v16;
	v45 =	vand.u32 $0x7FFFF, v43;
	v44 =	vor.u32 v3, v42;
	[tilespmem:s21+$0x200] =	vst v40  }
0x5e: {  	v39 =	vxor.u32 v6, v10;
	v5 =	vand.u32 $0x7FFFF, v5;
	v48 =	vor.u32 v3, v45;
	[tilespmem:s21+$0x400] =	vst v44  }
0x5f: {  	v41 =	vxor.u32 v6, v36;
	v11 =	vand.u32 $0x7FFFF, v39;
	v5 =	vor.u32 v3, v5;
	[tilespmem:s21+$0x600] =	vst v48  }
0x60: {  	v46 =	vxor.u32 v8, v16;
	v18 =	vand.u32 $0x7FFFF, v41;
	v11 =	vor.u32 v3, v11;
	[tilespmem:s21+$0xFFFFF800] =	vst v5  }
0x61: {  	v15 =	vxor.u32 v47, v16;
	v49 =	vand.u32 $0x7FFFF, v46;
	v18 =	vor.u32 v3, v18;
	[tilespmem:s21+$0xFFFFFA00] =	vst v11  }
0x62: {  	v50 =	vxor.u32 v47, v10;
	v15 =	vand.u32 $0x7FFFF, v15;
	v13 =	vor.u32 v3, v49;
	[tilespmem:s21+$0xFFFFFC00] =	vst v18  }
0x63: {  	s22 =	sand.u32 $0x1F0, s2;
	v51 =	vxor.u32 v47, v36;
	v12 =	vand.u32 $0x7FFFF, v50;
	v15 =	vor.u32 v3, v15;
	[tilespmem:s21+$0x0] =	vst v13  }
0x64: {  	v53 =	vxor.u32 v47, v35;
	v52 =	vand.u32 $0x7FFFF, v51;
	v5 =	vor.u32 v3, v12;
	[tilespmem:s22+$0x3200] =	vst v15  }
0x65: {  	v54 =	vxor.u32 v7, v16;
	v13 =	vand.u32 $0x7FFFF, v53;
	[tilespmem:s22+$0x3400] =	vst v5;
	v5 =	vor.u32 v3, v52  }
0x66: {  	v55 =	vand.u32 $0x7FFFF, v54;
	v9 =	vxor.u32 v7, v36;
	[tilespmem:s22+$0x3600] =	vst v5;
	v5 =	vor.u32 v3, v13  }
0x67: {  	v10 =	vxor.u32 v7, v10;
	v9 =	vand.u32 $0x7FFFF, v9;
	[tilespmem:s22+$0x3800] =	vst v5;
	v5 =	vor.u32 v3, v55  }
0x68: {  	v56 =	vxor.u32 v7, v35;
	v58 =	vand.u32 $0x7FFFF, v10;
	[tilespmem:s22+$0x3A00] =	vst v5;
	v5 =	vor.u32 v3, v9  }
0x69: {  	v57 =	vand.u32 $0x7FFFF, v56;
	v9 =	vor.u32 v3, v58;
	[tilespmem:s22+$0x3E00] =	vst v5  }
0x6a: {  	v59 =	vxor.u32 v4, v6;
	v5 =	vor.u32 v3, v57;
	[tilespmem:s22+$0x3C00] =	vst v9  }
0x6b: {  	s24 =	simm.s32 $0x40;
	s10 =	simm.s32 $0x1080;
	s11 =	simm.s32 $0x6A00;
	v6 =	vxor.u32 v6, v17;
	v60 =	vand.u32 $0x7FFF, v59;
	[tilespmem:s22+$0x4000] =	vst v5  }
0x6c: {  	s31 =	sand.u32 $0x3FFFFE00, s24;
	s6 =	simm.s32 $0x1100;
	s5 =	simm.s32 $0x10;
	v63 =	vand.u32 $0x7FFF, v6;
	v5 =	vxor.u32 v4, v8;
	[tilespmem:s11+$0xFFFFF800] =	vst v60  }
0x6d: {  	s16 =	simm.s32 $0x2A10;
	s7 =	simm.s32 $0x2A10;
	v62 =	vxor.u32 v17, v7;
	s17 =	simm.s32 $0x10;
	v8 =	vxor.u32 v17, v8;
	v5 =	vand.u32 $0x7FFF, v5;
	[tilespmem:s11+$0xFFFFFA00] =	vst v63  }
0x6e: {  	s14 =	simm.s32 $0x1;
	s13 =	simm.s32 $0x6A20;
	v61 =	vxor.u32 v4, v47;
	v6 =	vand.u32 $0x7FFF, v62;
	s8 =	sand.u32 $0x70, s17;
	v8 =	vand.u32 $0x7FFF, v8;
	[tilespmem:s11+$0xFFFFFC00] =	vst v5  }
0x6f: {  	s4 =	simm.s32 $0x6A10;
	s0 =	simm.s32 $0x20;
	s20 =	sor.u32 s8, s31;
	v4 =	vxor.u32 v4, v7;
	v7 =	vand.u32 $0x7FFF, v61;
	v5 =	vxor.u32 v47, v17;
	[tilespmem:s11+$0xFFFFFE00] =	vst v8  }
.LBB2_7:
0x70: {  	s14 =	sadd.s32 $0x1, s14  }
0x71: {  	s17 =	sadd.s32 $0x10, s17;
	s16 =	sadd.s32 $0x10, s16;
	[tilespmem:s11+$0x0] =	vst v7;
	s21 =	smov.u32 s6  }
0x72: {  	p0 =	sne.s32 s6, $0x1F80;
	s6 =	sadd.s32 $0x80, s6;
	v5 =	vand.u32 $0x7FFF, v5;
	v4 =	vand.u32 $0x7FFF, v4;
	s22 =	sshll.u32 s14, $0x5;
	[tilespmem:s11+$0x600] =	vst v6  }
0x73: {  	[tilespmem:s11+$0x400] =	vst v4  }
0x74: {  	[tilespmem:s11+$0x200] =	vst v5;
	s11 =	smov.u32 s4;
	s4 =	smov.u32 s13  }
0x75: {  	v5 =	vld [tilespmem:s20+$0x280]  }
0x76: {  	v4 =	vld [tilespmem:s20+$0x380]  }
0x77: {  	v6 =	vld [tilespmem:s20+$0x300];
	_ =	sdelay $0x1  }
0x78: {  	v7 =	vld [tilespmem:s20+$0x200]  }
0x79: {  	v8 =	vmax.f32 v5, $0.0e+00  }
0x7a: {  	v8 =	vmin.f32 v8, $1.000000000e+00;
	v9 =	vmax.f32 v4, $0.0e+00  }
0x7b: {  	v8 =	vmul.f32 v8, v1;
	v10 =	vmax.f32 v6, $0.0e+00;
	v9 =	vmin.f32 v9, $1.000000000e+00  }
0x7c: {  	v6 =	vmul.f32 v6, v1;
	v10 =	vmin.f32 v10, $1.000000000e+00;
	v9 =	vmul.f32 v9, v2  }
0x7d: {  	v11 =	vmax.f32 v7, $0.0e+00;
	v8 =	vtrunc.f32 v8;
	v10 =	vmul.f32 v10, v1  }
0x7e: {  	v11 =	vmin.f32 v11, $1.000000000e+00;
	v8 =	vcvt.f32.s32 v8;
	v9 =	vtrunc.f32 v9  }
0x7f: {  	v11 =	vmul.f32 v11, v1;
	v9 =	vcvt.f32.s32 v9  }
0x80: {  	v4 =	vmul.f32 v4, v2;
	v10 =	vtrunc.f32 v10  }
0x81: {  	v11 =	vtrunc.f32 v11;
	v12 =	vcvt.s32.f32 v9  }
0x82: {  	v10 =	vcvt.f32.s32 v10;
	v11 =	vcvt.f32.s32 v11  }
0x83: {  	v13 =	vmul.u32 $0x9E3779B1, v8;
	v9 =	vmul.u32 $0xDB06C2F5, v9;
	v12 =	vsub.f32 v4, v12  }
0x84: {  	v7 =	vmul.f32 v7, v1;
	v4 =	vmul.u32 $0x30025795, v10;
	v14 =	vcvt.s32.f32 v11  }
0x85: {  	s1 =	sadd.s32 $0x2000, s10;
	v5 =	vmul.f32 v5, v1;
	v8 =	vcvt.s32.f32 v8;
	v15 =	vadd.s32 $0x1, v11  }
0x86: {  	s0 =	sand.u32 $0x3FFFFF00, s0;
	s20 =	sand.u32 $0x1C00, s10;
	s10 =	sadd.s32 $0x1000, s10;
	v10 =	vcvt.s32.f32 v10;
	v7 =	vsub.f32 v7, v14;
	v14 =	vadd.s32 $0x9E3779B1, v13  }
0x87: {  	s0 =	sor.u32 s8, s0;
	s20 =	sshrl.u32 s20, $0x2;
	s10 =	sand.u32 $0x2C00, s10;
	v5 =	vsub.f32 v5, v8;
	v16 =	vxor.u32 v4, v9;
	v8 =	vxor.u32 v15, v14  }
0x88: {  	s1 =	sand.u32 $0x3C00, s1;
	s10 =	sshrl.u32 s10, $0x2;
	v6 =	vsub.f32 v6, v10;
	v10 =	vxor.u32 v11, v13;
	[tilespmem:s0+$0x1200] =	vst v7;
	s0 =	sor.u32 s8, s20;
	v7 =	vadd.s32 $0xDB06C2F5, v9  }
0x89: {  	s1 =	sshrl.u32 s1, $0x2;
	s10 =	sor.u32 s8, s10;
	v17 =	vadd.s32 $0x30025795, v4;
	[tilespmem:s0+$0x1200] =	vst v5;
	v5 =	vxor.u32 v11, v14;
	v11 =	vxor.u32 v10, v16;
	s0 =	smov.u32 s22  }
0x8a: {  	s1 =	sor.u32 s8, s1;
	s20 =	sshll.u32 s14, $0x6;
	v9 =	vxor.u32 v9, v17;
	[tilespmem:s10+$0x1200] =	vst v6;
	v6 =	vxor.u32 v15, v13;
	v13 =	vxor.u32 v4, v7;
	s10 =	smov.u32 s21  }
0x8b: {  	s8 =	sand.u32 $0x70, s17;
	s20 =	sand.u32 $0x3FFFFE00, s20;
	v7 =	vxor.u32 v17, v7;
	v14 =	vxor.u32 v5, v9;
	[tilespmem:s1+$0x1200] =	vst v12;
	v12 =	vxor.u32 v10, v9  }
0x8c: {  	s20 =	sor.u32 s8, s20;
	v15 =	vxor.u32 v10, v7;
	v18 =	vxor.u32 v5, v7;
	v12 =	vand.u32 $0x7FFFF, v12  }
0x8d: {  	v19 =	vxor.u32 v10, v13;
	v20 =	vxor.u32 v5, v13;
	v15 =	vand.u32 $0x7FFFF, v15  }
0x8e: {  	v19 =	vand.u32 $0x7FFFF, v19;
	v20 =	vand.u32 $0x7FFFF, v20;
	v15 =	vor.u32 v3, v15  }
0x8f: {  	v18 =	vand.u32 $0x7FFFF, v18;
	v19 =	vor.u32 v3, v19;
	[tilespmem:s7+$0xFFFFFE00] =	vst v15;
	v15 =	vor.u32 v3, v20  }
0x90: {  	v14 =	vand.u32 $0x7FFFF, v14;
	v20 =	vxor.u32 v5, v16;
	[tilespmem:s7+$0x200] =	vst v15;
	v15 =	vor.u32 v3, v18  }
0x91: {  	v14 =	vor.u32 v3, v14;
	v18 =	vand.u32 $0x7FFFF, v20;
	[tilespmem:s7+$0xFFFFFA00] =	vst v19;
	v19 =	vxor.u32 v6, v13  }
0x92: {  	v12 =	vor.u32 v3, v12;
	v18 =	vor.u32 v3, v18;
	[tilespmem:s7+$0x400] =	vst v14;
	v14 =	vand.u32 $0x7FFFF, v19  }
0x93: {  	v11 =	vand.u32 $0x7FFFF, v11;
	v19 =	vxor.u32 v6, v9;
	[tilespmem:s7+$0xFFFFFC00] =	vst v12;
	v12 =	vxor.u32 v6, v16  }
0x94: {  	v11 =	vor.u32 v3, v11;
	v14 =	vor.u32 v3, v14;
	[tilespmem:s7+$0x600] =	vst v15;
	v12 =	vand.u32 $0x7FFFF, v12  }
0x95: {  	v15 =	vand.u32 $0x7FFFF, v19;
	[tilespmem:s7+$0x0] =	vst v18;
	v12 =	vor.u32 v3, v12;
	v18 =	vxor.u32 v6, v7  }
0x96: {  	s1 =	sand.u32 $0x1F0, s5;
	s5 =	smov.u32 s17;
	v9 =	vxor.u32 v8, v9;
	v7 =	vxor.u32 v8, v7;
	[tilespmem:s7+$0xFFFFF800] =	vst v11;
	v11 =	vand.u32 $0x7FFFF, v18;
	s7 =	smov.u32 s16  }
0x97: {  	v13 =	vxor.u32 v8, v13;
	v7 =	vand.u32 $0x7FFFF, v7;
	[tilespmem:s1+$0x3200] =	vst v12;
	v12 =	vxor.u32 v8, v16  }
0x98: {  	v13 =	vand.u32 $0x7FFFF, v13;
	[tilespmem:s1+$0x3400] =	vst v14;
	v14 =	vor.u32 v3, v15;
	v12 =	vand.u32 $0x7FFFF, v12  }
0x99: {  	v11 =	vor.u32 v3, v11;
	v15 =	vxor.u32 v4, v5;
	[tilespmem:s1+$0x3600] =	vst v14;
	v14 =	vxor.u32 v4, v10  }
0x9a: {  	v9 =	vand.u32 $0x7FFFF, v9;
	[tilespmem:s1+$0x3800] =	vst v11;
	v11 =	vor.u32 v3, v12;
	v12 =	vxor.u32 v17, v5  }
0x9b: {  	v5 =	vor.u32 v3, v9;
	v9 =	vxor.u32 v10, v17;
	v10 =	vxor.u32 v4, v6;
	[tilespmem:s1+$0x3A00] =	vst v11  }
0x9c: {  	v7 =	vor.u32 v3, v7;
	[tilespmem:s1+$0x3E00] =	vst v5;
	v5 =	vxor.u32 v6, v17;
	v6 =	vxor.u32 v17, v8  }
0x9d: {  	v4 =	vxor.u32 v4, v8;
	v11 =	vor.u32 v3, v13;
	[tilespmem:s1+$0x4000] =	vst v7;
	v6 =	vand.u32 $0x7FFF, v6  }
.Ltmp2:
0x9e: {  	v7 =	vand.u32 $0x7FFF, v14;
	[tilespmem:s1+$0x3C00] =	vst v11;
	(pc) =	sbr.rel @p0 .LBB2_7-.Ltmp2, $4  }
0x9f: {  	[tilespmem:s11+$0xFFFFF800] =	vst v7;
	v7 =	vand.u32 $0x7FFF, v15  }
0xa0: {  	[tilespmem:s11+$0xFFFFFC00] =	vst v7;
	v7 =	vand.u32 $0x7FFF, v12  }
0xa1: {  	v8 =	vand.u32 $0x7FFF, v9;
	[tilespmem:s11+$0xFFFFFE00] =	vst v7  }
0xa2: {  	s13 =	sadd.s32 $0x10, s13;
	v7 =	vand.u32 $0x7FFF, v10;
	[tilespmem:s11+$0xFFFFFA00] =	vst v8  }
0xa3: {  	[tilespmem:s11+$0x0] =	vst v7  }
0xa4: {  	v4 =	vand.u32 $0x7FFF, v4;
	[tilespmem:s11+$0x600] =	vst v6  }
0xa5: {  	v5 =	vand.u32 $0x7FFF, v5;
	[tilespmem:s11+$0x400] =	vst v4  }
0xa6: {  	[tilespmem:s11+$0x200] =	vst v5  }
0xa7: {  	v4 =	vld [tilespmem:s20+$0x280]  }
0xa8: {  	v5 =	vld [tilespmem:s20+$0x380]  }
0xa9: {  	v6 =	vld [tilespmem:s20+$0x300]  }
0xaa: {  	v7 =	vld [tilespmem:s20+$0x200];
	_ =	sdelay $0x2  }
0xab: {  	v8 =	vmax.f32 v4, $0.0e+00  }
0xac: {  	v9 =	vmax.f32 v5, $0.0e+00;
	v10 =	vmax.f32 v6, $0.0e+00;
	v6 =	vmul.f32 v6, v1  }
0xad: {  	v11 =	vmax.f32 v7, $0.0e+00;
	v5 =	vmul.f32 v5, v2;
	v7 =	vmul.f32 v7, v1  }
0xae: {  	v8 =	vmin.f32 v8, $1.000000000e+00;
	v9 =	vmin.f32 v9, $1.000000000e+00;
	v10 =	vmin.f32 v10, $1.000000000e+00  }
0xaf: {  	v11 =	vmin.f32 v11, $1.000000000e+00;
	v8 =	vmul.f32 v8, v1;
	v9 =	vmul.f32 v9, v2  }
0xb0: {  	v10 =	vmul.f32 v10, v1;
	v11 =	vmul.f32 v11, v1  }
0xb1: {  	v8 =	vtrunc.f32 v8;
	v9 =	vtrunc.f32 v9  }
0xb2: {  	v10 =	vtrunc.f32 v10;
	v11 =	vtrunc.f32 v11  }
0xb3: {  	v8 =	vcvt.f32.s32 v8;
	v9 =	vcvt.f32.s32 v9  }
0xb4: {  	v11 =	vcvt.f32.s32 v11;
	v10 =	vcvt.f32.s32 v10  }
0xb5: {  	v4 =	vmul.f32 v4, v1;
	v12 =	vcvt.s32.f32 v9;
	v30 =	vmul.u32 $0x9E3779B1, v8  }
0xb6: {  	v9 =	vmul.u32 $0xDB06C2F5, v9;
	v13 =	vcvt.s32.f32 v11;
	v14 =	vmul.u32 $0x30025795, v10  }
0xb7: {  	v8 =	vcvt.s32.f32 v8;
	v15 =	vadd.s32 $0x1, v11;
	v10 =	vcvt.s32.f32 v10  }
0xb8: {  	s1 =	sadd.s32 $0x2000, s10;
	v5 =	vsub.f32 v5, v12;
	v7 =	vsub.f32 v7, v13;
	v31 =	vadd.s32 $0x9E3779B1, v30  }
0xb9: {  	s0 =	sand.u32 $0x3FFFFF00, s0;
	s6 =	sand.u32 $0x1C00, s10;
	s2 =	sadd.s32 $0x1000, s10;
	v4 =	vsub.f32 v4, v8;
	v16 =	vxor.u32 v14, v9;
	v6 =	vsub.f32 v6, v10  }
0xba: {  	s0 =	sor.u32 s8, s0;
	s6 =	sshrl.u32 s6, $0x2;
	s10 =	sand.u32 $0x2C00, s2;
	v33 =	vadd.s32 $0xDB06C2F5, v9;
	v17 =	vadd.s32 $0x30025795, v14;
	v34 =	vxor.u32 v11, v30  }
0xbb: {  	s1 =	sand.u32 $0x3C00, s1;
	s11 =	sor.u32 s8, s6;
	s13 =	sshrl.u32 s10, $0x2;
	v32 =	vxor.u32 v15, v31;
	v11 =	vxor.u32 v11, v31;
	v35 =	vxor.u32 v17, v33;
	[tilespmem:s0+$0x1200] =	vst v7  }
0xbc: {  	s1 =	sshrl.u32 s1, $0x2;
	s14 =	sor.u32 s8, s13;
	v10 =	vxor.u32 v14, v33;
	v36 =	vxor.u32 v9, v17;
	v18 =	vxor.u32 v34, v35;
	[tilespmem:s11+$0x1200] =	vst v4  }
0xbd: {  	s16 =	sor.u32 s8, s1;
	v38 =	vxor.u32 v11, v10;
	v19 =	vxor.u32 v11, v36;
	v37 =	vand.u32 $0x7FFFF, v18;
	[tilespmem:s14+$0x1200] =	vst v6  }
0xbe: {  	v40 =	vxor.u32 v34, v36;
	v18 =	vand.u32 $0x7FFFF, v38;
	v9 =	vor.u32 v3, v37;
	[tilespmem:s16+$0x1200] =	vst v5  }
0xbf: {  	v39 =	vor.u32 v3, v18;
	v18 =	vand.u32 $0x7FFFF, v40;
	v5 =	vxor.u32 v34, v10;
	[tilespmem:s7+$0xFFFFFE00] =	vst v9  }
0xc0: {  	v42 =	vxor.u32 v11, v35;
	v18 =	vor.u32 v3, v18;
	v5 =	vand.u32 $0x7FFFF, v5;
	[tilespmem:s7+$0x200] =	vst v39  }
0xc1: {  	v44 =	vxor.u32 v11, v16;
	v41 =	vand.u32 $0x7FFFF, v19;
	[tilespmem:s7+$0xFFFFFC00] =	vst v18;
	v5 =	vor.u32 v3, v5  }
0xc2: {  	v4 =	vxor.u32 v34, v16;
	v45 =	vand.u32 $0x7FFFF, v44;
	[tilespmem:s7+$0xFFFFFA00] =	vst v5;
	v5 =	vor.u32 v3, v41  }
0xc3: {  	v12 =	vor.u32 v3, v45;
	v4 =	vand.u32 $0x7FFFF, v4;
	[tilespmem:s7+$0x400] =	vst v5;
	v5 =	vxor.u32 v15, v30  }
0xc4: {  	v43 =	vand.u32 $0x7FFFF, v42;
	v4 =	vor.u32 v3, v4;
	[tilespmem:s7+$0x0] =	vst v12;
	v15 =	vxor.u32 v5, v16  }
0xc5: {  	v9 =	vor.u32 v3, v43;
	[tilespmem:s7+$0xFFFFF800] =	vst v4;
	v46 =	vxor.u32 v5, v10;
	v15 =	vand.u32 $0x7FFFF, v15  }
0xc6: {  	s17 =	sand.u32 $0x1F0, s5;
	[tilespmem:s7+$0x600] =	vst v9;
	v47 =	vxor.u32 v5, v36;
	v9 =	vand.u32 $0x7FFFF, v46;
	v15 =	vor.u32 v3, v15  }
0xc7: {  	v49 =	vxor.u32 v5, v35;
	v48 =	vand.u32 $0x7FFFF, v47;
	v4 =	vor.u32 v3, v9;
	[tilespmem:s17+$0x3200] =	vst v15  }
0xc8: {  	v50 =	vxor.u32 v32, v16;
	v12 =	vand.u32 $0x7FFFF, v49;
	[tilespmem:s17+$0x3400] =	vst v4;
	v4 =	vor.u32 v3, v48  }
0xc9: {  	v51 =	vand.u32 $0x7FFFF, v50;
	v6 =	vxor.u32 v32, v36;
	[tilespmem:s17+$0x3600] =	vst v4;
	v4 =	vor.u32 v3, v12  }
0xca: {  	v53 =	vxor.u32 v32, v10;
	v6 =	vand.u32 $0x7FFFF, v6;
	[tilespmem:s17+$0x3800] =	vst v4;
	v4 =	vor.u32 v3, v51  }
0xcb: {  	v52 =	vxor.u32 v32, v35;
	v55 =	vand.u32 $0x7FFFF, v53;
	[tilespmem:s17+$0x3A00] =	vst v4;
	v4 =	vor.u32 v3, v6  }
0xcc: {  	v54 =	vand.u32 $0x7FFFF, v52;
	v6 =	vor.u32 v3, v55;
	[tilespmem:s17+$0x3E00] =	vst v4  }
0xcd: {  	v56 =	vxor.u32 v14, v34;
	v4 =	vor.u32 v3, v54;
	[tilespmem:s17+$0x3C00] =	vst v6  }
0xce: {  	v59 =	vxor.u32 v34, v17;
	v57 =	vand.u32 $0x7FFF, v56;
	[tilespmem:s17+$0x4000] =	vst v4  }
0xcf: {  	v60 =	vxor.u32 v14, v5;
	v6 =	vand.u32 $0x7FFF, v59;
	[tilespmem:s4+$0xFFFFF800] =	vst v57  }
0xd0: {  	v61 =	vand.u32 $0x7FFF, v60;
	v4 =	vxor.u32 v14, v11;
	[tilespmem:s4+$0xFFFFFA00] =	vst v6  }
0xd1: {  	v58 =	vxor.u32 v17, v11;
	v4 =	vand.u32 $0x7FFF, v4;
	[tilespmem:s4+$0x0] =	vst v61  }
0xd2: {  	s21 =	simm.s32 $0x2000;
	v62 =	vxor.u32 v14, v32;
	[tilespmem:s4+$0xFFFFFC00] =	vst v4;
	v4 =	vand.u32 $0x7FFF, v58  }
0xd3: {  	s22 =	simm.s32 $0x8200;
	[dreg:$0xc] =	wrdreg s23;
	s23 =	sshll.u32 s23, $0x7;
	v63 =	vand.u32 $0x7FFF, v62;
	[tilespmem:s4+$0xFFFFFE00] =	vst v4;
	v4 =	vxor.u32 v17, v32  }
0xd4: {  	s24 =	sand.u32 $0x60, s3;
	s31 =	rddreg [dreg:$0x4];
	s0 =	sand.u32 $0x600, s23;
	v5 =	vxor.u32 v5, v17;
	[tilespmem:s4+$0x400] =	vst v63;
	v4 =	vand.u32 $0x7FFF, v4  }
0xd5: {  	s2 =	simm.s32 $0x2200;
	s20 =	rddreg [dreg:$0x1];
	s0 =	sadd.s32 s31, s0;
	[tilespmem:s4+$0x600] =	vst v4;
	v4 =	vand.u32 $0x7FFF, v5  }
0xd6: {  	s8 =	simm.s32 $0x0;
	s14 =	simm.s32 $0x0;
	[tilespmem:s4+$0x200] =	vst v4;
	s4 =	sadd.s32 s24, s0  }
0xd7: {  	[tilespmem:s22], [sflag:$0x1] =	stream.indirect.gather [hbm4b:s20+s21], $0x1, s2, s21, $0xb8;
	[tilespmem:$0x14800] =	vst v63  }
.LBB2_9:
0xd8: {  	s3 =	sshll.u32 s14, $0x1  }
0xd9: {  	s31 =	sor.u32 s12, s3  }
0xda: {  	s0 =	sshll.u32 s31, $0x8  }
0xdb: {  	s0 =	sand.u32 $0x1FFFFF00, s0  }
0xdc: {  	s1 =	simm.s32 $0xA00;
	s0 =	sadd.s32 s19, s0  }
0xdd: {  	[tilespmem:s1], [sflag:$0x3] =	stream.linear.gather [hbm4b:s0+s8], $0x800, $0x38;
	[tilespmem:$0x14800] =	vst v63  }
0xde: {  	s11 =	simm.s32 $0x0;
	_ =	swait.ge [sflag:s15], $0x800  }
0xdf: {  	s13 =	sand.u32 $0x70, s8;
	s1 =	sand.u32 $0x3FFFFE00, s11;
	[sflag:s15] =	ssyncset.done $0x0  }
0xe0: {  	s1 =	sor.u32 s13, s1;
	[sflag:s15] =	ssyncadd.s32 $0xFFFFF800  }
0xe1: {  	v5 =	vld [tilespmem:s1+$0xA80]  }
0xe2: {  	v4 =	vld [tilespmem:s1+$0xB80]  }
0xe3: {  	v6 =	vld [tilespmem:s1+$0xB00]  }
0xe4: {  	v7 =	vld [tilespmem:s1+$0xA00];
	_ =	sdelay $0x3  }
0xe5: {  	v8 =	vmax.f32 v5, $0.0e+00;
	v9 =	vmax.f32 v4, $0.0e+00;
	v10 =	vmax.f32 v6, $0.0e+00  }
0xe6: {  	v6 =	vmul.f32 v6, v1;
	v11 =	vmax.f32 v7, $0.0e+00;
	v4 =	vmul.f32 v4, v2  }
0xe7: {  	v7 =	vmul.f32 v7, v1;
	v5 =	vmul.f32 v5, v1;
	v8 =	vmin.f32 v8, $1.000000000e+00  }
0xe8: {  	v9 =	vmin.f32 v9, $1.000000000e+00;
	v11 =	vmin.f32 v11, $1.000000000e+00;
	v8 =	vmul.f32 v8, v1  }
0xe9: {  	v10 =	vmin.f32 v10, $1.000000000e+00;
	v9 =	vmul.f32 v9, v2;
	v11 =	vmul.f32 v11, v1  }
0xea: {  	v10 =	vmul.f32 v10, v1;
	v8 =	vtrunc.f32 v8  }
0xeb: {  	v9 =	vtrunc.f32 v9;
	v11 =	vtrunc.f32 v11  }
0xec: {  	v8 =	vcvt.f32.s32 v8;
	v9 =	vcvt.f32.s32 v9  }
0xed: {  	v10 =	vtrunc.f32 v10;
	v11 =	vcvt.f32.s32 v11  }
0xee: {  	v10 =	vcvt.f32.s32 v10;
	v12 =	vcvt.s32.f32 v9;
	v13 =	vmul.u32 $0x9E3779B1, v8  }
0xef: {  	v9 =	vmul.u32 $0xDB06C2F5, v9;
	v14 =	vcvt.s32.f32 v11;
	v8 =	vcvt.s32.f32 v8  }
0xf0: {  	v15 =	vadd.s32 $0x1, v11;
	v12 =	vsub.f32 v4, v12;
	v4 =	vmul.u32 $0x30025795, v10  }
0xf1: {  	s16 =	simm.s32 $0x1000;
	s5 =	simm.s32 $0x0;
	s6 =	simm.s32 $0x3000;
	v7 =	vsub.f32 v7, v14;
	v10 =	vcvt.s32.f32 v10;
	v38 =	vadd.s32 $0x9E3779B1, v13  }
0xf2: {  	s7 =	simm.s32 $0x2000;
	s5 =	sand.u32 $0x3FFFFF00, s5;
	s1 =	sand.u32 $0x1C00, s16;
	v5 =	vsub.f32 v5, v8;
	v39 =	vadd.s32 $0xDB06C2F5, v9;
	v50 =	vxor.u32 v15, v13  }
0xf3: {  	s7 =	sand.u32 $0x2C00, s7;
	s5 =	sor.u32 s13, s5;
	s1 =	sshrl.u32 s1, $0x2;
	v8 =	vxor.u32 v15, v38;
	v16 =	vxor.u32 v4, v9;
	v6 =	vsub.f32 v6, v10  }
0xf4: {  	s6 =	sand.u32 $0x3C00, s6;
	s17 =	sshrl.u32 s7, $0x2;
	s1 =	sor.u32 s13, s1;
	v17 =	vadd.s32 $0x30025795, v4;
	[tilespmem:s5+$0x1280] =	vst v7;
	v7 =	vxor.u32 v11, v13;
	v11 =	vxor.u32 v11, v38  }
0xf5: {  	s21 =	sshrl.u32 s6, $0x2;
	s20 =	sor.u32 s13, s17;
	v10 =	vxor.u32 v4, v39;
	v40 =	vxor.u32 v17, v39;
	[tilespmem:s1+$0x1280] =	vst v5;
	v49 =	vxor.u32 v11, v16  }
0xf6: {  	s0 =	sor.u32 s13, s21;
	v5 =	vxor.u32 v7, v16;
	v42 =	vxor.u32 v11, v10;
	[tilespmem:s20+$0x1280] =	vst v6;
	v51 =	vand.u32 $0x7FFFF, v49  }
0xf7: {  	s22 =	simm.s32 $0x4A00;
	v18 =	vxor.u32 v7, v40;
	v5 =	vand.u32 $0x7FFFF, v5;
	[tilespmem:s0+$0x1280] =	vst v12;
	v13 =	vor.u32 v3, v51  }
0xf8: {  	v43 =	vxor.u32 v7, v10;
	v41 =	vand.u32 $0x7FFFF, v18;
	v5 =	vor.u32 v3, v5;
	[tilespmem:s22+$0x0] =	vst v13  }
0xf9: {  	v6 =	vxor.u32 v9, v17;
	v18 =	vand.u32 $0x7FFFF, v42;
	v9 =	vor.u32 v3, v41;
	[tilespmem:s22+$0xFFFFF800] =	vst v5  }
0xfa: {  	v19 =	vxor.u32 v11, v6;
	v12 =	vand.u32 $0x7FFFF, v43;
	v44 =	vor.u32 v3, v18;
	[tilespmem:s22+$0xFFFFFE00] =	vst v9  }
0xfb: {  	v45 =	vxor.u32 v7, v6;
	v12 =	vor.u32 v3, v12;
	v46 =	vand.u32 $0x7FFFF, v19;
	[tilespmem:s22+$0x200] =	vst v44  }
0xfc: {  	v47 =	vxor.u32 v11, v40;
	v18 =	vand.u32 $0x7FFFF, v45;
	[tilespmem:s22+$0xFFFFFA00] =	vst v12;
	v9 =	vor.u32 v3, v46  }
0xfd: {  	v15 =	vxor.u32 v50, v16;
	v48 =	vand.u32 $0x7FFFF, v47;
	v18 =	vor.u32 v3, v18;
	[tilespmem:s22+$0x400] =	vst v9  }
0xfe: {  	v52 =	vxor.u32 v50, v10;
	v15 =	vand.u32 $0x7FFFF, v15;
	v12 =	vor.u32 v3, v48;
	[tilespmem:s22+$0xFFFFFC00] =	vst v18  }
0xff: {  	s23 =	sand.u32 $0x1F0, s8;
	v53 =	vxor.u32 v50, v6;
	v15 =	vor.u32 v3, v15;
	[tilespmem:s22+$0x600] =	vst v12;
	v12 =	vand.u32 $0x7FFFF, v52  }
0x100: {  	v55 =	vxor.u32 v50, v40;
	v54 =	vand.u32 $0x7FFFF, v53;
	v5 =	vor.u32 v3, v12;
	[tilespmem:s23+$0x5200] =	vst v15  }
0x101: {  	v56 =	vxor.u32 v8, v16;
	v13 =	vand.u32 $0x7FFFF, v55;
	[tilespmem:s23+$0x5400] =	vst v5;
	v5 =	vor.u32 v3, v54  }
0x102: {  	v57 =	vand.u32 $0x7FFFF, v56;
	v6 =	vxor.u32 v8, v6;
	[tilespmem:s23+$0x5600] =	vst v5;
	v5 =	vor.u32 v3, v13  }
0x103: {  	v58 =	vxor.u32 v8, v40;
	v6 =	vand.u32 $0x7FFFF, v6;
	[tilespmem:s23+$0x5800] =	vst v5;
	v5 =	vor.u32 v3, v57  }
0x104: {  	v10 =	vxor.u32 v8, v10;
	v59 =	vand.u32 $0x7FFFF, v58;
	[tilespmem:s23+$0x5A00] =	vst v5;
	v5 =	vor.u32 v3, v6  }
0x105: {  	v6 =	vand.u32 $0x7FFFF, v10;
	[tilespmem:s23+$0x5E00] =	vst v5;
	v5 =	vor.u32 v3, v59  }
0x106: {  	v60 =	vxor.u32 v4, v7;
	v6 =	vor.u32 v3, v6;
	[tilespmem:s23+$0x6000] =	vst v5  }
0x107: {  	s24 =	simm.s32 $0x40;
	s6 =	simm.s32 $0x4A10;
	v61 =	vxor.u32 v17, v11;
	s0 =	simm.s32 $0x7A00;
	[tilespmem:s23+$0x5C00] =	vst v6;
	v6 =	vand.u32 $0x7FFF, v60  }
0x108: {  	s7 =	simm.s32 $0x10;
	s17 =	simm.s32 $0x4A10;
	s16 =	simm.s32 $0x10;
	v10 =	vand.u32 $0x7FFF, v61;
	v5 =	vxor.u32 v4, v11;
	[tilespmem:s0+$0xFFFFF800] =	vst v6  }
0x109: {  	s11 =	simm.s32 $0x1080;
	s21 =	simm.s32 $0x1;
	s10 =	sand.u32 $0x70, s16;
	v62 =	vxor.u32 v17, v8;
	v5 =	vand.u32 $0x7FFF, v5;
	v6 =	vxor.u32 v7, v17;
	[tilespmem:s0+$0xFFFFFE00] =	vst v10  }
0x10a: {  	s13 =	simm.s32 $0x1100;
	s5 =	simm.s32 $0x7A10;
	s1 =	sand.u32 $0x3FFFFE00, s24;
	v7 =	vxor.u32 v4, v50;
	v4 =	vxor.u32 v4, v8;
	[tilespmem:s0+$0xFFFFFC00] =	vst v5;
	v63 =	vand.u32 $0x7FFF, v6  }
0x10b: {  	s20 =	simm.s32 $0x20;
	s22 =	simm.s32 $0x7A20;
	s23 =	sor.u32 s10, s1;
	v5 =	vxor.u32 v50, v17;
	v6 =	vand.u32 $0x7FFF, v62;
	v7 =	vand.u32 $0x7FFF, v7;
	[tilespmem:s0+$0xFFFFFA00] =	vst v63  }
.LBB2_10:
0x10c: {  	s21 =	sadd.s32 $0x1, s21  }
0x10d: {  	s16 =	sadd.s32 $0x10, s16;
	s6 =	sadd.s32 $0x10, s6;
	[tilespmem:s0+$0x0] =	vst v7;
	s24 =	smov.u32 s13  }
0x10e: {  	p0 =	sne.s32 s13, $0x1F80;
	s13 =	sadd.s32 $0x80, s13;
	v5 =	vand.u32 $0x7FFF, v5;
	v4 =	vand.u32 $0x7FFF, v4;
	s1 =	sshll.u32 s21, $0x5;
	[tilespmem:s0+$0x600] =	vst v6  }
0x10f: {  	[tilespmem:s0+$0x400] =	vst v4  }
0x110: {  	[tilespmem:s0+$0x200] =	vst v5;
	s0 =	smov.u32 s5;
	s5 =	smov.u32 s22  }
0x111: {  	v5 =	vld [tilespmem:s23+$0xA80]  }
0x112: {  	v4 =	vld [tilespmem:s23+$0xB80]  }
0x113: {  	v6 =	vld [tilespmem:s23+$0xB00];
	_ =	sdelay $0x1  }
0x114: {  	v7 =	vld [tilespmem:s23+$0xA00]  }
0x115: {  	v8 =	vmax.f32 v5, $0.0e+00  }
0x116: {  	v8 =	vmin.f32 v8, $1.000000000e+00;
	v9 =	vmax.f32 v4, $0.0e+00  }
0x117: {  	v8 =	vmul.f32 v8, v1;
	v10 =	vmax.f32 v6, $0.0e+00;
	v9 =	vmin.f32 v9, $1.000000000e+00  }
0x118: {  	v6 =	vmul.f32 v6, v1;
	v10 =	vmin.f32 v10, $1.000000000e+00;
	v9 =	vmul.f32 v9, v2  }
0x119: {  	v11 =	vmax.f32 v7, $0.0e+00;
	v8 =	vtrunc.f32 v8;
	v10 =	vmul.f32 v10, v1  }
0x11a: {  	v11 =	vmin.f32 v11, $1.000000000e+00;
	v8 =	vcvt.f32.s32 v8;
	v9 =	vtrunc.f32 v9  }
0x11b: {  	v11 =	vmul.f32 v11, v1;
	v9 =	vcvt.f32.s32 v9  }
0x11c: {  	v4 =	vmul.f32 v4, v2;
	v10 =	vtrunc.f32 v10  }
0x11d: {  	v11 =	vtrunc.f32 v11;
	v12 =	vcvt.s32.f32 v9  }
0x11e: {  	v10 =	vcvt.f32.s32 v10;
	v11 =	vcvt.f32.s32 v11  }
0x11f: {  	v13 =	vmul.u32 $0x9E3779B1, v8;
	v9 =	vmul.u32 $0xDB06C2F5, v9;
	v12 =	vsub.f32 v4, v12  }
0x120: {  	v7 =	vmul.f32 v7, v1;
	v4 =	vmul.u32 $0x30025795, v10;
	v14 =	vcvt.s32.f32 v11  }
0x121: {  	s23 =	sadd.s32 $0x2000, s11;
	v5 =	vmul.f32 v5, v1;
	v8 =	vcvt.s32.f32 v8;
	v15 =	vadd.s32 $0x1, v11  }
0x122: {  	s20 =	sand.u32 $0x3FFFFF00, s20;
	s2 =	sand.u32 $0x1C00, s11;
	s11 =	sadd.s32 $0x1000, s11;
	v10 =	vcvt.s32.f32 v10;
	v7 =	vsub.f32 v7, v14;
	v14 =	vadd.s32 $0x9E3779B1, v13  }
0x123: {  	s20 =	sor.u32 s10, s20;
	s2 =	sshrl.u32 s2, $0x2;
	s11 =	sand.u32 $0x2C00, s11;
	v5 =	vsub.f32 v5, v8;
	v16 =	vxor.u32 v4, v9;
	v8 =	vxor.u32 v15, v14  }
0x124: {  	s2 =	sor.u32 s10, s2;
	s11 =	sshrl.u32 s11, $0x2;
	v6 =	vsub.f32 v6, v10;
	v10 =	vxor.u32 v11, v13;
	[tilespmem:s20+$0x1280] =	vst v7;
	s20 =	sand.u32 $0x3C00, s23;
	v7 =	vadd.s32 $0xDB06C2F5, v9  }
0x125: {  	v17 =	vadd.s32 $0x30025795, v4;
	[tilespmem:s2+$0x1280] =	vst v5;
	s2 =	sor.u32 s10, s11;
	s11 =	sshrl.u32 s20, $0x2;
	v5 =	vxor.u32 v11, v14;
	v11 =	vxor.u32 v10, v16;
	s20 =	smov.u32 s1  }
0x126: {  	v9 =	vxor.u32 v9, v17;
	s1 =	sshll.u32 s21, $0x6;
	[tilespmem:s2+$0x1280] =	vst v6;
	s2 =	sor.u32 s10, s11;
	v6 =	vxor.u32 v15, v13;
	v13 =	vxor.u32 v4, v7;
	s11 =	smov.u32 s24  }
0x127: {  	s10 =	sand.u32 $0x70, s16;
	s1 =	sand.u32 $0x3FFFFE00, s1;
	v7 =	vxor.u32 v17, v7;
	v14 =	vxor.u32 v5, v9;
	[tilespmem:s2+$0x1280] =	vst v12;
	v12 =	vxor.u32 v10, v9  }
0x128: {  	s23 =	sor.u32 s10, s1;
	v15 =	vxor.u32 v10, v7;
	v18 =	vxor.u32 v5, v7;
	v12 =	vand.u32 $0x7FFFF, v12  }
0x129: {  	v19 =	vxor.u32 v10, v13;
	v20 =	vxor.u32 v5, v13;
	v15 =	vand.u32 $0x7FFFF, v15  }
0x12a: {  	v19 =	vand.u32 $0x7FFFF, v19;
	v20 =	vand.u32 $0x7FFFF, v20;
	v15 =	vor.u32 v3, v15  }
0x12b: {  	v18 =	vand.u32 $0x7FFFF, v18;
	v19 =	vor.u32 v3, v19;
	[tilespmem:s17+$0xFFFFFE00] =	vst v15;
	v15 =	vor.u32 v3, v20  }
0x12c: {  	v14 =	vand.u32 $0x7FFFF, v14;
	v20 =	vxor.u32 v5, v16;
	[tilespmem:s17+$0x200] =	vst v15;
	v15 =	vor.u32 v3, v18  }
0x12d: {  	v14 =	vor.u32 v3, v14;
	v18 =	vand.u32 $0x7FFFF, v20;
	[tilespmem:s17+$0xFFFFFA00] =	vst v19;
	v19 =	vxor.u32 v6, v13  }
0x12e: {  	v12 =	vor.u32 v3, v12;
	v18 =	vor.u32 v3, v18;
	[tilespmem:s17+$0x400] =	vst v14;
	v14 =	vand.u32 $0x7FFFF, v19  }
0x12f: {  	v11 =	vand.u32 $0x7FFFF, v11;
	v19 =	vxor.u32 v6, v9;
	[tilespmem:s17+$0xFFFFFC00] =	vst v12;
	v12 =	vxor.u32 v6, v16  }
0x130: {  	v11 =	vor.u32 v3, v11;
	v14 =	vor.u32 v3, v14;
	[tilespmem:s17+$0x600] =	vst v15;
	v12 =	vand.u32 $0x7FFFF, v12  }
0x131: {  	v15 =	vand.u32 $0x7FFFF, v19;
	[tilespmem:s17+$0x0] =	vst v18;
	v12 =	vor.u32 v3, v12;
	v18 =	vxor.u32 v6, v7  }
0x132: {  	s1 =	sand.u32 $0x1F0, s7;
	s7 =	smov.u32 s16;
	v9 =	vxor.u32 v8, v9;
	v7 =	vxor.u32 v8, v7;
	[tilespmem:s17+$0xFFFFF800] =	vst v11;
	v11 =	vand.u32 $0x7FFFF, v18;
	s17 =	smov.u32 s6  }
0x133: {  	v13 =	vxor.u32 v8, v13;
	v7 =	vand.u32 $0x7FFFF, v7;
	[tilespmem:s1+$0x5200] =	vst v12;
	v12 =	vxor.u32 v8, v16  }
0x134: {  	v13 =	vand.u32 $0x7FFFF, v13;
	[tilespmem:s1+$0x5400] =	vst v14;
	v14 =	vor.u32 v3, v15;
	v12 =	vand.u32 $0x7FFFF, v12  }
0x135: {  	v11 =	vor.u32 v3, v11;
	v15 =	vxor.u32 v4, v5;
	[tilespmem:s1+$0x5600] =	vst v14;
	v14 =	vxor.u32 v4, v10  }
0x136: {  	v9 =	vand.u32 $0x7FFFF, v9;
	[tilespmem:s1+$0x5800] =	vst v11;
	v11 =	vor.u32 v3, v12;
	v12 =	vxor.u32 v17, v5  }
0x137: {  	v5 =	vor.u32 v3, v9;
	v9 =	vxor.u32 v10, v17;
	v10 =	vxor.u32 v4, v6;
	[tilespmem:s1+$0x5A00] =	vst v11  }
0x138: {  	v7 =	vor.u32 v3, v7;
	[tilespmem:s1+$0x5E00] =	vst v5;
	v5 =	vxor.u32 v6, v17;
	v6 =	vxor.u32 v17, v8  }
0x139: {  	v4 =	vxor.u32 v4, v8;
	v11 =	vor.u32 v3, v13;
	[tilespmem:s1+$0x6000] =	vst v7;
	v6 =	vand.u32 $0x7FFF, v6  }
.Ltmp3:
0x13a: {  	v7 =	vand.u32 $0x7FFF, v14;
	[tilespmem:s1+$0x5C00] =	vst v11;
	(pc) =	sbr.rel @p0 .LBB2_10-.Ltmp3, $4  }
0x13b: {  	[tilespmem:s0+$0xFFFFF800] =	vst v7;
	v7 =	vand.u32 $0x7FFF, v15  }
0x13c: {  	[tilespmem:s0+$0xFFFFFC00] =	vst v7;
	v7 =	vand.u32 $0x7FFF, v12  }
0x13d: {  	v8 =	vand.u32 $0x7FFF, v9;
	[tilespmem:s0+$0xFFFFFE00] =	vst v7  }
0x13e: {  	s22 =	sadd.s32 $0x10, s22;
	v7 =	vand.u32 $0x7FFF, v10;
	[tilespmem:s0+$0xFFFFFA00] =	vst v8  }
0x13f: {  	[tilespmem:s0+$0x0] =	vst v7  }
0x140: {  	v4 =	vand.u32 $0x7FFF, v4;
	[tilespmem:s0+$0x600] =	vst v6  }
0x141: {  	v5 =	vand.u32 $0x7FFF, v5;
	[tilespmem:s0+$0x400] =	vst v4  }
0x142: {  	[tilespmem:s0+$0x200] =	vst v5  }
0x143: {  	v4 =	vld [tilespmem:s23+$0xA80]  }
0x144: {  	v5 =	vld [tilespmem:s23+$0xB80]  }
0x145: {  	v6 =	vld [tilespmem:s23+$0xB00]  }
0x146: {  	v7 =	vld [tilespmem:s23+$0xA00];
	_ =	sdelay $0x2  }
0x147: {  	v8 =	vmax.f32 v4, $0.0e+00  }
0x148: {  	v9 =	vmax.f32 v5, $0.0e+00;
	v10 =	vmax.f32 v6, $0.0e+00;
	v6 =	vmul.f32 v6, v1  }
0x149: {  	v11 =	vmax.f32 v7, $0.0e+00;
	v5 =	vmul.f32 v5, v2;
	v7 =	vmul.f32 v7, v1  }
0x14a: {  	v8 =	vmin.f32 v8, $1.000000000e+00;
	v9 =	vmin.f32 v9, $1.000000000e+00;
	v10 =	vmin.f32 v10, $1.000000000e+00  }
0x14b: {  	v11 =	vmin.f32 v11, $1.000000000e+00;
	v8 =	vmul.f32 v8, v1;
	v9 =	vmul.f32 v9, v2  }
0x14c: {  	v10 =	vmul.f32 v10, v1;
	v11 =	vmul.f32 v11, v1  }
0x14d: {  	v8 =	vtrunc.f32 v8;
	v9 =	vtrunc.f32 v9  }
0x14e: {  	v10 =	vtrunc.f32 v10;
	v11 =	vtrunc.f32 v11  }
0x14f: {  	v8 =	vcvt.f32.s32 v8;
	v9 =	vcvt.f32.s32 v9  }
0x150: {  	v11 =	vcvt.f32.s32 v11;
	v10 =	vcvt.f32.s32 v10  }
0x151: {  	v4 =	vmul.f32 v4, v1;
	v12 =	vcvt.s32.f32 v9;
	v30 =	vmul.u32 $0x9E3779B1, v8  }
0x152: {  	v9 =	vmul.u32 $0xDB06C2F5, v9;
	v13 =	vcvt.s32.f32 v11;
	v14 =	vmul.u32 $0x30025795, v10  }
0x153: {  	v8 =	vcvt.s32.f32 v8;
	v15 =	vadd.s32 $0x1, v11;
	v10 =	vcvt.s32.f32 v10  }
0x154: {  	s24 =	sadd.s32 $0x2000, s11;
	v5 =	vsub.f32 v5, v12;
	v7 =	vsub.f32 v7, v13;
	v31 =	vadd.s32 $0x9E3779B1, v30  }
0x155: {  	s1 =	sand.u32 $0x3FFFFF00, s20;
	s2 =	sand.u32 $0x1C00, s11;
	s6 =	sadd.s32 $0x1000, s11;
	v4 =	vsub.f32 v4, v8;
	v16 =	vxor.u32 v14, v9;
	v6 =	vsub.f32 v6, v10  }
0x156: {  	s1 =	sor.u32 s10, s1;
	s2 =	sshrl.u32 s2, $0x2;
	s6 =	sand.u32 $0x2C00, s6;
	v33 =	vadd.s32 $0xDB06C2F5, v9;
	v17 =	vadd.s32 $0x30025795, v14;
	v34 =	vxor.u32 v11, v30  }
0x157: {  	s0 =	sand.u32 $0x3C00, s24;
	s11 =	sor.u32 s10, s2;
	s13 =	sshrl.u32 s6, $0x2;
	v32 =	vxor.u32 v15, v31;
	v11 =	vxor.u32 v11, v31;
	v35 =	vxor.u32 v17, v33;
	[tilespmem:s1+$0x1280] =	vst v7  }
0x158: {  	s0 =	sshrl.u32 s0, $0x2;
	s16 =	sor.u32 s10, s13;
	v10 =	vxor.u32 v14, v33;
	v36 =	vxor.u32 v9, v17;
	v18 =	vxor.u32 v34, v35;
	[tilespmem:s11+$0x1280] =	vst v4  }
0x159: {  	s0 =	sor.u32 s10, s0;
	v38 =	vxor.u32 v11, v10;
	v19 =	vxor.u32 v11, v36;
	v37 =	vand.u32 $0x7FFFF, v18;
	[tilespmem:s16+$0x1280] =	vst v6  }
0x15a: {  	v40 =	vxor.u32 v34, v36;
	v18 =	vand.u32 $0x7FFFF, v38;
	v9 =	vor.u32 v3, v37;
	[tilespmem:s0+$0x1280] =	vst v5  }
0x15b: {  	v39 =	vor.u32 v3, v18;
	v18 =	vand.u32 $0x7FFFF, v40;
	v5 =	vxor.u32 v34, v10;
	[tilespmem:s17+$0xFFFFFE00] =	vst v9  }
0x15c: {  	v42 =	vxor.u32 v11, v35;
	v18 =	vor.u32 v3, v18;
	v5 =	vand.u32 $0x7FFFF, v5;
	[tilespmem:s17+$0x200] =	vst v39  }
0x15d: {  	v44 =	vxor.u32 v11, v16;
	v41 =	vand.u32 $0x7FFFF, v19;
	[tilespmem:s17+$0xFFFFFC00] =	vst v18;
	v5 =	vor.u32 v3, v5  }
0x15e: {  	v4 =	vxor.u32 v34, v16;
	v45 =	vand.u32 $0x7FFFF, v44;
	[tilespmem:s17+$0xFFFFFA00] =	vst v5;
	v5 =	vor.u32 v3, v41  }
0x15f: {  	v12 =	vor.u32 v3, v45;
	v4 =	vand.u32 $0x7FFFF, v4;
	[tilespmem:s17+$0x400] =	vst v5;
	v5 =	vxor.u32 v15, v30  }
0x160: {  	v43 =	vand.u32 $0x7FFFF, v42;
	v4 =	vor.u32 v3, v4;
	[tilespmem:s17+$0x0] =	vst v12;
	v15 =	vxor.u32 v5, v16  }
0x161: {  	v9 =	vor.u32 v3, v43;
	[tilespmem:s17+$0xFFFFF800] =	vst v4;
	v46 =	vxor.u32 v5, v10;
	v15 =	vand.u32 $0x7FFFF, v15  }
0x162: {  	s20 =	sand.u32 $0x1F0, s7;
	[tilespmem:s17+$0x600] =	vst v9;
	v47 =	vxor.u32 v5, v36;
	v9 =	vand.u32 $0x7FFFF, v46;
	v15 =	vor.u32 v3, v15  }
0x163: {  	v49 =	vxor.u32 v5, v35;
	v48 =	vand.u32 $0x7FFFF, v47;
	v4 =	vor.u32 v3, v9;
	[tilespmem:s20+$0x5200] =	vst v15  }
0x164: {  	v50 =	vxor.u32 v32, v16;
	v12 =	vand.u32 $0x7FFFF, v49;
	[tilespmem:s20+$0x5400] =	vst v4;
	v4 =	vor.u32 v3, v48  }
0x165: {  	v51 =	vand.u32 $0x7FFFF, v50;
	v6 =	vxor.u32 v32, v36;
	[tilespmem:s20+$0x5600] =	vst v4;
	v4 =	vor.u32 v3, v12  }
0x166: {  	v53 =	vxor.u32 v32, v10;
	v6 =	vand.u32 $0x7FFFF, v6;
	[tilespmem:s20+$0x5800] =	vst v4;
	v4 =	vor.u32 v3, v51  }
0x167: {  	v52 =	vxor.u32 v32, v35;
	v55 =	vand.u32 $0x7FFFF, v53;
	[tilespmem:s20+$0x5A00] =	vst v4;
	v4 =	vor.u32 v3, v6  }
0x168: {  	v54 =	vand.u32 $0x7FFFF, v52;
	v6 =	vor.u32 v3, v55;
	[tilespmem:s20+$0x5E00] =	vst v4  }
0x169: {  	v56 =	vxor.u32 v14, v34;
	v4 =	vor.u32 v3, v54;
	[tilespmem:s20+$0x5C00] =	vst v6  }
0x16a: {  	v59 =	vxor.u32 v34, v17;
	v57 =	vand.u32 $0x7FFF, v56;
	[tilespmem:s20+$0x6000] =	vst v4  }
0x16b: {  	v60 =	vxor.u32 v14, v5;
	v6 =	vand.u32 $0x7FFF, v59;
	[tilespmem:s5+$0xFFFFF800] =	vst v57  }
0x16c: {  	v61 =	vand.u32 $0x7FFF, v60;
	v4 =	vxor.u32 v14, v11;
	[tilespmem:s5+$0xFFFFFA00] =	vst v6  }
0x16d: {  	v58 =	vxor.u32 v17, v11;
	v4 =	vand.u32 $0x7FFF, v4;
	[tilespmem:s5+$0x0] =	vst v61  }
0x16e: {  	v62 =	vxor.u32 v14, v32;
	[tilespmem:s5+$0xFFFFFC00] =	vst v4;
	v4 =	vand.u32 $0x7FFF, v58  }
0x16f: {  	v63 =	vand.u32 $0x7FFF, v62;
	[tilespmem:s5+$0xFFFFFE00] =	vst v4;
	v4 =	vxor.u32 v17, v32  }
0x170: {  	v5 =	vxor.u32 v5, v17;
	[tilespmem:s5+$0x400] =	vst v63;
	v4 =	vand.u32 $0x7FFF, v4  }
0x171: {  	s21 =	rddreg [dreg:$0x1];
	[tilespmem:s5+$0x600] =	vst v4;
	v4 =	vand.u32 $0x7FFF, v5  }
0x172: {  	s22 =	simm.s32 $0x2000;
	s24 =	simm.s32 $0xA200;
	s23 =	simm.s32 $0x4200;
	[tilespmem:s5+$0x200] =	vst v4  }
0x173: {  	[tilespmem:s24], [sflag:$0x2] =	stream.indirect.gather [hbm4b:s21+s22], $0x1, s23, s22, $0xb8;
	[tilespmem:$0x14800] =	vst v63  }
0x174: {  	s7 =	simm.s32 $0x8A00;
	_ =	swait.ge [sflag:s25], $0x2000  }
0x175: {  	s6 =	simm.s32 $0x6A00;
	s10 =	simm.s32 $0x0;
	[sflag:s25] =	ssyncset.done $0x0  }
0x176: {  	s0 =	simm.s32 $0x1000;
	s5 =	simm.s32 $0x0;
	[sflag:s25] =	ssyncadd.s32 $0xFFFFE000  }
.LBB2_12:
0x177: {  	v12 =	vld [tilespmem:s7+$0xFFFFF800]  }
0x178: {  	v13 =	vld [tilespmem:s7+$0xFFFFFA00]  }
0x179: {  	v14 =	vld [tilespmem:s7+$0xFFFFFC00]  }
0x17a: {  	v15 =	vld [tilespmem:s7+$0xFFFFFE00]  }
0x17b: {  	v16 =	vld [tilespmem:s7+$0x0]  }
0x17c: {  	v17 =	vld [tilespmem:s7+$0x200];
	s24 =	sand.u32 $0x1F0, s5  }
0x17d: {  	v20 =	vld [tilespmem:s24+$0x9200]  }
0x17e: {  	v21 =	vld [tilespmem:s24+$0x9400]  }
0x17f: {  	v23 =	vld [tilespmem:s24+$0x9600]  }
0x180: {  	s13 =	sand.u32 $0x70, s5;
	s21 =	sand.u32 $0x300, s10;
	v26 =	vld [tilespmem:s24+$0x9800];
	v22 =	vshll.u32 v12, $0x10;
	v12 =	vand.u32 $0xFFFF0000, v12  }
0x181: {  	s22 =	sor.u32 s13, s21;
	v28 =	vld [tilespmem:s24+$0x9A00];
	v24 =	vshll.u32 v13, $0x10;
	v13 =	vand.u32 $0xFFFF0000, v13;
	v25 =	vshll.u32 v14, $0x10  }
0x182: {  	v8 =	vld [tilespmem:s22+$0x1200];
	v14 =	vand.u32 $0xFFFF0000, v14;
	v27 =	vshll.u32 v15, $0x10;
	v15 =	vand.u32 $0xFFFF0000, v15  }
0x183: {  	v31 =	vld [tilespmem:s24+$0x9C00];
	v29 =	vshll.u32 v16, $0x10;
	v16 =	vand.u32 $0xFFFF0000, v16;
	v30 =	vshll.u32 v17, $0x10  }
0x184: {  	v33 =	vld [tilespmem:s24+$0x9E00];
	v17 =	vand.u32 $0xFFFF0000, v17;
	v35 =	vshll.u32 v20, $0x10;
	v20 =	vand.u32 $0xFFFF0000, v20  }
0x185: {  	v37 =	vld [tilespmem:s24+$0xA000];
	v36 =	vshll.u32 v21, $0x10;
	v21 =	vand.u32 $0xFFFF0000, v21;
	v38 =	vshll.u32 v23, $0x10  }
0x186: {  	v23 =	vand.u32 $0xFFFF0000, v23;
	v39 =	vshll.u32 v26, $0x10;
	v26 =	vand.u32 $0xFFFF0000, v26  }
0x187: {  	v40 =	vshll.u32 v28, $0x10;
	v28 =	vand.u32 $0xFFFF0000, v28;
	v35 =	vmul.f32 v35, v8  }
0x188: {  	v41 =	vshll.u32 v31, $0x10;
	v36 =	vmul.f32 v36, v8;
	v38 =	vmul.f32 v38, v8  }
0x189: {  	v42 =	vshll.u32 v33, $0x10;
	v61 =	vmul.f32 v39, v8;
	v62 =	vmul.f32 v40, v8  }
0x18a: {  	v18 =	vld [tilespmem:s7+$0x400];
	v43 =	vshll.u32 v37, $0x10;
	v63 =	vmul.f32 v41, v8;
	v40 =	vmul.f32 v42, v8  }
0x18b: {  	s1 =	sand.u32 $0x1C00, s0;
	s2 =	sadd.s32 $0x1000, s0;
	v31 =	vand.u32 $0xFFFF0000, v31;
	v41 =	vmul.f32 v43, v8;
	v20 =	vmul.f32 v20, v8  }
0x18c: {  	v19 =	vld [tilespmem:s7+$0x600];
	s1 =	sshrl.u32 s1, $0x2;
	s2 =	sand.u32 $0x2C00, s2;
	v33 =	vand.u32 $0xFFFF0000, v33;
	v21 =	vmul.f32 v21, v8;
	v23 =	vmul.f32 v23, v8  }
0x18d: {  	s1 =	sor.u32 s13, s1;
	s2 =	sshrl.u32 s2, $0x2;
	v11 =	vsub.f32 $1.000000000e+00, v8;
	v42 =	vmul.f32 v26, v8;
	v43 =	vmul.f32 v28, v8  }
0x18e: {  	v5 =	vld [tilespmem:s1+$0x1200];
	s2 =	sor.u32 s13, s2;
	v37 =	vand.u32 $0xFFFF0000, v37;
	v44 =	vmul.f32 v31, v8;
	v45 =	vmul.f32 v33, v8  }
0x18f: {  	v4 =	vld [tilespmem:s2+$0x1200];
	v32 =	vshll.u32 v18, $0x10;
	v47 =	vmul.f32 v37, v8;
	v22 =	vmul.f32 v22, v11  }
0x190: {  	v18 =	vand.u32 $0xFFFF0000, v18;
	v24 =	vmul.f32 v24, v11;
	v25 =	vmul.f32 v25, v11  }
0x191: {  	v34 =	vshll.u32 v19, $0x10;
	v27 =	vmul.f32 v27, v11;
	v29 =	vmul.f32 v29, v11  }
0x192: {  	v19 =	vand.u32 $0xFFFF0000, v19;
	v30 =	vmul.f32 v30, v11;
	v32 =	vmul.f32 v32, v11  }
0x193: {  	v46 =	vld [tilespmem:s6+$0xFFFFF800];
	v9 =	vsub.f32 $1.000000000e+00, v5;
	v34 =	vmul.f32 v34, v11;
	v12 =	vmul.f32 v12, v11  }
0x194: {  	v53 =	vld [tilespmem:s6+$0xFFFFFE00];
	v7 =	vsub.f32 $1.000000000e+00, v4;
	v13 =	vmul.f32 v13, v11;
	v14 =	vmul.f32 v14, v11  }
0x195: {  	v56 =	vld [tilespmem:s6+$0x0];
	v15 =	vmul.f32 v15, v11;
	v22 =	vadd.f32 v35, v22;
	v24 =	vadd.f32 v36, v24  }
0x196: {  	s11 =	sadd.s32 $0x2000, s0;
	v16 =	vmul.f32 v16, v11;
	v25 =	vadd.f32 v38, v25;
	v27 =	vadd.f32 v61, v27  }
0x197: {  	v48 =	vld [tilespmem:s6+$0xFFFFFA00];
	s16 =	sand.u32 $0x3C00, s11;
	v17 =	vmul.f32 v17, v11;
	v29 =	vadd.f32 v62, v29;
	v30 =	vadd.f32 v63, v30  }
0x198: {  	v59 =	vld [tilespmem:s6+$0x200];
	s23 =	sshrl.u32 s16, $0x2;
	v18 =	vmul.f32 v18, v11;
	v32 =	vadd.f32 v40, v32;
	v34 =	vadd.f32 v41, v34  }
0x199: {  	v60 =	vld [tilespmem:s6+$0x400];
	s1 =	sor.u32 s13, s23;
	v19 =	vmul.f32 v19, v11;
	v12 =	vadd.f32 v20, v12;
	v13 =	vadd.f32 v21, v13  }
0x19a: {  	v6 =	vld [tilespmem:s1+$0x1200];
	v14 =	vadd.f32 v23, v14;
	v22 =	vmul.f32 v22, v9;
	v49 =	vmul.f32 v29, v5  }
0x19b: {  	v26 =	vld.idx.msk [tilespmem:v46+s18+$0x0], $0xffff;
	v15 =	vadd.f32 v42, v15;
	v51 =	vmul.f32 v24, v9;
	v52 =	vmul.f32 v30, v5  }
0x19c: {  	v37 =	vld.idx.msk [tilespmem:v53+s18+$0x0], $0xffff;
	v16 =	vadd.f32 v43, v16;
	v54 =	vmul.f32 v25, v9;
	v55 =	vmul.f32 v32, v5  }
0x19d: {  	v39 =	vld.idx.msk [tilespmem:v56+s18+$0x0], $0xffff;
	v17 =	vadd.f32 v44, v17;
	v57 =	vmul.f32 v27, v9;
	v58 =	vmul.f32 v34, v5  }
0x19e: {  	v18 =	vadd.f32 v45, v18;
	v12 =	vmul.f32 v12, v9;
	v16 =	vmul.f32 v16, v5  }
0x19f: {  	v19 =	vadd.f32 v47, v19;
	v13 =	vmul.f32 v13, v9;
	v17 =	vmul.f32 v17, v5  }
0x1a0: {  	v10 =	vsub.f32 $1.000000000e+00, v6;
	v14 =	vmul.f32 v14, v9;
	v18 =	vmul.f32 v18, v5  }
0x1a1: {  	v50 =	vld [tilespmem:s6+$0xFFFFFC00];
	v15 =	vmul.f32 v15, v9;
	v62 =	vmul.f32 v19, v5;
	v42 =	vshll.u32 v26, $0x10  }
0x1a2: {  	v63 =	vld.idx.msk [tilespmem:v48+s18+$0x0], $0xffff;
	v26 =	vand.u32 $0xFFFF0000, v26;
	v45 =	vshll.u32 v37, $0x10;
	v46 =	vshll.u32 v39, $0x10  }
0x1a3: {  	v61 =	vld [tilespmem:s6+$0x600];
	v24 =	vmul.f32 v42, v11;
	v30 =	vmul.f32 v46, v8;
	v22 =	vadd.f32 v49, v22  }
0x1a4: {  	v40 =	vld.idx.msk [tilespmem:v59+s18+$0x0], $0xffff;
	v29 =	vmul.f32 v45, v11;
	v20 =	vadd.f32 v52, v51;
	v21 =	vadd.f32 v55, v54  }
0x1a5: {  	v41 =	vld.idx.msk [tilespmem:v60+s18+$0x0], $0xffff;
	v26 =	vmul.f32 v26, v11;
	v23 =	vadd.f32 v58, v57;
	v12 =	vadd.f32 v16, v12  }
0x1a6: {  	v13 =	vadd.f32 v17, v13;
	v14 =	vadd.f32 v18, v14;
	v17 =	vand.u32 $0xFFFF0000, v39  }
0x1a7: {  	v15 =	vadd.f32 v62, v15;
	v43 =	vshll.u32 v63, $0x10;
	v17 =	vmul.f32 v17, v8  }
0x1a8: {  	v19 =	vand.u32 $0xFFFF0000, v63;
	v33 =	vmul.f32 v22, v7;
	v21 =	vmul.f32 v21, v4  }
0x1a9: {  	v34 =	vld.idx.msk [tilespmem:v50+s18+$0x0], $0xffff;
	v47 =	vshll.u32 v40, $0x10;
	v35 =	vmul.f32 v20, v7;
	v36 =	vmul.f32 v23, v4  }
0x1aa: {  	v48 =	vshll.u32 v41, $0x10;
	v12 =	vmul.f32 v12, v7;
	v14 =	vmul.f32 v14, v4  }
0x1ab: {  	v24 =	vadd.f32 v30, v24;
	v13 =	vmul.f32 v13, v7;
	v15 =	vmul.f32 v15, v4  }
0x1ac: {  	v23 =	vand.u32 $0xFFFF0000, v37;
	v27 =	vmul.f32 v43, v11;
	v31 =	vmul.f32 v47, v8  }
0x1ad: {  	v20 =	vand.u32 $0xFFFF0000, v40;
	v50 =	vmul.f32 v48, v8;
	v19 =	vmul.f32 v19, v11;
	v25 =	vld.idx.msk [tilespmem:v61+s18+$0x0], $0xffff  }
0x1ae: {  	v44 =	vshll.u32 v34, $0x10;
	v22 =	vand.u32 $0xFFFF0000, v34;
	v20 =	vmul.f32 v20, v8  }
0x1af: {  	v17 =	vadd.f32 v17, v26;
	v53 =	vmul.f32 v24, v9;
	v38 =	vadd.f32 v21, v33  }
0x1b0: {  	v18 =	vadd.f32 v36, v35;
	v21 =	vand.u32 $0xFFFF0000, v41;
	v28 =	vmul.f32 v44, v11  }
0x1b1: {  	v27 =	vadd.f32 v31, v27;
	v22 =	vmul.f32 v22, v11;
	v11 =	vmul.f32 v23, v11  }
0x1b2: {  	v21 =	vmul.f32 v21, v8;
	v57 =	vmul.f32 v17, v9;
	v49 =	vshll.u32 v25, $0x10  }
0x1b3: {  	v16 =	vmul.f32 v38, v10;
	v25 =	vand.u32 $0xFFFF0000, v25;
	v51 =	vmul.f32 v49, v8  }
0x1b4: {  	v19 =	vadd.f32 v20, v19;
	v18 =	vmul.f32 v18, v6;
	v8 =	vmul.f32 v25, v8  }
0x1b5: {  	v28 =	vadd.f32 v50, v28;
	v55 =	vmul.f32 v27, v9;
	v29 =	vadd.f32 v51, v29  }
0x1b6: {  	v52 =	vadd.f32 v21, v22;
	v9 =	vmul.f32 v19, v9;
	v8 =	vadd.f32 v8, v11  }
0x1b7: {  	v12 =	vadd.f32 v14, v12;
	v54 =	vmul.f32 v28, v5;
	v56 =	vmul.f32 v29, v5  }
0x1b8: {  	v13 =	vadd.f32 v15, v13;
	v58 =	vmul.f32 v52, v5;
	v5 =	vmul.f32 v8, v5  }
0x1b9: {  	v59 =	vmul.f32 v12, v10;
	v60 =	vadd.f32 v54, v53;
	v11 =	vadd.f32 v56, v55  }
0x1ba: {  	v6 =	vmul.f32 v13, v6;
	v61 =	vadd.f32 v58, v57;
	v5 =	vadd.f32 v5, v9  }
0x1bb: {  	v62 =	vmul.f32 v60, v7;
	v63 =	vmul.f32 v11, v4  }
0x1bc: {  	v7 =	vmul.f32 v61, v7;
	v4 =	vmul.f32 v5, v4  }
0x1bd: {  	p0 =	sne.s32 s0, $0x1F80;
	v5 =	vadd.f32 v18, v16;
	v9 =	vadd.f32 v63, v62  }
.Ltmp4:
0x1be: {  	v6 =	vadd.f32 v6, v59;
	v4 =	vadd.f32 v4, v7;
	(pc) =	sbr.rel @p0 .LBB2_12-.Ltmp4, $4  }
0x1bf: {  	v5 =	vadd.f32 v9, v5  }
0x1c0: {  	v4 =	vadd.f32 v4, v6  }
0x1c1: {  	s10 =	sadd.s32 $0x20, s10;
	s5 =	sadd.s32 $0x10, s5;
	[tilespmem:s22+$0x14200] =	vst v5  }
0x1c2: {  	s7 =	sadd.s32 $0x10, s7;
	s0 =	sadd.s32 $0x80, s0;
	s6 =	sadd.s32 $0x10, s6;
	[tilespmem:s22+$0x14280] =	vst v4  }
0x1c3: {  	s0 =	sadd.s32 s9, s3  }
0x1c4: {  	p0 =	seq.s32 s14, $0x7;
	s0 =	sshll.u32 s0, $0xB  }
.Ltmp5:
0x1c5: {  	s0 =	sadd.s32 s0, s4;
	(pc) =	sbr.rel @p0 .LBB2_17-.Ltmp5, $4  }
0x1c6: {  	[hbm4b:s0+s26] =	stream.strided.scatter [tilespmem:s29], [sflag:$0x3], $0x400, s28, s26, $0x38;
	[tilespmem:$0x14800] =	vst v63  }
0x1c7: {  	_ =	swait.ge [sflag:s15], $0x400  }
0x1c8: {  	[sflag:s15] =	ssyncset.done $0x0  }
0x1c9: {  	[sflag:s15] =	ssyncadd.s32 $0xFFFFFC00  }
0x1ca: {  	s0 =	rddreg [dreg:$0x9]  }
0x1cb: {  	s0 =	sadd.s32 s3, s0  }
0x1cc: {  	s0 =	sshll.u32 s0, $0x8  }
0x1cd: {  	s0 =	sand.u32 $0x1FFFFE00, s0  }
0x1ce: {  	s7 =	simm.s32 $0x0;
	s2 =	simm.s32 $0x200;
	s1 =	sadd.s32 s19, s0  }
0x1cf: {  	[tilespmem:s2], [sflag:$0x3] =	stream.linear.gather [hbm4b:s1+s7], $0x800, $0x38;
	[tilespmem:$0x14800] =	vst v63  }
0x1d0: {  	s10 =	simm.s32 $0x0;
	_ =	swait.ge [sflag:s15], $0x800  }
0x1d1: {  	s11 =	sand.u32 $0x70, s7;
	s2 =	sand.u32 $0x3FFFFE00, s10;
	[sflag:s15] =	ssyncset.done $0x0  }
0x1d2: {  	s2 =	sor.u32 s11, s2;
	[sflag:s15] =	ssyncadd.s32 $0xFFFFF800  }
0x1d3: {  	v5 =	vld [tilespmem:s2+$0x280]  }
0x1d4: {  	v4 =	vld [tilespmem:s2+$0x380]  }
0x1d5: {  	v6 =	vld [tilespmem:s2+$0x300]  }
0x1d6: {  	v7 =	vld [tilespmem:s2+$0x200];
	_ =	sdelay $0x3  }
0x1d7: {  	v8 =	vmax.f32 v5, $0.0e+00;
	v9 =	vmax.f32 v4, $0.0e+00;
	v10 =	vmax.f32 v6, $0.0e+00  }
0x1d8: {  	v6 =	vmul.f32 v6, v1;
	v11 =	vmax.f32 v7, $0.0e+00;
	v4 =	vmul.f32 v4, v2  }
0x1d9: {  	v7 =	vmul.f32 v7, v1;
	v5 =	vmul.f32 v5, v1;
	v8 =	vmin.f32 v8, $1.000000000e+00  }
0x1da: {  	v9 =	vmin.f32 v9, $1.000000000e+00;
	v11 =	vmin.f32 v11, $1.000000000e+00;
	v8 =	vmul.f32 v8, v1  }
0x1db: {  	v10 =	vmin.f32 v10, $1.000000000e+00;
	v9 =	vmul.f32 v9, v2;
	v11 =	vmul.f32 v11, v1  }
0x1dc: {  	v10 =	vmul.f32 v10, v1;
	v8 =	vtrunc.f32 v8  }
0x1dd: {  	v9 =	vtrunc.f32 v9;
	v11 =	vtrunc.f32 v11  }
0x1de: {  	v8 =	vcvt.f32.s32 v8;
	v9 =	vcvt.f32.s32 v9  }
0x1df: {  	v10 =	vtrunc.f32 v10;
	v11 =	vcvt.f32.s32 v11  }
0x1e0: {  	v10 =	vcvt.f32.s32 v10;
	v12 =	vcvt.s32.f32 v9;
	v13 =	vmul.u32 $0x9E3779B1, v8  }
0x1e1: {  	v9 =	vmul.u32 $0xDB06C2F5, v9;
	v14 =	vcvt.s32.f32 v11;
	v8 =	vcvt.s32.f32 v8  }
0x1e2: {  	v15 =	vadd.s32 $0x1, v11;
	v12 =	vsub.f32 v4, v12;
	v4 =	vmul.u32 $0x30025795, v10  }
0x1e3: {  	s13 =	simm.s32 $0x1000;
	s16 =	simm.s32 $0x0;
	s5 =	simm.s32 $0x3000;
	v7 =	vsub.f32 v7, v14;
	v10 =	vcvt.s32.f32 v10;
	v38 =	vadd.s32 $0x9E3779B1, v13  }
0x1e4: {  	s6 =	simm.s32 $0x2000;
	s3 =	sand.u32 $0x3FFFFF00, s16;
	s2 =	sand.u32 $0x1C00, s13;
	v5 =	vsub.f32 v5, v8;
	v39 =	vadd.s32 $0xDB06C2F5, v9;
	v50 =	vxor.u32 v15, v13  }
0x1e5: {  	s6 =	sand.u32 $0x2C00, s6;
	s3 =	sor.u32 s11, s3;
	s2 =	sshrl.u32 s2, $0x2;
	v8 =	vxor.u32 v15, v38;
	v16 =	vxor.u32 v4, v9;
	v6 =	vsub.f32 v6, v10  }
0x1e6: {  	s5 =	sand.u32 $0x3C00, s5;
	s17 =	sshrl.u32 s6, $0x2;
	s2 =	sor.u32 s11, s2;
	v17 =	vadd.s32 $0x30025795, v4;
	[tilespmem:s3+$0x1200] =	vst v7;
	v7 =	vxor.u32 v11, v13;
	v11 =	vxor.u32 v11, v38  }
0x1e7: {  	s21 =	sshrl.u32 s5, $0x2;
	s20 =	sor.u32 s11, s17;
	v10 =	vxor.u32 v4, v39;
	v40 =	vxor.u32 v17, v39;
	[tilespmem:s2+$0x1200] =	vst v5;
	v49 =	vxor.u32 v11, v16  }
0x1e8: {  	s1 =	sor.u32 s11, s21;
	v5 =	vxor.u32 v7, v16;
	v42 =	vxor.u32 v11, v10;
	[tilespmem:s20+$0x1200] =	vst v6;
	v51 =	vand.u32 $0x7FFFF, v49  }
0x1e9: {  	s22 =	simm.s32 $0x2A00;
	v18 =	vxor.u32 v7, v40;
	v5 =	vand.u32 $0x7FFFF, v5;
	[tilespmem:s1+$0x1200] =	vst v12;
	v13 =	vor.u32 v3, v51  }
0x1ea: {  	v43 =	vxor.u32 v7, v10;
	v41 =	vand.u32 $0x7FFFF, v18;
	v5 =	vor.u32 v3, v5;
	[tilespmem:s22+$0x0] =	vst v13  }
0x1eb: {  	v6 =	vxor.u32 v9, v17;
	v18 =	vand.u32 $0x7FFFF, v42;
	v9 =	vor.u32 v3, v41;
	[tilespmem:s22+$0xFFFFF800] =	vst v5  }
0x1ec: {  	v19 =	vxor.u32 v11, v6;
	v12 =	vand.u32 $0x7FFFF, v43;
	v44 =	vor.u32 v3, v18;
	[tilespmem:s22+$0xFFFFFE00] =	vst v9  }
0x1ed: {  	v45 =	vxor.u32 v7, v6;
	v12 =	vor.u32 v3, v12;
	v46 =	vand.u32 $0x7FFFF, v19;
	[tilespmem:s22+$0x200] =	vst v44  }
0x1ee: {  	v47 =	vxor.u32 v11, v40;
	v18 =	vand.u32 $0x7FFFF, v45;
	[tilespmem:s22+$0xFFFFFA00] =	vst v12;
	v9 =	vor.u32 v3, v46  }
0x1ef: {  	v15 =	vxor.u32 v50, v16;
	v48 =	vand.u32 $0x7FFFF, v47;
	v18 =	vor.u32 v3, v18;
	[tilespmem:s22+$0x400] =	vst v9  }
0x1f0: {  	v52 =	vxor.u32 v50, v10;
	v15 =	vand.u32 $0x7FFFF, v15;
	v12 =	vor.u32 v3, v48;
	[tilespmem:s22+$0xFFFFFC00] =	vst v18  }
0x1f1: {  	s23 =	sand.u32 $0x1F0, s7;
	v53 =	vxor.u32 v50, v6;
	v15 =	vor.u32 v3, v15;
	[tilespmem:s22+$0x600] =	vst v12;
	v12 =	vand.u32 $0x7FFFF, v52  }
0x1f2: {  	v55 =	vxor.u32 v50, v40;
	v54 =	vand.u32 $0x7FFFF, v53;
	v5 =	vor.u32 v3, v12;
	[tilespmem:s23+$0x3200] =	vst v15  }
0x1f3: {  	v56 =	vxor.u32 v8, v16;
	v13 =	vand.u32 $0x7FFFF, v55;
	[tilespmem:s23+$0x3400] =	vst v5;
	v5 =	vor.u32 v3, v54  }
0x1f4: {  	v57 =	vand.u32 $0x7FFFF, v56;
	v6 =	vxor.u32 v8, v6;
	[tilespmem:s23+$0x3600] =	vst v5;
	v5 =	vor.u32 v3, v13  }
0x1f5: {  	v58 =	vxor.u32 v8, v40;
	v6 =	vand.u32 $0x7FFFF, v6;
	[tilespmem:s23+$0x3800] =	vst v5;
	v5 =	vor.u32 v3, v57  }
0x1f6: {  	v10 =	vxor.u32 v8, v10;
	v59 =	vand.u32 $0x7FFFF, v58;
	[tilespmem:s23+$0x3A00] =	vst v5;
	v5 =	vor.u32 v3, v6  }
0x1f7: {  	v6 =	vand.u32 $0x7FFFF, v10;
	[tilespmem:s23+$0x3E00] =	vst v5;
	v5 =	vor.u32 v3, v59  }
0x1f8: {  	v60 =	vxor.u32 v4, v7;
	v6 =	vor.u32 v3, v6;
	[tilespmem:s23+$0x4000] =	vst v5  }
0x1f9: {  	s24 =	simm.s32 $0x40;
	s16 =	simm.s32 $0x10;
	s0 =	simm.s32 $0x6A00;
	v61 =	vxor.u32 v17, v11;
	[tilespmem:s23+$0x3C00] =	vst v6;
	v6 =	vand.u32 $0x7FFF, v60  }
0x1fa: {  	s6 =	simm.s32 $0x2A10;
	s5 =	simm.s32 $0x10;
	s17 =	simm.s32 $0x20;
	v10 =	vand.u32 $0x7FFF, v61;
	v5 =	vxor.u32 v4, v11;
	[tilespmem:s0+$0xFFFFF800] =	vst v6  }
0x1fb: {  	s10 =	sand.u32 $0x70, s16;
	s21 =	simm.s32 $0x6A20;
	s7 =	simm.s32 $0x2A10;
	v62 =	vxor.u32 v17, v8;
	v5 =	vand.u32 $0x7FFF, v5;
	v6 =	vxor.u32 v7, v17;
	[tilespmem:s0+$0xFFFFFE00] =	vst v10  }
0x1fc: {  	s13 =	simm.s32 $0x1100;
	s11 =	simm.s32 $0x1080;
	s1 =	sand.u32 $0x3FFFFE00, s24;
	v7 =	vxor.u32 v4, v50;
	v4 =	vxor.u32 v4, v8;
	[tilespmem:s0+$0xFFFFFC00] =	vst v5;
	v63 =	vand.u32 $0x7FFF, v6  }
0x1fd: {  	s3 =	simm.s32 $0x6A10;
	s20 =	simm.s32 $0x1;
	s22 =	sor.u32 s10, s1;
	v5 =	vxor.u32 v50, v17;
	v6 =	vand.u32 $0x7FFF, v62;
	v7 =	vand.u32 $0x7FFF, v7;
	[tilespmem:s0+$0xFFFFFA00] =	vst v63  }
.LBB2_15:
0x1fe: {  	s20 =	sadd.s32 $0x1, s20  }
0x1ff: {  	s16 =	sadd.s32 $0x10, s16;
	s6 =	sadd.s32 $0x10, s6;
	[tilespmem:s0+$0x0] =	vst v7;
	s23 =	smov.u32 s13  }
0x200: {  	p0 =	sne.s32 s13, $0x1F80;
	s13 =	sadd.s32 $0x80, s13;
	v5 =	vand.u32 $0x7FFF, v5;
	v4 =	vand.u32 $0x7FFF, v4;
	s1 =	sshll.u32 s20, $0x5;
	[tilespmem:s0+$0x600] =	vst v6  }
0x201: {  	[tilespmem:s0+$0x400] =	vst v4  }
0x202: {  	[tilespmem:s0+$0x200] =	vst v5;
	s0 =	smov.u32 s3;
	s3 =	smov.u32 s21  }
0x203: {  	v5 =	vld [tilespmem:s22+$0x280]  }
0x204: {  	v4 =	vld [tilespmem:s22+$0x380]  }
0x205: {  	v6 =	vld [tilespmem:s22+$0x300];
	_ =	sdelay $0x1  }
0x206: {  	v7 =	vld [tilespmem:s22+$0x200]  }
0x207: {  	v8 =	vmax.f32 v5, $0.0e+00  }
0x208: {  	v8 =	vmin.f32 v8, $1.000000000e+00;
	v9 =	vmax.f32 v4, $0.0e+00  }
0x209: {  	v8 =	vmul.f32 v8, v1;
	v10 =	vmax.f32 v6, $0.0e+00;
	v9 =	vmin.f32 v9, $1.000000000e+00  }
0x20a: {  	v6 =	vmul.f32 v6, v1;
	v10 =	vmin.f32 v10, $1.000000000e+00;
	v9 =	vmul.f32 v9, v2  }
0x20b: {  	v11 =	vmax.f32 v7, $0.0e+00;
	v8 =	vtrunc.f32 v8;
	v10 =	vmul.f32 v10, v1  }
0x20c: {  	v11 =	vmin.f32 v11, $1.000000000e+00;
	v8 =	vcvt.f32.s32 v8;
	v9 =	vtrunc.f32 v9  }
0x20d: {  	v11 =	vmul.f32 v11, v1;
	v9 =	vcvt.f32.s32 v9  }
0x20e: {  	v4 =	vmul.f32 v4, v2;
	v10 =	vtrunc.f32 v10  }
0x20f: {  	v11 =	vtrunc.f32 v11;
	v12 =	vcvt.s32.f32 v9  }
0x210: {  	v10 =	vcvt.f32.s32 v10;
	v11 =	vcvt.f32.s32 v11  }
0x211: {  	v13 =	vmul.u32 $0x9E3779B1, v8;
	v9 =	vmul.u32 $0xDB06C2F5, v9;
	v12 =	vsub.f32 v4, v12  }
0x212: {  	v7 =	vmul.f32 v7, v1;
	v4 =	vmul.u32 $0x30025795, v10;
	v14 =	vcvt.s32.f32 v11  }
0x213: {  	s2 =	sadd.s32 $0x2000, s11;
	v5 =	vmul.f32 v5, v1;
	v8 =	vcvt.s32.f32 v8;
	v15 =	vadd.s32 $0x1, v11  }
0x214: {  	s17 =	sand.u32 $0x3FFFFF00, s17;
	s22 =	sand.u32 $0x1C00, s11;
	s11 =	sadd.s32 $0x1000, s11;
	v10 =	vcvt.s32.f32 v10;
	v7 =	vsub.f32 v7, v14;
	v14 =	vadd.s32 $0x9E3779B1, v13  }
0x215: {  	s17 =	sor.u32 s10, s17;
	s22 =	sshrl.u32 s22, $0x2;
	s11 =	sand.u32 $0x2C00, s11;
	v5 =	vsub.f32 v5, v8;
	v16 =	vxor.u32 v4, v9;
	v8 =	vxor.u32 v15, v14  }
0x216: {  	s2 =	sand.u32 $0x3C00, s2;
	s11 =	sshrl.u32 s11, $0x2;
	v6 =	vsub.f32 v6, v10;
	v10 =	vxor.u32 v11, v13;
	[tilespmem:s17+$0x1200] =	vst v7;
	s17 =	sor.u32 s10, s22;
	v7 =	vadd.s32 $0xDB06C2F5, v9  }
0x217: {  	s2 =	sshrl.u32 s2, $0x2;
	s11 =	sor.u32 s10, s11;
	v17 =	vadd.s32 $0x30025795, v4;
	[tilespmem:s17+$0x1200] =	vst v5;
	v5 =	vxor.u32 v11, v14;
	v11 =	vxor.u32 v10, v16;
	s17 =	smov.u32 s1  }
0x218: {  	s2 =	sor.u32 s10, s2;
	v9 =	vxor.u32 v9, v17;
	s1 =	sshll.u32 s20, $0x6;
	[tilespmem:s11+$0x1200] =	vst v6;
	v6 =	vxor.u32 v15, v13;
	v13 =	vxor.u32 v4, v7;
	s11 =	smov.u32 s23  }
0x219: {  	s10 =	sand.u32 $0x70, s16;
	s1 =	sand.u32 $0x3FFFFE00, s1;
	v7 =	vxor.u32 v17, v7;
	v14 =	vxor.u32 v5, v9;
	[tilespmem:s2+$0x1200] =	vst v12;
	v12 =	vxor.u32 v10, v9  }
0x21a: {  	s22 =	sor.u32 s10, s1;
	v15 =	vxor.u32 v10, v7;
	v18 =	vxor.u32 v5, v7;
	v12 =	vand.u32 $0x7FFFF, v12  }
0x21b: {  	v19 =	vxor.u32 v10, v13;
	v20 =	vxor.u32 v5, v13;
	v15 =	vand.u32 $0x7FFFF, v15  }
0x21c: {  	v19 =	vand.u32 $0x7FFFF, v19;
	v20 =	vand.u32 $0x7FFFF, v20;
	v15 =	vor.u32 v3, v15  }
0x21d: {  	v18 =	vand.u32 $0x7FFFF, v18;
	v19 =	vor.u32 v3, v19;
	[tilespmem:s7+$0xFFFFFE00] =	vst v15;
	v15 =	vor.u32 v3, v20  }
0x21e: {  	v14 =	vand.u32 $0x7FFFF, v14;
	v20 =	vxor.u32 v5, v16;
	[tilespmem:s7+$0x200] =	vst v15;
	v15 =	vor.u32 v3, v18  }
0x21f: {  	v14 =	vor.u32 v3, v14;
	v18 =	vand.u32 $0x7FFFF, v20;
	[tilespmem:s7+$0xFFFFFA00] =	vst v19;
	v19 =	vxor.u32 v6, v13  }
0x220: {  	v12 =	vor.u32 v3, v12;
	v18 =	vor.u32 v3, v18;
	[tilespmem:s7+$0x400] =	vst v14;
	v14 =	vand.u32 $0x7FFFF, v19  }
0x221: {  	v11 =	vand.u32 $0x7FFFF, v11;
	v19 =	vxor.u32 v6, v9;
	[tilespmem:s7+$0xFFFFFC00] =	vst v12;
	v12 =	vxor.u32 v6, v16  }
0x222: {  	v11 =	vor.u32 v3, v11;
	v14 =	vor.u32 v3, v14;
	[tilespmem:s7+$0x600] =	vst v15;
	v12 =	vand.u32 $0x7FFFF, v12  }
0x223: {  	v15 =	vand.u32 $0x7FFFF, v19;
	[tilespmem:s7+$0x0] =	vst v18;
	v12 =	vor.u32 v3, v12;
	v18 =	vxor.u32 v6, v7  }
0x224: {  	s1 =	sand.u32 $0x1F0, s5;
	s5 =	smov.u32 s16;
	v9 =	vxor.u32 v8, v9;
	v7 =	vxor.u32 v8, v7;
	[tilespmem:s7+$0xFFFFF800] =	vst v11;
	v11 =	vand.u32 $0x7FFFF, v18;
	s7 =	smov.u32 s6  }
0x225: {  	v13 =	vxor.u32 v8, v13;
	v7 =	vand.u32 $0x7FFFF, v7;
	[tilespmem:s1+$0x3200] =	vst v12;
	v12 =	vxor.u32 v8, v16  }
0x226: {  	v13 =	vand.u32 $0x7FFFF, v13;
	[tilespmem:s1+$0x3400] =	vst v14;
	v14 =	vor.u32 v3, v15;
	v12 =	vand.u32 $0x7FFFF, v12  }
0x227: {  	v11 =	vor.u32 v3, v11;
	v15 =	vxor.u32 v4, v5;
	[tilespmem:s1+$0x3600] =	vst v14;
	v14 =	vxor.u32 v4, v10  }
0x228: {  	v9 =	vand.u32 $0x7FFFF, v9;
	[tilespmem:s1+$0x3800] =	vst v11;
	v11 =	vor.u32 v3, v12;
	v12 =	vxor.u32 v17, v5  }
0x229: {  	v5 =	vor.u32 v3, v9;
	v9 =	vxor.u32 v10, v17;
	v10 =	vxor.u32 v4, v6;
	[tilespmem:s1+$0x3A00] =	vst v11  }
0x22a: {  	v7 =	vor.u32 v3, v7;
	[tilespmem:s1+$0x3E00] =	vst v5;
	v5 =	vxor.u32 v6, v17;
	v6 =	vxor.u32 v17, v8  }
0x22b: {  	v4 =	vxor.u32 v4, v8;
	v11 =	vor.u32 v3, v13;
	[tilespmem:s1+$0x4000] =	vst v7;
	v6 =	vand.u32 $0x7FFF, v6  }
.Ltmp6:
0x22c: {  	v7 =	vand.u32 $0x7FFF, v14;
	[tilespmem:s1+$0x3C00] =	vst v11;
	(pc) =	sbr.rel @p0 .LBB2_15-.Ltmp6, $4  }
0x22d: {  	[tilespmem:s0+$0xFFFFF800] =	vst v7;
	v7 =	vand.u32 $0x7FFF, v15  }
0x22e: {  	[tilespmem:s0+$0xFFFFFC00] =	vst v7;
	v7 =	vand.u32 $0x7FFF, v12  }
0x22f: {  	v8 =	vand.u32 $0x7FFF, v9;
	[tilespmem:s0+$0xFFFFFE00] =	vst v7  }
0x230: {  	s21 =	sadd.s32 $0x10, s21;
	v7 =	vand.u32 $0x7FFF, v10;
	[tilespmem:s0+$0xFFFFFA00] =	vst v8  }
0x231: {  	[tilespmem:s0+$0x0] =	vst v7  }
0x232: {  	v4 =	vand.u32 $0x7FFF, v4;
	[tilespmem:s0+$0x600] =	vst v6  }
0x233: {  	v5 =	vand.u32 $0x7FFF, v5;
	[tilespmem:s0+$0x400] =	vst v4  }
0x234: {  	[tilespmem:s0+$0x200] =	vst v5  }
0x235: {  	v4 =	vld [tilespmem:s22+$0x280]  }
0x236: {  	v5 =	vld [tilespmem:s22+$0x380]  }
0x237: {  	v6 =	vld [tilespmem:s22+$0x300]  }
0x238: {  	v7 =	vld [tilespmem:s22+$0x200];
	_ =	sdelay $0x2  }
0x239: {  	v8 =	vmax.f32 v4, $0.0e+00  }
0x23a: {  	v9 =	vmax.f32 v5, $0.0e+00;
	v10 =	vmax.f32 v6, $0.0e+00;
	v6 =	vmul.f32 v6, v1  }
0x23b: {  	v11 =	vmax.f32 v7, $0.0e+00;
	v5 =	vmul.f32 v5, v2;
	v7 =	vmul.f32 v7, v1  }
0x23c: {  	v8 =	vmin.f32 v8, $1.000000000e+00;
	v9 =	vmin.f32 v9, $1.000000000e+00;
	v10 =	vmin.f32 v10, $1.000000000e+00  }
0x23d: {  	v11 =	vmin.f32 v11, $1.000000000e+00;
	v8 =	vmul.f32 v8, v1;
	v9 =	vmul.f32 v9, v2  }
0x23e: {  	v10 =	vmul.f32 v10, v1;
	v11 =	vmul.f32 v11, v1  }
0x23f: {  	v8 =	vtrunc.f32 v8;
	v9 =	vtrunc.f32 v9  }
0x240: {  	v10 =	vtrunc.f32 v10;
	v11 =	vtrunc.f32 v11  }
0x241: {  	v8 =	vcvt.f32.s32 v8;
	v9 =	vcvt.f32.s32 v9  }
0x242: {  	v11 =	vcvt.f32.s32 v11;
	v10 =	vcvt.f32.s32 v10  }
0x243: {  	v4 =	vmul.f32 v4, v1;
	v12 =	vcvt.s32.f32 v9;
	v30 =	vmul.u32 $0x9E3779B1, v8  }
0x244: {  	v9 =	vmul.u32 $0xDB06C2F5, v9;
	v13 =	vcvt.s32.f32 v11;
	v14 =	vmul.u32 $0x30025795, v10  }
0x245: {  	v8 =	vcvt.s32.f32 v8;
	v15 =	vadd.s32 $0x1, v11;
	v10 =	vcvt.s32.f32 v10  }
0x246: {  	s24 =	sadd.s32 $0x2000, s11;
	v5 =	vsub.f32 v5, v12;
	v7 =	vsub.f32 v7, v13;
	v31 =	vadd.s32 $0x9E3779B1, v30  }
0x247: {  	s1 =	sand.u32 $0x3FFFFF00, s17;
	s2 =	sand.u32 $0x1C00, s11;
	s6 =	sadd.s32 $0x1000, s11;
	v4 =	vsub.f32 v4, v8;
	v16 =	vxor.u32 v14, v9;
	v6 =	vsub.f32 v6, v10  }
0x248: {  	s1 =	sor.u32 s10, s1;
	s2 =	sshrl.u32 s2, $0x2;
	s6 =	sand.u32 $0x2C00, s6;
	v33 =	vadd.s32 $0xDB06C2F5, v9;
	v17 =	vadd.s32 $0x30025795, v14;
	v34 =	vxor.u32 v11, v30  }
0x249: {  	s0 =	sand.u32 $0x3C00, s24;
	s13 =	sor.u32 s10, s2;
	s16 =	sshrl.u32 s6, $0x2;
	v32 =	vxor.u32 v15, v31;
	v11 =	vxor.u32 v11, v31;
	v35 =	vxor.u32 v17, v33;
	[tilespmem:s1+$0x1200] =	vst v7  }
0x24a: {  	s0 =	sshrl.u32 s0, $0x2;
	s17 =	sor.u32 s10, s16;
	v10 =	vxor.u32 v14, v33;
	v36 =	vxor.u32 v9, v17;
	v18 =	vxor.u32 v34, v35;
	[tilespmem:s13+$0x1200] =	vst v4  }
0x24b: {  	s0 =	sor.u32 s10, s0;
	v38 =	vxor.u32 v11, v10;
	v19 =	vxor.u32 v11, v36;
	v37 =	vand.u32 $0x7FFFF, v18;
	[tilespmem:s17+$0x1200] =	vst v6  }
0x24c: {  	v40 =	vxor.u32 v34, v36;
	v18 =	vand.u32 $0x7FFFF, v38;
	v9 =	vor.u32 v3, v37;
	[tilespmem:s0+$0x1200] =	vst v5  }
0x24d: {  	v39 =	vor.u32 v3, v18;
	v18 =	vand.u32 $0x7FFFF, v40;
	v5 =	vxor.u32 v34, v10;
	[tilespmem:s7+$0xFFFFFE00] =	vst v9  }
0x24e: {  	v42 =	vxor.u32 v11, v35;
	v18 =	vor.u32 v3, v18;
	v5 =	vand.u32 $0x7FFFF, v5;
	[tilespmem:s7+$0x200] =	vst v39  }
0x24f: {  	v44 =	vxor.u32 v11, v16;
	v41 =	vand.u32 $0x7FFFF, v19;
	[tilespmem:s7+$0xFFFFFC00] =	vst v18;
	v5 =	vor.u32 v3, v5  }
0x250: {  	v4 =	vxor.u32 v34, v16;
	v45 =	vand.u32 $0x7FFFF, v44;
	[tilespmem:s7+$0xFFFFFA00] =	vst v5;
	v5 =	vor.u32 v3, v41  }
0x251: {  	v12 =	vor.u32 v3, v45;
	v4 =	vand.u32 $0x7FFFF, v4;
	[tilespmem:s7+$0x400] =	vst v5;
	v5 =	vxor.u32 v15, v30  }
0x252: {  	v43 =	vand.u32 $0x7FFFF, v42;
	v4 =	vor.u32 v3, v4;
	[tilespmem:s7+$0x0] =	vst v12;
	v15 =	vxor.u32 v5, v16  }
0x253: {  	v9 =	vor.u32 v3, v43;
	[tilespmem:s7+$0xFFFFF800] =	vst v4;
	v46 =	vxor.u32 v5, v10;
	v15 =	vand.u32 $0x7FFFF, v15  }
0x254: {  	s20 =	sand.u32 $0x1F0, s5;
	[tilespmem:s7+$0x600] =	vst v9;
	v47 =	vxor.u32 v5, v36;
	v9 =	vand.u32 $0x7FFFF, v46;
	v15 =	vor.u32 v3, v15  }
0x255: {  	v49 =	vxor.u32 v5, v35;
	v48 =	vand.u32 $0x7FFFF, v47;
	v4 =	vor.u32 v3, v9;
	[tilespmem:s20+$0x3200] =	vst v15  }
0x256: {  	v50 =	vxor.u32 v32, v16;
	v12 =	vand.u32 $0x7FFFF, v49;
	[tilespmem:s20+$0x3400] =	vst v4;
	v4 =	vor.u32 v3, v48  }
0x257: {  	v51 =	vand.u32 $0x7FFFF, v50;
	v6 =	vxor.u32 v32, v36;
	[tilespmem:s20+$0x3600] =	vst v4;
	v4 =	vor.u32 v3, v12  }
0x258: {  	v53 =	vxor.u32 v32, v10;
	v6 =	vand.u32 $0x7FFFF, v6;
	[tilespmem:s20+$0x3800] =	vst v4;
	v4 =	vor.u32 v3, v51  }
0x259: {  	v52 =	vxor.u32 v32, v35;
	v55 =	vand.u32 $0x7FFFF, v53;
	[tilespmem:s20+$0x3A00] =	vst v4;
	v4 =	vor.u32 v3, v6  }
0x25a: {  	v54 =	vand.u32 $0x7FFFF, v52;
	v6 =	vor.u32 v3, v55;
	[tilespmem:s20+$0x3E00] =	vst v4  }
0x25b: {  	v56 =	vxor.u32 v14, v34;
	v4 =	vor.u32 v3, v54;
	[tilespmem:s20+$0x3C00] =	vst v6  }
0x25c: {  	v59 =	vxor.u32 v34, v17;
	v57 =	vand.u32 $0x7FFF, v56;
	[tilespmem:s20+$0x4000] =	vst v4  }
0x25d: {  	v60 =	vxor.u32 v14, v5;
	v6 =	vand.u32 $0x7FFF, v59;
	[tilespmem:s3+$0xFFFFF800] =	vst v57  }
0x25e: {  	v61 =	vand.u32 $0x7FFF, v60;
	v4 =	vxor.u32 v14, v11;
	[tilespmem:s3+$0xFFFFFA00] =	vst v6  }
0x25f: {  	v58 =	vxor.u32 v17, v11;
	v4 =	vand.u32 $0x7FFF, v4;
	[tilespmem:s3+$0x0] =	vst v61  }
0x260: {  	v62 =	vxor.u32 v14, v32;
	[tilespmem:s3+$0xFFFFFC00] =	vst v4;
	v4 =	vand.u32 $0x7FFF, v58  }
0x261: {  	v63 =	vand.u32 $0x7FFF, v62;
	[tilespmem:s3+$0xFFFFFE00] =	vst v4;
	v4 =	vxor.u32 v17, v32  }
0x262: {  	v5 =	vxor.u32 v5, v17;
	[tilespmem:s3+$0x400] =	vst v63;
	v4 =	vand.u32 $0x7FFF, v4  }
0x263: {  	s21 =	rddreg [dreg:$0x1];
	[tilespmem:s3+$0x600] =	vst v4;
	v4 =	vand.u32 $0x7FFF, v5  }
0x264: {  	s23 =	simm.s32 $0x2200;
	s24 =	simm.s32 $0x8200;
	s22 =	simm.s32 $0x2000;
	[tilespmem:s3+$0x200] =	vst v4  }
0x265: {  	[tilespmem:s24], [sflag:$0x1] =	stream.indirect.gather [hbm4b:s21+s22], $0x1, s23, s22, $0xb8;
	[tilespmem:$0x14800] =	vst v63  }
.LBB2_17:
0x266: {  	_ =	swait.ge [sflag:s30], $0x2000;
	s0 =	simm.s32 $0x1000  }
0x267: {  	s3 =	simm.s32 $0x0;
	s5 =	simm.s32 $0xAA00;
	[sflag:s30] =	ssyncset.done $0x0  }
0x268: {  	s6 =	simm.s32 $0x7A00;
	s7 =	simm.s32 $0x0;
	[sflag:s30] =	ssyncadd.s32 $0xFFFFE000  }
.LBB2_18:
0x269: {  	v12 =	vld [tilespmem:s5+$0xFFFFF800]  }
0x26a: {  	v13 =	vld [tilespmem:s5+$0xFFFFFA00]  }
0x26b: {  	v14 =	vld [tilespmem:s5+$0xFFFFFC00]  }
0x26c: {  	v15 =	vld [tilespmem:s5+$0xFFFFFE00]  }
0x26d: {  	v16 =	vld [tilespmem:s5+$0x0]  }
0x26e: {  	v17 =	vld [tilespmem:s5+$0x200];
	s24 =	sand.u32 $0x1F0, s3  }
0x26f: {  	v20 =	vld [tilespmem:s24+$0xB200]  }
0x270: {  	v21 =	vld [tilespmem:s24+$0xB400]  }
0x271: {  	v23 =	vld [tilespmem:s24+$0xB600]  }
0x272: {  	s11 =	sand.u32 $0x70, s3;
	s21 =	sand.u32 $0x300, s7;
	v26 =	vld [tilespmem:s24+$0xB800];
	v22 =	vshll.u32 v12, $0x10;
	v12 =	vand.u32 $0xFFFF0000, v12  }
0x273: {  	s22 =	sor.u32 s21, s11;
	v28 =	vld [tilespmem:s24+$0xBA00];
	v24 =	vshll.u32 v13, $0x10;
	v13 =	vand.u32 $0xFFFF0000, v13;
	v25 =	vshll.u32 v14, $0x10  }
0x274: {  	v8 =	vld [tilespmem:s22+$0x1280];
	v14 =	vand.u32 $0xFFFF0000, v14;
	v27 =	vshll.u32 v15, $0x10;
	v15 =	vand.u32 $0xFFFF0000, v15  }
0x275: {  	v31 =	vld [tilespmem:s24+$0xBC00];
	v29 =	vshll.u32 v16, $0x10;
	v16 =	vand.u32 $0xFFFF0000, v16;
	v30 =	vshll.u32 v17, $0x10  }
0x276: {  	v33 =	vld [tilespmem:s24+$0xBE00];
	v17 =	vand.u32 $0xFFFF0000, v17;
	v35 =	vshll.u32 v20, $0x10;
	v20 =	vand.u32 $0xFFFF0000, v20  }
0x277: {  	v37 =	vld [tilespmem:s24+$0xC000];
	v36 =	vshll.u32 v21, $0x10;
	v21 =	vand.u32 $0xFFFF0000, v21;
	v38 =	vshll.u32 v23, $0x10  }
0x278: {  	v23 =	vand.u32 $0xFFFF0000, v23;
	v39 =	vshll.u32 v26, $0x10;
	v26 =	vand.u32 $0xFFFF0000, v26  }
0x279: {  	v40 =	vshll.u32 v28, $0x10;
	v28 =	vand.u32 $0xFFFF0000, v28;
	v35 =	vmul.f32 v35, v8  }
0x27a: {  	v41 =	vshll.u32 v31, $0x10;
	v36 =	vmul.f32 v36, v8;
	v38 =	vmul.f32 v38, v8  }
0x27b: {  	v42 =	vshll.u32 v33, $0x10;
	v61 =	vmul.f32 v39, v8;
	v62 =	vmul.f32 v40, v8  }
0x27c: {  	v18 =	vld [tilespmem:s5+$0x400];
	v43 =	vshll.u32 v37, $0x10;
	v63 =	vmul.f32 v41, v8;
	v40 =	vmul.f32 v42, v8  }
0x27d: {  	s1 =	sand.u32 $0x1C00, s0;
	s2 =	sadd.s32 $0x1000, s0;
	v31 =	vand.u32 $0xFFFF0000, v31;
	v41 =	vmul.f32 v43, v8;
	v20 =	vmul.f32 v20, v8  }
0x27e: {  	v19 =	vld [tilespmem:s5+$0x600];
	s1 =	sshrl.u32 s1, $0x2;
	s2 =	sand.u32 $0x2C00, s2;
	v33 =	vand.u32 $0xFFFF0000, v33;
	v21 =	vmul.f32 v21, v8;
	v23 =	vmul.f32 v23, v8  }
0x27f: {  	s1 =	sor.u32 s11, s1;
	s2 =	sshrl.u32 s2, $0x2;
	v11 =	vsub.f32 $1.000000000e+00, v8;
	v42 =	vmul.f32 v26, v8;
	v43 =	vmul.f32 v28, v8  }
0x280: {  	v5 =	vld [tilespmem:s1+$0x1280];
	s2 =	sor.u32 s11, s2;
	v37 =	vand.u32 $0xFFFF0000, v37;
	v44 =	vmul.f32 v31, v8;
	v45 =	vmul.f32 v33, v8  }
0x281: {  	v4 =	vld [tilespmem:s2+$0x1280];
	v32 =	vshll.u32 v18, $0x10;
	v47 =	vmul.f32 v37, v8;
	v22 =	vmul.f32 v22, v11  }
0x282: {  	v18 =	vand.u32 $0xFFFF0000, v18;
	v24 =	vmul.f32 v24, v11;
	v25 =	vmul.f32 v25, v11  }
0x283: {  	v34 =	vshll.u32 v19, $0x10;
	v27 =	vmul.f32 v27, v11;
	v29 =	vmul.f32 v29, v11  }
0x284: {  	v19 =	vand.u32 $0xFFFF0000, v19;
	v30 =	vmul.f32 v30, v11;
	v32 =	vmul.f32 v32, v11  }
0x285: {  	v46 =	vld [tilespmem:s6+$0xFFFFF800];
	v9 =	vsub.f32 $1.000000000e+00, v5;
	v34 =	vmul.f32 v34, v11;
	v12 =	vmul.f32 v12, v11  }
0x286: {  	v53 =	vld [tilespmem:s6+$0xFFFFFE00];
	v7 =	vsub.f32 $1.000000000e+00, v4;
	v13 =	vmul.f32 v13, v11;
	v14 =	vmul.f32 v14, v11  }
0x287: {  	v56 =	vld [tilespmem:s6+$0x0];
	v15 =	vmul.f32 v15, v11;
	v22 =	vadd.f32 v35, v22;
	v24 =	vadd.f32 v36, v24  }
0x288: {  	s10 =	sadd.s32 $0x2000, s0;
	v16 =	vmul.f32 v16, v11;
	v25 =	vadd.f32 v38, v25;
	v27 =	vadd.f32 v61, v27  }
0x289: {  	v48 =	vld [tilespmem:s6+$0xFFFFFA00];
	s13 =	sand.u32 $0x3C00, s10;
	v17 =	vmul.f32 v17, v11;
	v29 =	vadd.f32 v62, v29;
	v30 =	vadd.f32 v63, v30  }
0x28a: {  	v59 =	vld [tilespmem:s6+$0x200];
	s23 =	sshrl.u32 s13, $0x2;
	v18 =	vmul.f32 v18, v11;
	v32 =	vadd.f32 v40, v32;
	v34 =	vadd.f32 v41, v34  }
0x28b: {  	v60 =	vld [tilespmem:s6+$0x400];
	s1 =	sor.u32 s11, s23;
	v19 =	vmul.f32 v19, v11;
	v12 =	vadd.f32 v20, v12;
	v13 =	vadd.f32 v21, v13  }
0x28c: {  	v6 =	vld [tilespmem:s1+$0x1280];
	v14 =	vadd.f32 v23, v14;
	v22 =	vmul.f32 v22, v9;
	v49 =	vmul.f32 v29, v5  }
0x28d: {  	v26 =	vld.idx.msk [tilespmem:v46+s18+$0x0], $0xffff;
	v15 =	vadd.f32 v42, v15;
	v51 =	vmul.f32 v24, v9;
	v52 =	vmul.f32 v30, v5  }
0x28e: {  	v37 =	vld.idx.msk [tilespmem:v53+s18+$0x0], $0xffff;
	v16 =	vadd.f32 v43, v16;
	v54 =	vmul.f32 v25, v9;
	v55 =	vmul.f32 v32, v5  }
0x28f: {  	v39 =	vld.idx.msk [tilespmem:v56+s18+$0x0], $0xffff;
	v17 =	vadd.f32 v44, v17;
	v57 =	vmul.f32 v27, v9;
	v58 =	vmul.f32 v34, v5  }
0x290: {  	v18 =	vadd.f32 v45, v18;
	v12 =	vmul.f32 v12, v9;
	v16 =	vmul.f32 v16, v5  }
0x291: {  	v19 =	vadd.f32 v47, v19;
	v13 =	vmul.f32 v13, v9;
	v17 =	vmul.f32 v17, v5  }
0x292: {  	v10 =	vsub.f32 $1.000000000e+00, v6;
	v14 =	vmul.f32 v14, v9;
	v18 =	vmul.f32 v18, v5  }
0x293: {  	v50 =	vld [tilespmem:s6+$0xFFFFFC00];
	v15 =	vmul.f32 v15, v9;
	v62 =	vmul.f32 v19, v5;
	v42 =	vshll.u32 v26, $0x10  }
0x294: {  	v63 =	vld.idx.msk [tilespmem:v48+s18+$0x0], $0xffff;
	v26 =	vand.u32 $0xFFFF0000, v26;
	v45 =	vshll.u32 v37, $0x10;
	v46 =	vshll.u32 v39, $0x10  }
0x295: {  	v61 =	vld [tilespmem:s6+$0x600];
	v24 =	vmul.f32 v42, v11;
	v30 =	vmul.f32 v46, v8;
	v22 =	vadd.f32 v49, v22  }
0x296: {  	v40 =	vld.idx.msk [tilespmem:v59+s18+$0x0], $0xffff;
	v29 =	vmul.f32 v45, v11;
	v20 =	vadd.f32 v52, v51;
	v21 =	vadd.f32 v55, v54  }
0x297: {  	v41 =	vld.idx.msk [tilespmem:v60+s18+$0x0], $0xffff;
	v26 =	vmul.f32 v26, v11;
	v23 =	vadd.f32 v58, v57;
	v12 =	vadd.f32 v16, v12  }
0x298: {  	v13 =	vadd.f32 v17, v13;
	v14 =	vadd.f32 v18, v14;
	v17 =	vand.u32 $0xFFFF0000, v39  }
0x299: {  	v15 =	vadd.f32 v62, v15;
	v43 =	vshll.u32 v63, $0x10;
	v17 =	vmul.f32 v17, v8  }
0x29a: {  	v19 =	vand.u32 $0xFFFF0000, v63;
	v33 =	vmul.f32 v22, v7;
	v21 =	vmul.f32 v21, v4  }
0x29b: {  	v34 =	vld.idx.msk [tilespmem:v50+s18+$0x0], $0xffff;
	v47 =	vshll.u32 v40, $0x10;
	v35 =	vmul.f32 v20, v7;
	v36 =	vmul.f32 v23, v4  }
0x29c: {  	v48 =	vshll.u32 v41, $0x10;
	v12 =	vmul.f32 v12, v7;
	v14 =	vmul.f32 v14, v4  }
0x29d: {  	v24 =	vadd.f32 v30, v24;
	v13 =	vmul.f32 v13, v7;
	v15 =	vmul.f32 v15, v4  }
0x29e: {  	v23 =	vand.u32 $0xFFFF0000, v37;
	v27 =	vmul.f32 v43, v11;
	v31 =	vmul.f32 v47, v8  }
0x29f: {  	v20 =	vand.u32 $0xFFFF0000, v40;
	v50 =	vmul.f32 v48, v8;
	v19 =	vmul.f32 v19, v11;
	v25 =	vld.idx.msk [tilespmem:v61+s18+$0x0], $0xffff  }
0x2a0: {  	v44 =	vshll.u32 v34, $0x10;
	v22 =	vand.u32 $0xFFFF0000, v34;
	v20 =	vmul.f32 v20, v8  }
0x2a1: {  	v17 =	vadd.f32 v17, v26;
	v53 =	vmul.f32 v24, v9;
	v38 =	vadd.f32 v21, v33  }
0x2a2: {  	v18 =	vadd.f32 v36, v35;
	v21 =	vand.u32 $0xFFFF0000, v41;
	v28 =	vmul.f32 v44, v11  }
0x2a3: {  	v27 =	vadd.f32 v31, v27;
	v22 =	vmul.f32 v22, v11;
	v11 =	vmul.f32 v23, v11  }
0x2a4: {  	v21 =	vmul.f32 v21, v8;
	v57 =	vmul.f32 v17, v9;
	v49 =	vshll.u32 v25, $0x10  }
0x2a5: {  	v16 =	vmul.f32 v38, v10;
	v25 =	vand.u32 $0xFFFF0000, v25;
	v51 =	vmul.f32 v49, v8  }
0x2a6: {  	v19 =	vadd.f32 v20, v19;
	v18 =	vmul.f32 v18, v6;
	v8 =	vmul.f32 v25, v8  }
0x2a7: {  	v28 =	vadd.f32 v50, v28;
	v55 =	vmul.f32 v27, v9;
	v29 =	vadd.f32 v51, v29  }
0x2a8: {  	v52 =	vadd.f32 v21, v22;
	v9 =	vmul.f32 v19, v9;
	v8 =	vadd.f32 v8, v11  }
0x2a9: {  	v12 =	vadd.f32 v14, v12;
	v54 =	vmul.f32 v28, v5;
	v56 =	vmul.f32 v29, v5  }
0x2aa: {  	v13 =	vadd.f32 v15, v13;
	v58 =	vmul.f32 v52, v5;
	v5 =	vmul.f32 v8, v5  }
0x2ab: {  	v59 =	vmul.f32 v12, v10;
	v60 =	vadd.f32 v54, v53;
	v11 =	vadd.f32 v56, v55  }
0x2ac: {  	v6 =	vmul.f32 v13, v6;
	v61 =	vadd.f32 v58, v57;
	v5 =	vadd.f32 v5, v9  }
0x2ad: {  	v62 =	vmul.f32 v60, v7;
	v63 =	vmul.f32 v11, v4  }
0x2ae: {  	v7 =	vmul.f32 v61, v7;
	v4 =	vmul.f32 v5, v4  }
0x2af: {  	p0 =	sne.s32 s0, $0x1F80;
	v5 =	vadd.f32 v18, v16;
	v9 =	vadd.f32 v63, v62  }
.Ltmp7:
0x2b0: {  	v6 =	vadd.f32 v6, v59;
	v4 =	vadd.f32 v4, v7;
	(pc) =	sbr.rel @p0 .LBB2_18-.Ltmp7, $4  }
0x2b1: {  	v5 =	vadd.f32 v9, v5  }
0x2b2: {  	v4 =	vadd.f32 v4, v6  }
0x2b3: {  	s7 =	sadd.s32 $0x20, s7;
	s3 =	sadd.s32 $0x10, s3;
	[tilespmem:s22+$0x14200] =	vst v5  }
0x2b4: {  	s5 =	sadd.s32 $0x10, s5;
	s0 =	sadd.s32 $0x80, s0;
	s6 =	sadd.s32 $0x10, s6;
	[tilespmem:s22+$0x14280] =	vst v4  }
0x2b5: {  	s14 =	sadd.s32 $0x1, s14  }
0x2b6: {  	s0 =	sshll.u32 s31, $0xB;
	p0 =	sne.s32 s14, $0x8  }
.Ltmp8:
0x2b7: {  	s0 =	sadd.s32 s0, s4;
	(pc) =	sbr.rel @p0 .LBB2_9-.Ltmp8, $4  }
0x2b8: {  	[hbm4b:s0+s26] =	stream.strided.scatter [tilespmem:s29], [sflag:$0x3], $0x400, s28, s26, $0x38;
	[tilespmem:$0x14800] =	vst v63  }
0x2b9: {  	_ =	swait.ge [sflag:s15], $0x400  }
0x2ba: {  	[sflag:s15] =	ssyncset.done $0x0  }
0x2bb: {  	[sflag:s15] =	ssyncadd.s32 $0xFFFFFC00  }
0x2bc: {  	s23 =	rddreg [dreg:$0xc]  }
0x2bd: {  	s23 =	sadd.s32 $0x1, s23  }
0x2be: {  	p0 =	sne.s32 s23, $0x10  }
.Ltmp9:
0x2bf: {  	_ = 	snop;
	(pc) =	sbr.rel @p0 .LBB2_6-.Ltmp9, $2  }
0x2c0: {  	_ =	sdelay $0x2  }
0x2c1: {  	s2 =	simm.s32 $0x0  }
0x2c2: {  	s1 =	rddreg [dreg:$0xb]  }
0x2c3: {  	s0 =	rddreg [dreg:$0xa];
	s1 =	sadd.s32 $0x1, s1  }
0x2c4: {  	p0 =	sne.s32 s1, s0  }
.Ltmp10:
0x2c5: {  	_ = 	snop;
	(pc) =	sbr.rel @p0 .LBB2_1-.Ltmp10, $3  }
0x2c6: {  	_ =	sdelay $0x1  }
0x2c7: {  	s10 =	rddreg [dreg:$0x5]  }
0x2c8: {  	s11 =	rddreg [dreg:$0x7];
	s13 =	simm.s32 $0x14600  }
0x2c9: {  	_ =	sfence.sel $0x180000  }
0x2ca: {  	[bflag:$0x0] =	sbarrier.arrive $0xFFFF  }
0x2cb: {  	_ =	strace $0x90000047  }
0x2cc: {  	s0 =	stileid.u32;
	[bflag:$0x2] =	sbarrier.arrive $0xFFFF  }
0x2cd: {  	p0 =	sne.s32 s0, $0x0;
	s0 =	rddreg [dreg:$0x6]  }
0x2ce: {  	s0 =	sadd.s32 @!p0 $0x100000, s0  }
0x2cf: {  	[sflag:s0] =	ssyncadd.tile.s32 @!p0 $0x1;
	_ =	shalt  }
.Lfunc_end2:
_tile_overlayer_lowered:
.L_overlay_start_2:
0x2d0: {  	(tag) =	ssettag $0x2  }
0x2d1: {  	s0 =	rddreg [dreg:$0x0];
	s2 =	stileid.u32  }
0x2d2: {  	s1 =	rddreg [dreg:$0x1];
	p0 =	sne.s32 s2, $0x0  }
0x2d3: {  	s3 =	rddreg [dreg:$0x2];
	[bflag:$0x3] =	sbarrier.arrive $0xFFFF;
	s2 =	simm.s32 @!p0 $0x1C03  }
0x2d4: {  	[timem:s3], [sflag:s2] =	dma.local @!p0 [hbm:s0], s1  }
0x2d5: {  	s0 =	simm.s32 @!p0 $0x3  }
0x2d6: {  	_ =	swait.ge @!p0 [sflag:s0], s1  }
0x2d7: {  	s1 =	ssub.s32 @!p0 $0x0, s1;
	[sflag:s0] =	ssyncset.done @!p0 $0x0  }
0x2d8: {  	[sflag:s0] =	ssyncadd.s32 @!p0 s1  }
0x2d9: {  	[bflag:$0x3] =	sbarrier.arrive $0xFFFF  }
0x2da: {  	_ =	shalt  }

</sc_bundles>
